<compile_context>
chip_gen: v7x
topology: tpu7x:2x2x1
jax: 0.10.2.dev20260603
libtpu: 0.0.44.dev20260713+nightly
codegen_flags: <defaults>
</compile_context>

<pallas_src>
import jax
import jax.numpy as jnp
from jax import lax
from jax.experimental import pallas as pl
from jax.experimental.pallas import tpu as pltpu
from jax.experimental.pallas import tpu_sc as plsc

D_MODEL = 1024
MAX_LEN = 2048
BATCH = 4

NC = 2
NS = 16
NW = NC * NS

T_PER_W = MAX_LEN // NW
C = 16
CHUNKS = T_PER_W // C
GROUPS = C * D_MODEL // 16
JPR = D_MODEL // 16
NBLK = CHUNKS * BATCH


def _pe_add_kernel(x_hbm, pe_hbm, out_hbm,
                   xb0, xb1, yb0, yb1, pb0, pb1,
                   sx0, sx1, sy0, sy1, sp0, sp1):
    wid = lax.axis_index("s") * NC + lax.axis_index("c")
    t_base = wid * T_PER_W

    xb = [xb0, xb1]
    yb = [yb0, yb1]
    pb = [pb0, pb1]
    sx = [sx0, sx1]
    sy = [sy0, sy1]
    sp = [sp0, sp1]

    def xsl(k):
        c, b = divmod(k, BATCH)
        return (b, pl.ds(t_base + c * C, C), slice(None))

    pe_wait = [None] * CHUNKS
    x_wait = [None] * NBLK
    y_wait = [None] * NBLK
    pe_wait[0] = pltpu.async_copy(
        pe_hbm.at[pl.ds(t_base, C), 0, :], pb[0], sp[0])
    x_wait[0] = pltpu.async_copy(x_hbm.at[xsl(0)], xb[0], sx[0])

    def run_fma(xbuf, ybuf, pbuf):
        @plsc.parallel_loop(0, GROUPS, unroll=8)
        def _(i):
            sl = (i // JPR, pl.ds((i % JPR) * 16, 16))
            ybuf[sl] = xbuf[sl] + pbuf[sl] * 0.002

    for k in range(NBLK):
        c, b = divmod(k, BATCH)
        if b == 0 and c + 1 < CHUNKS:
            pe_wait[c + 1] = pltpu.async_copy(
                pe_hbm.at[pl.ds(t_base + (c + 1) * C, C), 0, :],
                pb[(c + 1) % 2], sp[(c + 1) % 2])
        if k + 1 < NBLK:
            x_wait[k + 1] = pltpu.async_copy(
                x_hbm.at[xsl(k + 1)], xb[(k + 1) % 2], sx[(k + 1) % 2])
        if b == 0:
            pe_wait[c].wait()
        x_wait[k].wait()
        if k >= 2:
            y_wait[k - 2].wait()
        run_fma(xb[k % 2], yb[k % 2], pb[c % 2])
        y_wait[k] = pltpu.async_copy(yb[k % 2], out_hbm.at[xsl(k)], sy[k % 2])

    y_wait[NBLK - 2].wait()
    y_wait[NBLK - 1].wait()


@jax.jit
def _pe_add(x, pe):
    mesh = plsc.VectorSubcoreMesh(core_axis_name="c", subcore_axis_name="s")
    return pl.kernel(
        _pe_add_kernel,
        out_type=jax.ShapeDtypeStruct((BATCH, MAX_LEN, D_MODEL), jnp.float32),
        mesh=mesh,
        scratch_types=[pltpu.VMEM((C, D_MODEL), jnp.float32)] * 6
        + [pltpu.SemaphoreType.DMA] * 6,
        compiler_params=pltpu.CompilerParams(use_tc_tiling_on_sc=True),
    )(x, pe)


def kernel(x, pe):
    return _pe_add(x, pe)

# --- scband reference (transcript-rebuilt; emitter-appended) ---
"""Pipeline reference for scband-positional-encoding-30743375905445 (READ-ONLY COPY).

The authoritative reference and input builder live on the scoring server;
editing this copy changes nothing except your own understanding.
"""

import math
import jax, jax.numpy as jnp
import numpy as np

D_MODEL = 1024
MAX_LEN = 2048
BATCH = 4


def _make_pe(d_model=D_MODEL, max_len=MAX_LEN):
    position = np.arange(max_len, dtype=np.float32)[:, None]
    div_term = np.exp(np.arange(0, d_model, 2, dtype=np.float32) * (-math.log(10000.0) / d_model))
    pe = np.zeros((max_len + 1, 1, d_model), dtype=np.float32)
    pe[1:, 0, 0::2] = np.sin(position * div_term)
    pe[1:, 0, 1::2] = np.cos(position * div_term)
    return jnp.asarray(pe)


def setup_inputs(seed: int = 0) -> dict:
    key = jax.random.key(seed)
    x = jax.random.normal(key, (BATCH, MAX_LEN, D_MODEL), dtype=jnp.float32)
    pe = _make_pe()
    return {"x": x, "pe": pe}


def reference(x, pe):
    bz, lens, _ = x.shape
    # sec_pos_label = arange(max_len).unsqueeze(0).repeat(bz, 1)
    sec_pos_label = jnp.broadcast_to(jnp.arange(lens, dtype=jnp.int32)[None, :], (bz, lens))
    # gather: pe[sec_pos_label, 0, :] -> [bz, lens, d_model]
    gathered = pe[sec_pos_label, 0, :]
    x = x + gathered * 0.001
    x = x + gathered * 0.001  # the original forward adds the PE term twice
    # F.dropout treated as identity (deterministic eval-mode reference)
    return x

if __name__ == "__main__":
    import jax
    _d = setup_inputs()
    print(jax.jit(kernel)(*tuple(_d.values())))

</pallas_src>

<mosaic_0001>
#map = affine_map<(d0, d1) -> (0, 0, 0)>
module attributes {stable_mosaic.version = 14 : i64} {
  func.func @_pe_add_kernel(%arg0: i32, %arg1: i32, %arg2: memref<4x2048x1024xf32, #tpu.memory_space<hbm>>, %arg3: memref<2049x1x1024xf32, #tpu.memory_space<hbm>>, %arg4: memref<4x2048x1024xf32, #tpu.memory_space<hbm>>, %arg5: memref<16x1024xf32, #tpu.memory_space<vmem>>, %arg6: memref<16x1024xf32, #tpu.memory_space<vmem>>, %arg7: memref<16x1024xf32, #tpu.memory_space<vmem>>, %arg8: memref<16x1024xf32, #tpu.memory_space<vmem>>, %arg9: memref<16x1024xf32, #tpu.memory_space<vmem>>, %arg10: memref<16x1024xf32, #tpu.memory_space<vmem>>, %arg11: memref<!tpu.dma_semaphore, #tpu.memory_space<semaphore_mem>>, %arg12: memref<!tpu.dma_semaphore, #tpu.memory_space<semaphore_mem>>, %arg13: memref<!tpu.dma_semaphore, #tpu.memory_space<semaphore_mem>>, %arg14: memref<!tpu.dma_semaphore, #tpu.memory_space<semaphore_mem>>, %arg15: memref<!tpu.dma_semaphore, #tpu.memory_space<semaphore_mem>>, %arg16: memref<!tpu.dma_semaphore, #tpu.memory_space<semaphore_mem>>) attributes {dimension_semantics = [#tpu.dimension_semantics<core_parallel>, #tpu.dimension_semantics<subcore_parallel>], iteration_bounds = array<i64: 2, 16>, scalar_prefetch = 0 : i64, scratch_operands = 12 : i64, tpu.core_type = #tpu.core_type<sc_vector_subcore>, window_params = [{transform_indices = #map}, {transform_indices = #map}, {transform_indices = #map}]} {
    %mul3A = arith.constant 2 : i32
    %mul3A_0 = arith.muli %arg1, %mul3A : i32
    %add3A = arith.addi %mul3A_0, %arg0 : i32
    %mul3A_1 = arith.constant 64 : i32
    %mul3A_2 = arith.muli %add3A, %mul3A_1 : i32
    %dma_start3A = arith.constant 0 : i32
    %dma_start3A_3 = arith.constant 0 : i32
    %dma_start3A_4 = tpu.memref_slice %arg3[%mul3A_2, %dma_start3A, %dma_start3A_3] : memref<2049x1x1024xf32, #tpu.memory_space<hbm>> -> memref<16x1x1024xf32, #tpu.memory_space<hbm>>
    %dma_start3A_5 = tpu.memref_squeeze %dma_start3A_4 : memref<16x1x1024xf32, #tpu.memory_space<hbm>> -> memref<16x1024xf32, #tpu.memory_space<hbm>>
    %dma_start3A_6 = arith.constant 0 : i32
    %dma_start3A_7 = tpu.memref_slice %arg3[%mul3A_2, %dma_start3A, %dma_start3A_6] : memref<2049x1x1024xf32, #tpu.memory_space<hbm>> -> memref<16x1x1024xf32, #tpu.memory_space<hbm>>
    %dma_start3A_8 = tpu.memref_squeeze %dma_start3A_7 : memref<16x1x1024xf32, #tpu.memory_space<hbm>> -> memref<16x1024xf32, #tpu.memory_space<hbm>>
    tpu.enqueue_dma source(%dma_start3A_8 : memref<16x1024xf32, #tpu.memory_space<hbm>>) target(%arg9 : memref<16x1024xf32, #tpu.memory_space<vmem>>) target_semaphore(%arg15 : memref<!tpu.dma_semaphore, #tpu.memory_space<semaphore_mem>>)
    %add3A_9 = arith.constant 0 : i32
    %add3A_10 = arith.addi %mul3A_2, %add3A_9 : i32
    %dma_start3A_11 = arith.constant 0 : i32
    %dma_start3A_12 = arith.constant 0 : i32
    %dma_start3A_13 = tpu.memref_slice %arg2[%dma_start3A_11, %add3A_10, %dma_start3A_12] : memref<4x2048x1024xf32, #tpu.memory_space<hbm>> -> memref<1x16x1024xf32, #tpu.memory_space<hbm>>
    %dma_start3A_14 = tpu.memref_squeeze %dma_start3A_13 : memref<1x16x1024xf32, #tpu.memory_space<hbm>> -> memref<16x1024xf32, #tpu.memory_space<hbm>>
    %dma_start3A_15 = arith.constant 0 : i32
    %dma_start3A_16 = tpu.memref_slice %arg2[%dma_start3A_11, %add3A_10, %dma_start3A_15] : memref<4x2048x1024xf32, #tpu.memory_space<hbm>> -> memref<1x16x1024xf32, #tpu.memory_space<hbm>>
    %dma_start3A_17 = tpu.memref_squeeze %dma_start3A_16 : memref<1x16x1024xf32, #tpu.memory_space<hbm>> -> memref<16x1024xf32, #tpu.memory_space<hbm>>
    tpu.enqueue_dma source(%dma_start3A_17 : memref<16x1024xf32, #tpu.memory_space<hbm>>) target(%arg5 : memref<16x1024xf32, #tpu.memory_space<vmem>>) target_semaphore(%arg11 : memref<!tpu.dma_semaphore, #tpu.memory_space<semaphore_mem>>)
    %add3A_18 = arith.constant 16 : i32
    %add3A_19 = arith.addi %mul3A_2, %add3A_18 : i32
    %dma_start3A_20 = arith.constant 0 : i32
    %dma_start3A_21 = arith.constant 0 : i32
    %dma_start3A_22 = tpu.memref_slice %arg3[%add3A_19, %dma_start3A_20, %dma_start3A_21] : memref<2049x1x1024xf32, #tpu.memory_space<hbm>> -> memref<16x1x1024xf32, #tpu.memory_space<hbm>>
    %dma_start3A_23 = tpu.memref_squeeze %dma_start3A_22 : memref<16x1x1024xf32, #tpu.memory_space<hbm>> -> memref<16x1024xf32, #tpu.memory_space<hbm>>
    %dma_start3A_24 = arith.constant 0 : i32
    %dma_start3A_25 = tpu.memref_slice %arg3[%add3A_19, %dma_start3A_20, %dma_start3A_24] : memref<2049x1x1024xf32, #tpu.memory_space<hbm>> -> memref<16x1x1024xf32, #tpu.memory_space<hbm>>
    %dma_start3A_26 = tpu.memref_squeeze %dma_start3A_25 : memref<16x1x1024xf32, #tpu.memory_space<hbm>> -> memref<16x1024xf32, #tpu.memory_space<hbm>>
    tpu.enqueue_dma source(%dma_start3A_26 : memref<16x1024xf32, #tpu.memory_space<hbm>>) target(%arg10 : memref<16x1024xf32, #tpu.memory_space<vmem>>) target_semaphore(%arg16 : memref<!tpu.dma_semaphore, #tpu.memory_space<semaphore_mem>>)
    %add3A_27 = arith.constant 0 : i32
    %add3A_28 = arith.addi %mul3A_2, %add3A_27 : i32
    %dma_start3A_29 = arith.constant 1 : i32
    %dma_start3A_30 = arith.constant 0 : i32
    %dma_start3A_31 = tpu.memref_slice %arg2[%dma_start3A_29, %add3A_28, %dma_start3A_30] : memref<4x2048x1024xf32, #tpu.memory_space<hbm>> -> memref<1x16x1024xf32, #tpu.memory_space<hbm>>
    %dma_start3A_32 = tpu.memref_squeeze %dma_start3A_31 : memref<1x16x1024xf32, #tpu.memory_space<hbm>> -> memref<16x1024xf32, #tpu.memory_space<hbm>>
    %dma_start3A_33 = arith.constant 0 : i32
    %dma_start3A_34 = tpu.memref_slice %arg2[%dma_start3A_29, %add3A_28, %dma_start3A_33] : memref<4x2048x1024xf32, #tpu.memory_space<hbm>> -> memref<1x16x1024xf32, #tpu.memory_space<hbm>>
    %dma_start3A_35 = tpu.memref_squeeze %dma_start3A_34 : memref<1x16x1024xf32, #tpu.memory_space<hbm>> -> memref<16x1024xf32, #tpu.memory_space<hbm>>
    tpu.enqueue_dma source(%dma_start3A_35 : memref<16x1024xf32, #tpu.memory_space<hbm>>) target(%arg6 : memref<16x1024xf32, #tpu.memory_space<vmem>>) target_semaphore(%arg12 : memref<!tpu.dma_semaphore, #tpu.memory_space<semaphore_mem>>)
    %dma_wait3A = arith.constant 0 : i32
    %dma_wait3A_36 = arith.constant 0 : i32
    %dma_wait3A_37 = tpu.memref_slice %arg3[%mul3A_2, %dma_wait3A, %dma_wait3A_36] : memref<2049x1x1024xf32, #tpu.memory_space<hbm>> -> memref<16x1x1024xf32, #tpu.memory_space<hbm>>
    %dma_wait3A_38 = tpu.memref_squeeze %dma_wait3A_37 : memref<16x1x1024xf32, #tpu.memory_space<hbm>> -> memref<16x1024xf32, #tpu.memory_space<hbm>>
    %dma_wait3A_39 = arith.constant 0 : i32
    %dma_wait3A_40 = tpu.memref_slice %arg3[%mul3A_2, %dma_wait3A, %dma_wait3A_39] : memref<2049x1x1024xf32, #tpu.memory_space<hbm>> -> memref<16x1x1024xf32, #tpu.memory_space<hbm>>
    %dma_wait3A_41 = tpu.memref_squeeze %dma_wait3A_40 : memref<16x1x1024xf32, #tpu.memory_space<hbm>> -> memref<16x1024xf32, #tpu.memory_space<hbm>>
    tpu.wait_dma2 semaphore(%arg15 : memref<!tpu.dma_semaphore, #tpu.memory_space<semaphore_mem>>) src(%dma_wait3A_41 : memref<16x1024xf32, #tpu.memory_space<hbm>>) dst(%arg9 : memref<16x1024xf32, #tpu.memory_space<vmem>>)
    %dma_wait3A_42 = arith.constant 0 : i32
    %dma_wait3A_43 = arith.constant 0 : i32
    %dma_wait3A_44 = tpu.memref_slice %arg2[%dma_wait3A_42, %add3A_10, %dma_wait3A_43] : memref<4x2048x1024xf32, #tpu.memory_space<hbm>> -> memref<1x16x1024xf32, #tpu.memory_space<hbm>>
    %dma_wait3A_45 = tpu.memref_squeeze %dma_wait3A_44 : memref<1x16x1024xf32, #tpu.memory_space<hbm>> -> memref<16x1024xf32, #tpu.memory_space<hbm>>
    %dma_wait3A_46 = arith.constant 0 : i32
    %dma_wait3A_47 = tpu.memref_slice %arg2[%dma_wait3A_42, %add3A_10, %dma_wait3A_46] : memref<4x2048x1024xf32, #tpu.memory_space<hbm>> -> memref<1x16x1024xf32, #tpu.memory_space<hbm>>
    %dma_wait3A_48 = tpu.memref_squeeze %dma_wait3A_47 : memref<1x16x1024xf32, #tpu.memory_space<hbm>> -> memref<16x1024xf32, #tpu.memory_space<hbm>>
    tpu.wait_dma2 semaphore(%arg11 : memref<!tpu.dma_semaphore, #tpu.memory_space<semaphore_mem>>) src(%dma_wait3A_48 : memref<16x1024xf32, #tpu.memory_space<hbm>>) dst(%arg5 : memref<16x1024xf32, #tpu.memory_space<vmem>>)
    %parallel_loop3A = arith.constant 0 : i32
    %parallel_loop3A_49 = arith.constant 1024 : i32
    %parallel_loop3A_50 = arith.constant 1 : i32
    scf.for %parallel_loop3A_622 = %parallel_loop3A to %parallel_loop3A_49 step %parallel_loop3A_50  : i32 {
      %parallel_loop3A_623 = arith.constant 64 : i32
      %parallel_loop3A_624 = arith.divsi %parallel_loop3A_622, %parallel_loop3A_623 : i32
      %parallel_loop3A_625 = arith.constant 0 : i32
      %parallel_loop3A_626 = arith.cmpi sgt, %parallel_loop3A_622, %parallel_loop3A_625 : i32
      %parallel_loop3A_627 = arith.extui %parallel_loop3A_626 : i1 to i32
      %parallel_loop3A_628 = arith.constant 0 : i32
      %parallel_loop3A_629 = arith.cmpi slt, %parallel_loop3A_622, %parallel_loop3A_628 : i32
      %parallel_loop3A_630 = arith.extui %parallel_loop3A_629 : i1 to i32
      %parallel_loop3A_631 = arith.subi %parallel_loop3A_627, %parallel_loop3A_630 : i32
      %parallel_loop3A_632 = arith.constant 0 : i32
      %parallel_loop3A_633 = arith.cmpi sgt, %parallel_loop3A_623, %parallel_loop3A_632 : i32
      %parallel_loop3A_634 = arith.extui %parallel_loop3A_633 : i1 to i32
      %parallel_loop3A_635 = arith.constant 0 : i32
      %parallel_loop3A_636 = arith.cmpi slt, %parallel_loop3A_623, %parallel_loop3A_635 : i32
      %parallel_loop3A_637 = arith.extui %parallel_loop3A_636 : i1 to i32
      %parallel_loop3A_638 = arith.subi %parallel_loop3A_634, %parallel_loop3A_637 : i32
      %parallel_loop3A_639 = arith.cmpi ne, %parallel_loop3A_631, %parallel_loop3A_638 : i32
      %parallel_loop3A_640 = arith.remsi %parallel_loop3A_622, %parallel_loop3A_623 : i32
      %parallel_loop3A_641 = arith.constant 0 : i32
      %parallel_loop3A_642 = arith.cmpi ne, %parallel_loop3A_640, %parallel_loop3A_641 : i32
      %parallel_loop3A_643 = arith.andi %parallel_loop3A_639, %parallel_loop3A_642 : i1
      %parallel_loop3A_644 = arith.constant 1 : i32
      %parallel_loop3A_645 = arith.subi %parallel_loop3A_624, %parallel_loop3A_644 : i32
      %parallel_loop3A_646 = arith.select %parallel_loop3A_643, %parallel_loop3A_645, %parallel_loop3A_624 : i32
      %parallel_loop3A_647 = arith.constant 64 : i32
      %parallel_loop3A_648 = arith.constant 0 : i32
      %parallel_loop3A_649 = arith.cmpi eq, %parallel_loop3A_647, %parallel_loop3A_648 : i32
      %parallel_loop3A_650 = arith.constant 1 : i32
      %parallel_loop3A_651 = arith.select %parallel_loop3A_649, %parallel_loop3A_650, %parallel_loop3A_647 : i32
      %parallel_loop3A_652 = arith.remsi %parallel_loop3A_622, %parallel_loop3A_651 : i32
      %parallel_loop3A_653 = arith.constant 0 : i32
      %parallel_loop3A_654 = arith.cmpi ne, %parallel_loop3A_652, %parallel_loop3A_653 : i32
      %parallel_loop3A_655 = arith.constant 0 : i32
      %parallel_loop3A_656 = arith.cmpi slt, %parallel_loop3A_652, %parallel_loop3A_655 : i32
      %parallel_loop3A_657 = arith.constant 0 : i32
      %parallel_loop3A_658 = arith.cmpi slt, %parallel_loop3A_651, %parallel_loop3A_657 : i32
      %parallel_loop3A_659 = arith.xori %parallel_loop3A_656, %parallel_loop3A_658 : i1
      %parallel_loop3A_660 = arith.andi %parallel_loop3A_659, %parallel_loop3A_654 : i1
      %parallel_loop3A_661 = arith.addi %parallel_loop3A_652, %parallel_loop3A_651 : i32
      %parallel_loop3A_662 = arith.select %parallel_loop3A_660, %parallel_loop3A_661, %parallel_loop3A_652 : i32
      %parallel_loop3A_663 = arith.constant 16 : i32
      %parallel_loop3A_664 = arith.muli %parallel_loop3A_662, %parallel_loop3A_663 : i32
      %parallel_loop3A_665 = arith.index_cast %parallel_loop3A_646 : i32 to index
      %parallel_loop3A_666 = arith.index_cast %parallel_loop3A_664 : i32 to index
      %parallel_loop3A_667 = tpu.vector_load %arg5[%parallel_loop3A_665, %parallel_loop3A_666] {strides = array<i32>} : memref<16x1024xf32, #tpu.memory_space<vmem>>, vector<1x16xf32>,
      %parallel_loop3A_668 = vector.shape_cast %parallel_loop3A_667 : vector<1x16xf32> to vector<16xf32>
      %parallel_loop3A_669 = arith.index_cast %parallel_loop3A_646 : i32 to index
      %parallel_loop3A_670 = arith.index_cast %parallel_loop3A_664 : i32 to index
      %parallel_loop3A_671 = tpu.vector_load %arg9[%parallel_loop3A_669, %parallel_loop3A_670] {strides = array<i32>} : memref<16x1024xf32, #tpu.memory_space<vmem>>, vector<1x16xf32>,
      %parallel_loop3A_672 = vector.shape_cast %parallel_loop3A_671 : vector<1x16xf32> to vector<16xf32>
      %parallel_loop3A_673 = arith.constant 2.000000e-03 : f32
      %parallel_loop3A_674 = vector.broadcast %parallel_loop3A_673 : f32 to vector<16xf32>
      %parallel_loop3A_675 = arith.mulf %parallel_loop3A_672, %parallel_loop3A_674 : vector<16xf32>
      %parallel_loop3A_676 = arith.addf %parallel_loop3A_668, %parallel_loop3A_675 : vector<16xf32>
      %parallel_loop3A_677 = arith.index_cast %parallel_loop3A_646 : i32 to index
      %parallel_loop3A_678 = arith.index_cast %parallel_loop3A_664 : i32 to index
      %parallel_loop3A_679 = tpu.vector_load %arg7[%parallel_loop3A_677, %parallel_loop3A_678] {strides = array<i32>} : memref<16x1024xf32, #tpu.memory_space<vmem>>, vector<1x16xf32>,
      %parallel_loop3A_680 = vector.shape_cast %parallel_loop3A_679 : vector<1x16xf32> to vector<16xf32>
      %parallel_loop3A_681 = vector.shape_cast %parallel_loop3A_676 : vector<16xf32> to vector<1x16xf32>
      tpu.vector_store %arg7[%parallel_loop3A_677, %parallel_loop3A_678], %parallel_loop3A_681 {strides = array<i32>} : memref<16x1024xf32, #tpu.memory_space<vmem>>, vector<1x16xf32>,
    } {sc.loop_unroll_factor = 8 : i64, sc.parallel_access}
    %add3A_51 = arith.constant 0 : i32
    %add3A_52 = arith.addi %mul3A_2, %add3A_51 : i32
    %dma_start3A_53 = arith.constant 0 : i32
    %dma_start3A_54 = arith.constant 0 : i32
    %dma_start3A_55 = tpu.memref_slice %arg4[%dma_start3A_53, %add3A_52, %dma_start3A_54] : memref<4x2048x1024xf32, #tpu.memory_space<hbm>> -> memref<1x16x1024xf32, #tpu.memory_space<hbm>>
    %dma_start3A_56 = tpu.memref_squeeze %dma_start3A_55 : memref<1x16x1024xf32, #tpu.memory_space<hbm>> -> memref<16x1024xf32, #tpu.memory_space<hbm>>
    %dma_start3A_57 = arith.constant 0 : i32
    %dma_start3A_58 = tpu.memref_slice %arg4[%dma_start3A_53, %add3A_52, %dma_start3A_57] : memref<4x2048x1024xf32, #tpu.memory_space<hbm>> -> memref<1x16x1024xf32, #tpu.memory_space<hbm>>
    %dma_start3A_59 = tpu.memref_squeeze %dma_start3A_58 : memref<1x16x1024xf32, #tpu.memory_space<hbm>> -> memref<16x1024xf32, #tpu.memory_space<hbm>>
    tpu.enqueue_dma source(%arg7 : memref<16x1024xf32, #tpu.memory_space<vmem>>) target(%dma_start3A_59 : memref<16x1024xf32, #tpu.memory_space<hbm>>) target_semaphore(%arg13 : memref<!tpu.dma_semaphore, #tpu.memory_space<semaphore_mem>>)
    %add3A_60 = arith.constant 0 : i32
    %add3A_61 = arith.addi %mul3A_2, %add3A_60 : i32
    %dma_start3A_62 = arith.constant 2 : i32
    %dma_start3A_63 = arith.constant 0 : i32
    %dma_start3A_64 = tpu.memref_slice %arg2[%dma_start3A_62, %add3A_61, %dma_start3A_63] : memref<4x2048x1024xf32, #tpu.memory_space<hbm>> -> memref<1x16x1024xf32, #tpu.memory_space<hbm>>
    %dma_start3A_65 = tpu.memref_squeeze %dma_start3A_64 : memref<1x16x1024xf32, #tpu.memory_space<hbm>> -> memref<16x1024xf32, #tpu.memory_space<hbm>>
    %dma_start3A_66 = arith.constant 0 : i32
    %dma_start3A_67 = tpu.memref_slice %arg2[%dma_start3A_62, %add3A_61, %dma_start3A_66] : memref<4x2048x1024xf32, #tpu.memory_space<hbm>> -> memref<1x16x1024xf32, #tpu.memory_space<hbm>>
    %dma_start3A_68 = tpu.memref_squeeze %dma_start3A_67 : memref<1x16x1024xf32, #tpu.memory_space<hbm>> -> memref<16x1024xf32, #tpu.memory_space<hbm>>
    tpu.enqueue_dma source(%dma_start3A_68 : memref<16x1024xf32, #tpu.memory_space<hbm>>) target(%arg5 : memref<16x1024xf32, #tpu.memory_space<vmem>>) target_semaphore(%arg11 : memref<!tpu.dma_semaphore, #tpu.memory_space<semaphore_mem>>)
    %dma_wait3A_69 = arith.constant 1 : i32
    %dma_wait3A_70 = arith.constant 0 : i32
    %dma_wait3A_71 = tpu.memref_slice %arg2[%dma_wait3A_69, %add3A_28, %dma_wait3A_70] : memref<4x2048x1024xf32, #tpu.memory_space<hbm>> -> memref<1x16x1024xf32, #tpu.memory_space<hbm>>
    %dma_wait3A_72 = tpu.memref_squeeze %dma_wait3A_71 : memref<1x16x1024xf32, #tpu.memory_space<hbm>> -> memref<16x1024xf32, #tpu.memory_space<hbm>>
    %dma_wait3A_73 = arith.constant 0 : i32
    %dma_wait3A_74 = tpu.memref_slice %arg2[%dma_wait3A_69, %add3A_28, %dma_wait3A_73] : memref<4x2048x1024xf32, #tpu.memory_space<hbm>> -> memref<1x16x1024xf32, #tpu.memory_space<hbm>>
    %dma_wait3A_75 = tpu.memref_squeeze %dma_wait3A_74 : memref<1x16x1024xf32, #tpu.memory_space<hbm>> -> memref<16x1024xf32, #tpu.memory_space<hbm>>
    tpu.wait_dma2 semaphore(%arg12 : memref<!tpu.dma_semaphore, #tpu.memory_space<semaphore_mem>>) src(%dma_wait3A_75 : memref<16x1024xf32, #tpu.memory_space<hbm>>) dst(%arg6 : memref<16x1024xf32, #tpu.memory_space<vmem>>)
    %parallel_loop3A_76 = arith.constant 0 : i32
    %parallel_loop3A_77 = arith.constant 1024 : i32
    %parallel_loop3A_78 = arith.constant 1 : i32
    scf.for %parallel_loop3A_622 = %parallel_loop3A_76 to %parallel_loop3A_77 step %parallel_loop3A_78  : i32 {
      %parallel_loop3A_623 = arith.constant 64 : i32
      %parallel_loop3A_624 = arith.divsi %parallel_loop3A_622, %parallel_loop3A_623 : i32
      %parallel_loop3A_625 = arith.constant 0 : i32
      %parallel_loop3A_626 = arith.cmpi sgt, %parallel_loop3A_622, %parallel_loop3A_625 : i32
      %parallel_loop3A_627 = arith.extui %parallel_loop3A_626 : i1 to i32
      %parallel_loop3A_628 = arith.constant 0 : i32
      %parallel_loop3A_629 = arith.cmpi slt, %parallel_loop3A_622, %parallel_loop3A_628 : i32
      %parallel_loop3A_630 = arith.extui %parallel_loop3A_629 : i1 to i32
      %parallel_loop3A_631 = arith.subi %parallel_loop3A_627, %parallel_loop3A_630 : i32
      %parallel_loop3A_632 = arith.constant 0 : i32
      %parallel_loop3A_633 = arith.cmpi sgt, %parallel_loop3A_623, %parallel_loop3A_632 : i32
      %parallel_loop3A_634 = arith.extui %parallel_loop3A_633 : i1 to i32
      %parallel_loop3A_635 = arith.constant 0 : i32
      %parallel_loop3A_636 = arith.cmpi slt, %parallel_loop3A_623, %parallel_loop3A_635 : i32
      %parallel_loop3A_637 = arith.extui %parallel_loop3A_636 : i1 to i32
      %parallel_loop3A_638 = arith.subi %parallel_loop3A_634, %parallel_loop3A_637 : i32
      %parallel_loop3A_639 = arith.cmpi ne, %parallel_loop3A_631, %parallel_loop3A_638 : i32
      %parallel_loop3A_640 = arith.remsi %parallel_loop3A_622, %parallel_loop3A_623 : i32
      %parallel_loop3A_641 = arith.constant 0 : i32
      %parallel_loop3A_642 = arith.cmpi ne, %parallel_loop3A_640, %parallel_loop3A_641 : i32
      %parallel_loop3A_643 = arith.andi %parallel_loop3A_639, %parallel_loop3A_642 : i1
      %parallel_loop3A_644 = arith.constant 1 : i32
      %parallel_loop3A_645 = arith.subi %parallel_loop3A_624, %parallel_loop3A_644 : i32
      %parallel_loop3A_646 = arith.select %parallel_loop3A_643, %parallel_loop3A_645, %parallel_loop3A_624 : i32
      %parallel_loop3A_647 = arith.constant 64 : i32
      %parallel_loop3A_648 = arith.constant 0 : i32
      %parallel_loop3A_649 = arith.cmpi eq, %parallel_loop3A_647, %parallel_loop3A_648 : i32
      %parallel_loop3A_650 = arith.constant 1 : i32
      %parallel_loop3A_651 = arith.select %parallel_loop3A_649, %parallel_loop3A_650, %parallel_loop3A_647 : i32
      %parallel_loop3A_652 = arith.remsi %parallel_loop3A_622, %parallel_loop3A_651 : i32
      %parallel_loop3A_653 = arith.constant 0 : i32
      %parallel_loop3A_654 = arith.cmpi ne, %parallel_loop3A_652, %parallel_loop3A_653 : i32
      %parallel_loop3A_655 = arith.constant 0 : i32
      %parallel_loop3A_656 = arith.cmpi slt, %parallel_loop3A_652, %parallel_loop3A_655 : i32
      %parallel_loop3A_657 = arith.constant 0 : i32
      %parallel_loop3A_658 = arith.cmpi slt, %parallel_loop3A_651, %parallel_loop3A_657 : i32
      %parallel_loop3A_659 = arith.xori %parallel_loop3A_656, %parallel_loop3A_658 : i1
      %parallel_loop3A_660 = arith.andi %parallel_loop3A_659, %parallel_loop3A_654 : i1
      %parallel_loop3A_661 = arith.addi %parallel_loop3A_652, %parallel_loop3A_651 : i32
      %parallel_loop3A_662 = arith.select %parallel_loop3A_660, %parallel_loop3A_661, %parallel_loop3A_652 : i32
      %parallel_loop3A_663 = arith.constant 16 : i32
      %parallel_loop3A_664 = arith.muli %parallel_loop3A_662, %parallel_loop3A_663 : i32
      %parallel_loop3A_665 = arith.index_cast %parallel_loop3A_646 : i32 to index
      %parallel_loop3A_666 = arith.index_cast %parallel_loop3A_664 : i32 to index
      %parallel_loop3A_667 = tpu.vector_load %arg6[%parallel_loop3A_665, %parallel_loop3A_666] {strides = array<i32>} : memref<16x1024xf32, #tpu.memory_space<vmem>>, vector<1x16xf32>,
      %parallel_loop3A_668 = vector.shape_cast %parallel_loop3A_667 : vector<1x16xf32> to vector<16xf32>
      %parallel_loop3A_669 = arith.index_cast %parallel_loop3A_646 : i32 to index
      %parallel_loop3A_670 = arith.index_cast %parallel_loop3A_664 : i32 to index
      %parallel_loop3A_671 = tpu.vector_load %arg9[%parallel_loop3A_669, %parallel_loop3A_670] {strides = array<i32>} : memref<16x1024xf32, #tpu.memory_space<vmem>>, vector<1x16xf32>,
      %parallel_loop3A_672 = vector.shape_cast %parallel_loop3A_671 : vector<1x16xf32> to vector<16xf32>
      %parallel_loop3A_673 = arith.constant 2.000000e-03 : f32
      %parallel_loop3A_674 = vector.broadcast %parallel_loop3A_673 : f32 to vector<16xf32>
      %parallel_loop3A_675 = arith.mulf %parallel_loop3A_672, %parallel_loop3A_674 : vector<16xf32>
      %parallel_loop3A_676 = arith.addf %parallel_loop3A_668, %parallel_loop3A_675 : vector<16xf32>
      %parallel_loop3A_677 = arith.index_cast %parallel_loop3A_646 : i32 to index
      %parallel_loop3A_678 = arith.index_cast %parallel_loop3A_664 : i32 to index
      %parallel_loop3A_679 = tpu.vector_load %arg8[%parallel_loop3A_677, %parallel_loop3A_678] {strides = array<i32>} : memref<16x1024xf32, #tpu.memory_space<vmem>>, vector<1x16xf32>,
      %parallel_loop3A_680 = vector.shape_cast %parallel_loop3A_679 : vector<1x16xf32> to vector<16xf32>
      %parallel_loop3A_681 = vector.shape_cast %parallel_loop3A_676 : vector<16xf32> to vector<1x16xf32>
      tpu.vector_store %arg8[%parallel_loop3A_677, %parallel_loop3A_678], %parallel_loop3A_681 {strides = array<i32>} : memref<16x1024xf32, #tpu.memory_space<vmem>>, vector<1x16xf32>,
    } {sc.loop_unroll_factor = 8 : i64, sc.parallel_access}
    %add3A_79 = arith.constant 0 : i32
    %add3A_80 = arith.addi %mul3A_2, %add3A_79 : i32
    %dma_start3A_81 = arith.constant 1 : i32
    %dma_start3A_82 = arith.constant 0 : i32
    %dma_start3A_83 = tpu.memref_slice %arg4[%dma_start3A_81, %add3A_80, %dma_start3A_82] : memref<4x2048x1024xf32, #tpu.memory_space<hbm>> -> memref<1x16x1024xf32, #tpu.memory_space<hbm>>
    %dma_start3A_84 = tpu.memref_squeeze %dma_start3A_83 : memref<1x16x1024xf32, #tpu.memory_space<hbm>> -> memref<16x1024xf32, #tpu.memory_space<hbm>>
    %dma_start3A_85 = arith.constant 0 : i32
    %dma_start3A_86 = tpu.memref_slice %arg4[%dma_start3A_81, %add3A_80, %dma_start3A_85] : memref<4x2048x1024xf32, #tpu.memory_space<hbm>> -> memref<1x16x1024xf32, #tpu.memory_space<hbm>>
    %dma_start3A_87 = tpu.memref_squeeze %dma_start3A_86 : memref<1x16x1024xf32, #tpu.memory_space<hbm>> -> memref<16x1024xf32, #tpu.memory_space<hbm>>
    tpu.enqueue_dma source(%arg8 : memref<16x1024xf32, #tpu.memory_space<vmem>>) target(%dma_start3A_87 : memref<16x1024xf32, #tpu.memory_space<hbm>>) target_semaphore(%arg14 : memref<!tpu.dma_semaphore, #tpu.memory_space<semaphore_mem>>)
    %add3A_88 = arith.constant 0 : i32
    %add3A_89 = arith.addi %mul3A_2, %add3A_88 : i32
    %dma_start3A_90 = arith.constant 3 : i32
    %dma_start3A_91 = arith.constant 0 : i32
    %dma_start3A_92 = tpu.memref_slice %arg2[%dma_start3A_90, %add3A_89, %dma_start3A_91] : memref<4x2048x1024xf32, #tpu.memory_space<hbm>> -> memref<1x16x1024xf32, #tpu.memory_space<hbm>>
    %dma_start3A_93 = tpu.memref_squeeze %dma_start3A_92 : memref<1x16x1024xf32, #tpu.memory_space<hbm>> -> memref<16x1024xf32, #tpu.memory_space<hbm>>
    %dma_start3A_94 = arith.constant 0 : i32
    %dma_start3A_95 = tpu.memref_slice %arg2[%dma_start3A_90, %add3A_89, %dma_start3A_94] : memref<4x2048x1024xf32, #tpu.memory_space<hbm>> -> memref<1x16x1024xf32, #tpu.memory_space<hbm>>
    %dma_start3A_96 = tpu.memref_squeeze %dma_start3A_95 : memref<1x16x1024xf32, #tpu.memory_space<hbm>> -> memref<16x1024xf32, #tpu.memory_space<hbm>>
    tpu.enqueue_dma source(%dma_start3A_96 : memref<16x1024xf32, #tpu.memory_space<hbm>>) target(%arg6 : memref<16x1024xf32, #tpu.memory_space<vmem>>) target_semaphore(%arg12 : memref<!tpu.dma_semaphore, #tpu.memory_space<semaphore_mem>>)
    %dma_wait3A_97 = arith.constant 2 : i32
    %dma_wait3A_98 = arith.constant 0 : i32
    %dma_wait3A_99 = tpu.memref_slice %arg2[%dma_wait3A_97, %add3A_61, %dma_wait3A_98] : memref<4x2048x1024xf32, #tpu.memory_space<hbm>> -> memref<1x16x1024xf32, #tpu.memory_space<hbm>>
    %dma_wait3A_100 = tpu.memref_squeeze %dma_wait3A_99 : memref<1x16x1024xf32, #tpu.memory_space<hbm>> -> memref<16x1024xf32, #tpu.memory_space<hbm>>
    %dma_wait3A_101 = arith.constant 0 : i32
    %dma_wait3A_102 = tpu.memref_slice %arg2[%dma_wait3A_97, %add3A_61, %dma_wait3A_101] : memref<4x2048x1024xf32, #tpu.memory_space<hbm>> -> memref<1x16x1024xf32, #tpu.memory_space<hbm>>
    %dma_wait3A_103 = tpu.memref_squeeze %dma_wait3A_102 : memref<1x16x1024xf32, #tpu.memory_space<hbm>> -> memref<16x1024xf32, #tpu.memory_space<hbm>>
    tpu.wait_dma2 semaphore(%arg11 : memref<!tpu.dma_semaphore, #tpu.memory_space<semaphore_mem>>) src(%dma_wait3A_103 : memref<16x1024xf32, #tpu.memory_space<hbm>>) dst(%arg5 : memref<16x1024xf32, #tpu.memory_space<vmem>>)
    %dma_wait3A_104 = arith.constant 0 : i32
    %dma_wait3A_105 = arith.constant 0 : i32
    %dma_wait3A_106 = tpu.memref_slice %arg4[%dma_wait3A_104, %add3A_52, %dma_wait3A_105] : memref<4x2048x1024xf32, #tpu.memory_space<hbm>> -> memref<1x16x1024xf32, #tpu.memory_space<hbm>>
    %dma_wait3A_107 = tpu.memref_squeeze %dma_wait3A_106 : memref<1x16x1024xf32, #tpu.memory_space<hbm>> -> memref<16x1024xf32, #tpu.memory_space<hbm>>
    %dma_wait3A_108 = arith.constant 0 : i32
    %dma_wait3A_109 = tpu.memref_slice %arg4[%dma_wait3A_104, %add3A_52, %dma_wait3A_108] : memref<4x2048x1024xf32, #tpu.memory_space<hbm>> -> memref<1x16x1024xf32, #tpu.memory_space<hbm>>
    %dma_wait3A_110 = tpu.memref_squeeze %dma_wait3A_109 : memref<1x16x1024xf32, #tpu.memory_space<hbm>> -> memref<16x1024xf32, #tpu.memory_space<hbm>>
    tpu.wait_dma2 semaphore(%arg13 : memref<!tpu.dma_semaphore, #tpu.memory_space<semaphore_mem>>) src(%arg7 : memref<16x1024xf32, #tpu.memory_space<vmem>>) dst(%dma_wait3A_110 : memref<16x1024xf32, #tpu.memory_space<hbm>>)
    %parallel_loop3A_111 = arith.constant 0 : i32
    %parallel_loop3A_112 = arith.constant 1024 : i32
    %parallel_loop3A_113 = arith.constant 1 : i32
    scf.for %parallel_loop3A_622 = %parallel_loop3A_111 to %parallel_loop3A_112 step %parallel_loop3A_113  : i32 {
      %parallel_loop3A_623 = arith.constant 64 : i32
      %parallel_loop3A_624 = arith.divsi %parallel_loop3A_622, %parallel_loop3A_623 : i32
      %parallel_loop3A_625 = arith.constant 0 : i32
      %parallel_loop3A_626 = arith.cmpi sgt, %parallel_loop3A_622, %parallel_loop3A_625 : i32
      %parallel_loop3A_627 = arith.extui %parallel_loop3A_626 : i1 to i32
      %parallel_loop3A_628 = arith.constant 0 : i32
      %parallel_loop3A_629 = arith.cmpi slt, %parallel_loop3A_622, %parallel_loop3A_628 : i32
      %parallel_loop3A_630 = arith.extui %parallel_loop3A_629 : i1 to i32
      %parallel_loop3A_631 = arith.subi %parallel_loop3A_627, %parallel_loop3A_630 : i32
      %parallel_loop3A_632 = arith.constant 0 : i32
      %parallel_loop3A_633 = arith.cmpi sgt, %parallel_loop3A_623, %parallel_loop3A_632 : i32
      %parallel_loop3A_634 = arith.extui %parallel_loop3A_633 : i1 to i32
      %parallel_loop3A_635 = arith.constant 0 : i32
      %parallel_loop3A_636 = arith.cmpi slt, %parallel_loop3A_623, %parallel_loop3A_635 : i32
      %parallel_loop3A_637 = arith.extui %parallel_loop3A_636 : i1 to i32
      %parallel_loop3A_638 = arith.subi %parallel_loop3A_634, %parallel_loop3A_637 : i32
      %parallel_loop3A_639 = arith.cmpi ne, %parallel_loop3A_631, %parallel_loop3A_638 : i32
      %parallel_loop3A_640 = arith.remsi %parallel_loop3A_622, %parallel_loop3A_623 : i32
      %parallel_loop3A_641 = arith.constant 0 : i32
      %parallel_loop3A_642 = arith.cmpi ne, %parallel_loop3A_640, %parallel_loop3A_641 : i32
      %parallel_loop3A_643 = arith.andi %parallel_loop3A_639, %parallel_loop3A_642 : i1
      %parallel_loop3A_644 = arith.constant 1 : i32
      %parallel_loop3A_645 = arith.subi %parallel_loop3A_624, %parallel_loop3A_644 : i32
      %parallel_loop3A_646 = arith.select %parallel_loop3A_643, %parallel_loop3A_645, %parallel_loop3A_624 : i32
      %parallel_loop3A_647 = arith.constant 64 : i32
      %parallel_loop3A_648 = arith.constant 0 : i32
      %parallel_loop3A_649 = arith.cmpi eq, %parallel_loop3A_647, %parallel_loop3A_648 : i32
      %parallel_loop3A_650 = arith.constant 1 : i32
      %parallel_loop3A_651 = arith.select %parallel_loop3A_649, %parallel_loop3A_650, %parallel_loop3A_647 : i32
      %parallel_loop3A_652 = arith.remsi %parallel_loop3A_622, %parallel_loop3A_651 : i32
      %parallel_loop3A_653 = arith.constant 0 : i32
      %parallel_loop3A_654 = arith.cmpi ne, %parallel_loop3A_652, %parallel_loop3A_653 : i32
      %parallel_loop3A_655 = arith.constant 0 : i32
      %parallel_loop3A_656 = arith.cmpi slt, %parallel_loop3A_652, %parallel_loop3A_655 : i32
      %parallel_loop3A_657 = arith.constant 0 : i32
      %parallel_loop3A_658 = arith.cmpi slt, %parallel_loop3A_651, %parallel_loop3A_657 : i32
      %parallel_loop3A_659 = arith.xori %parallel_loop3A_656, %parallel_loop3A_658 : i1
      %parallel_loop3A_660 = arith.andi %parallel_loop3A_659, %parallel_loop3A_654 : i1
      %parallel_loop3A_661 = arith.addi %parallel_loop3A_652, %parallel_loop3A_651 : i32
      %parallel_loop3A_662 = arith.select %parallel_loop3A_660, %parallel_loop3A_661, %parallel_loop3A_652 : i32
      %parallel_loop3A_663 = arith.constant 16 : i32
      %parallel_loop3A_664 = arith.muli %parallel_loop3A_662, %parallel_loop3A_663 : i32
      %parallel_loop3A_665 = arith.index_cast %parallel_loop3A_646 : i32 to index
      %parallel_loop3A_666 = arith.index_cast %parallel_loop3A_664 : i32 to index
      %parallel_loop3A_667 = tpu.vector_load %arg5[%parallel_loop3A_665, %parallel_loop3A_666] {strides = array<i32>} : memref<16x1024xf32, #tpu.memory_space<vmem>>, vector<1x16xf32>,
      %parallel_loop3A_668 = vector.shape_cast %parallel_loop3A_667 : vector<1x16xf32> to vector<16xf32>
      %parallel_loop3A_669 = arith.index_cast %parallel_loop3A_646 : i32 to index
      %parallel_loop3A_670 = arith.index_cast %parallel_loop3A_664 : i32 to index
      %parallel_loop3A_671 = tpu.vector_load %arg9[%parallel_loop3A_669, %parallel_loop3A_670] {strides = array<i32>} : memref<16x1024xf32, #tpu.memory_space<vmem>>, vector<1x16xf32>,
      %parallel_loop3A_672 = vector.shape_cast %parallel_loop3A_671 : vector<1x16xf32> to vector<16xf32>
      %parallel_loop3A_673 = arith.constant 2.000000e-03 : f32
      %parallel_loop3A_674 = vector.broadcast %parallel_loop3A_673 : f32 to vector<16xf32>
      %parallel_loop3A_675 = arith.mulf %parallel_loop3A_672, %parallel_loop3A_674 : vector<16xf32>
      %parallel_loop3A_676 = arith.addf %parallel_loop3A_668, %parallel_loop3A_675 : vector<16xf32>
      %parallel_loop3A_677 = arith.index_cast %parallel_loop3A_646 : i32 to index
      %parallel_loop3A_678 = arith.index_cast %parallel_loop3A_664 : i32 to index
      %parallel_loop3A_679 = tpu.vector_load %arg7[%parallel_loop3A_677, %parallel_loop3A_678] {strides = array<i32>} : memref<16x1024xf32, #tpu.memory_space<vmem>>, vector<1x16xf32>,
      %parallel_loop3A_680 = vector.shape_cast %parallel_loop3A_679 : vector<1x16xf32> to vector<16xf32>
      %parallel_loop3A_681 = vector.shape_cast %parallel_loop3A_676 : vector<16xf32> to vector<1x16xf32>
      tpu.vector_store %arg7[%parallel_loop3A_677, %parallel_loop3A_678], %parallel_loop3A_681 {strides = array<i32>} : memref<16x1024xf32, #tpu.memory_space<vmem>>, vector<1x16xf32>,
    } {sc.loop_unroll_factor = 8 : i64, sc.parallel_access}
    %add3A_114 = arith.constant 0 : i32
    %add3A_115 = arith.addi %mul3A_2, %add3A_114 : i32
    %dma_start3A_116 = arith.constant 2 : i32
    %dma_start3A_117 = arith.constant 0 : i32
    %dma_start3A_118 = tpu.memref_slice %arg4[%dma_start3A_116, %add3A_115, %dma_start3A_117] : memref<4x2048x1024xf32, #tpu.memory_space<hbm>> -> memref<1x16x1024xf32, #tpu.memory_space<hbm>>
    %dma_start3A_119 = tpu.memref_squeeze %dma_start3A_118 : memref<1x16x1024xf32, #tpu.memory_space<hbm>> -> memref<16x1024xf32, #tpu.memory_space<hbm>>
    %dma_start3A_120 = arith.constant 0 : i32
    %dma_start3A_121 = tpu.memref_slice %arg4[%dma_start3A_116, %add3A_115, %dma_start3A_120] : memref<4x2048x1024xf32, #tpu.memory_space<hbm>> -> memref<1x16x1024xf32, #tpu.memory_space<hbm>>
    %dma_start3A_122 = tpu.memref_squeeze %dma_start3A_121 : memref<1x16x1024xf32, #tpu.memory_space<hbm>> -> memref<16x1024xf32, #tpu.memory_space<hbm>>
    tpu.enqueue_dma source(%arg7 : memref<16x1024xf32, #tpu.memory_space<vmem>>) target(%dma_start3A_122 : memref<16x1024xf32, #tpu.memory_space<hbm>>) target_semaphore(%arg13 : memref<!tpu.dma_semaphore, #tpu.memory_space<semaphore_mem>>)
    %add3A_123 = arith.constant 16 : i32
    %add3A_124 = arith.addi %mul3A_2, %add3A_123 : i32
    %dma_start3A_125 = arith.constant 0 : i32
    %dma_start3A_126 = arith.constant 0 : i32
    %dma_start3A_127 = tpu.memref_slice %arg2[%dma_start3A_125, %add3A_124, %dma_start3A_126] : memref<4x2048x1024xf32, #tpu.memory_space<hbm>> -> memref<1x16x1024xf32, #tpu.memory_space<hbm>>
    %dma_start3A_128 = tpu.memref_squeeze %dma_start3A_127 : memref<1x16x1024xf32, #tpu.memory_space<hbm>> -> memref<16x1024xf32, #tpu.memory_space<hbm>>
    %dma_start3A_129 = arith.constant 0 : i32
    %dma_start3A_130 = tpu.memref_slice %arg2[%dma_start3A_125, %add3A_124, %dma_start3A_129] : memref<4x2048x1024xf32, #tpu.memory_space<hbm>> -> memref<1x16x1024xf32, #tpu.memory_space<hbm>>
    %dma_start3A_131 = tpu.memref_squeeze %dma_start3A_130 : memref<1x16x1024xf32, #tpu.memory_space<hbm>> -> memref<16x1024xf32, #tpu.memory_space<hbm>>
    tpu.enqueue_dma source(%dma_start3A_131 : memref<16x1024xf32, #tpu.memory_space<hbm>>) target(%arg5 : memref<16x1024xf32, #tpu.memory_space<vmem>>) target_semaphore(%arg11 : memref<!tpu.dma_semaphore, #tpu.memory_space<semaphore_mem>>)
    %dma_wait3A_132 = arith.constant 3 : i32
    %dma_wait3A_133 = arith.constant 0 : i32
    %dma_wait3A_134 = tpu.memref_slice %arg2[%dma_wait3A_132, %add3A_89, %dma_wait3A_133] : memref<4x2048x1024xf32, #tpu.memory_space<hbm>> -> memref<1x16x1024xf32, #tpu.memory_space<hbm>>
    %dma_wait3A_135 = tpu.memref_squeeze %dma_wait3A_134 : memref<1x16x1024xf32, #tpu.memory_space<hbm>> -> memref<16x1024xf32, #tpu.memory_space<hbm>>
    %dma_wait3A_136 = arith.constant 0 : i32
    %dma_wait3A_137 = tpu.memref_slice %arg2[%dma_wait3A_132, %add3A_89, %dma_wait3A_136] : memref<4x2048x1024xf32, #tpu.memory_space<hbm>> -> memref<1x16x1024xf32, #tpu.memory_space<hbm>>
    %dma_wait3A_138 = tpu.memref_squeeze %dma_wait3A_137 : memref<1x16x1024xf32, #tpu.memory_space<hbm>> -> memref<16x1024xf32, #tpu.memory_space<hbm>>
    tpu.wait_dma2 semaphore(%arg12 : memref<!tpu.dma_semaphore, #tpu.memory_space<semaphore_mem>>) src(%dma_wait3A_138 : memref<16x1024xf32, #tpu.memory_space<hbm>>) dst(%arg6 : memref<16x1024xf32, #tpu.memory_space<vmem>>)
    %dma_wait3A_139 = arith.constant 1 : i32
    %dma_wait3A_140 = arith.constant 0 : i32
    %dma_wait3A_141 = tpu.memref_slice %arg4[%dma_wait3A_139, %add3A_80, %dma_wait3A_140] : memref<4x2048x1024xf32, #tpu.memory_space<hbm>> -> memref<1x16x1024xf32, #tpu.memory_space<hbm>>
    %dma_wait3A_142 = tpu.memref_squeeze %dma_wait3A_141 : memref<1x16x1024xf32, #tpu.memory_space<hbm>> -> memref<16x1024xf32, #tpu.memory_space<hbm>>
    %dma_wait3A_143 = arith.constant 0 : i32
    %dma_wait3A_144 = tpu.memref_slice %arg4[%dma_wait3A_139, %add3A_80, %dma_wait3A_143] : memref<4x2048x1024xf32, #tpu.memory_space<hbm>> -> memref<1x16x1024xf32, #tpu.memory_space<hbm>>
    %dma_wait3A_145 = tpu.memref_squeeze %dma_wait3A_144 : memref<1x16x1024xf32, #tpu.memory_space<hbm>> -> memref<16x1024xf32, #tpu.memory_space<hbm>>
    tpu.wait_dma2 semaphore(%arg14 : memref<!tpu.dma_semaphore, #tpu.memory_space<semaphore_mem>>) src(%arg8 : memref<16x1024xf32, #tpu.memory_space<vmem>>) dst(%dma_wait3A_145 : memref<16x1024xf32, #tpu.memory_space<hbm>>)
    %parallel_loop3A_146 = arith.constant 0 : i32
    %parallel_loop3A_147 = arith.constant 1024 : i32
    %parallel_loop3A_148 = arith.constant 1 : i32
    scf.for %parallel_loop3A_622 = %parallel_loop3A_146 to %parallel_loop3A_147 step %parallel_loop3A_148  : i32 {
      %parallel_loop3A_623 = arith.constant 64 : i32
      %parallel_loop3A_624 = arith.divsi %parallel_loop3A_622, %parallel_loop3A_623 : i32
      %parallel_loop3A_625 = arith.constant 0 : i32
      %parallel_loop3A_626 = arith.cmpi sgt, %parallel_loop3A_622, %parallel_loop3A_625 : i32
      %parallel_loop3A_627 = arith.extui %parallel_loop3A_626 : i1 to i32
      %parallel_loop3A_628 = arith.constant 0 : i32
      %parallel_loop3A_629 = arith.cmpi slt, %parallel_loop3A_622, %parallel_loop3A_628 : i32
      %parallel_loop3A_630 = arith.extui %parallel_loop3A_629 : i1 to i32
      %parallel_loop3A_631 = arith.subi %parallel_loop3A_627, %parallel_loop3A_630 : i32
      %parallel_loop3A_632 = arith.constant 0 : i32
      %parallel_loop3A_633 = arith.cmpi sgt, %parallel_loop3A_623, %parallel_loop3A_632 : i32
      %parallel_loop3A_634 = arith.extui %parallel_loop3A_633 : i1 to i32
      %parallel_loop3A_635 = arith.constant 0 : i32
      %parallel_loop3A_636 = arith.cmpi slt, %parallel_loop3A_623, %parallel_loop3A_635 : i32
      %parallel_loop3A_637 = arith.extui %parallel_loop3A_636 : i1 to i32
      %parallel_loop3A_638 = arith.subi %parallel_loop3A_634, %parallel_loop3A_637 : i32
      %parallel_loop3A_639 = arith.cmpi ne, %parallel_loop3A_631, %parallel_loop3A_638 : i32
      %parallel_loop3A_640 = arith.remsi %parallel_loop3A_622, %parallel_loop3A_623 : i32
      %parallel_loop3A_641 = arith.constant 0 : i32
      %parallel_loop3A_642 = arith.cmpi ne, %parallel_loop3A_640, %parallel_loop3A_641 : i32
      %parallel_loop3A_643 = arith.andi %parallel_loop3A_639, %parallel_loop3A_642 : i1
      %parallel_loop3A_644 = arith.constant 1 : i32
      %parallel_loop3A_645 = arith.subi %parallel_loop3A_624, %parallel_loop3A_644 : i32
      %parallel_loop3A_646 = arith.select %parallel_loop3A_643, %parallel_loop3A_645, %parallel_loop3A_624 : i32
      %parallel_loop3A_647 = arith.constant 64 : i32
      %parallel_loop3A_648 = arith.constant 0 : i32
      %parallel_loop3A_649 = arith.cmpi eq, %parallel_loop3A_647, %parallel_loop3A_648 : i32
      %parallel_loop3A_650 = arith.constant 1 : i32
      %parallel_loop3A_651 = arith.select %parallel_loop3A_649, %parallel_loop3A_650, %parallel_loop3A_647 : i32
      %parallel_loop3A_652 = arith.remsi %parallel_loop3A_622, %parallel_loop3A_651 : i32
      %parallel_loop3A_653 = arith.constant 0 : i32
      %parallel_loop3A_654 = arith.cmpi ne, %parallel_loop3A_652, %parallel_loop3A_653 : i32
      %parallel_loop3A_655 = arith.constant 0 : i32
      %parallel_loop3A_656 = arith.cmpi slt, %parallel_loop3A_652, %parallel_loop3A_655 : i32
      %parallel_loop3A_657 = arith.constant 0 : i32
      %parallel_loop3A_658 = arith.cmpi slt, %parallel_loop3A_651, %parallel_loop3A_657 : i32
      %parallel_loop3A_659 = arith.xori %parallel_loop3A_656, %parallel_loop3A_658 : i1
      %parallel_loop3A_660 = arith.andi %parallel_loop3A_659, %parallel_loop3A_654 : i1
      %parallel_loop3A_661 = arith.addi %parallel_loop3A_652, %parallel_loop3A_651 : i32
      %parallel_loop3A_662 = arith.select %parallel_loop3A_660, %parallel_loop3A_661, %parallel_loop3A_652 : i32
      %parallel_loop3A_663 = arith.constant 16 : i32
      %parallel_loop3A_664 = arith.muli %parallel_loop3A_662, %parallel_loop3A_663 : i32
      %parallel_loop3A_665 = arith.index_cast %parallel_loop3A_646 : i32 to index
      %parallel_loop3A_666 = arith.index_cast %parallel_loop3A_664 : i32 to index
      %parallel_loop3A_667 = tpu.vector_load %arg6[%parallel_loop3A_665, %parallel_loop3A_666] {strides = array<i32>} : memref<16x1024xf32, #tpu.memory_space<vmem>>, vector<1x16xf32>,
      %parallel_loop3A_668 = vector.shape_cast %parallel_loop3A_667 : vector<1x16xf32> to vector<16xf32>
      %parallel_loop3A_669 = arith.index_cast %parallel_loop3A_646 : i32 to index
      %parallel_loop3A_670 = arith.index_cast %parallel_loop3A_664 : i32 to index
      %parallel_loop3A_671 = tpu.vector_load %arg9[%parallel_loop3A_669, %parallel_loop3A_670] {strides = array<i32>} : memref<16x1024xf32, #tpu.memory_space<vmem>>, vector<1x16xf32>,
      %parallel_loop3A_672 = vector.shape_cast %parallel_loop3A_671 : vector<1x16xf32> to vector<16xf32>
      %parallel_loop3A_673 = arith.constant 2.000000e-03 : f32
      %parallel_loop3A_674 = vector.broadcast %parallel_loop3A_673 : f32 to vector<16xf32>
      %parallel_loop3A_675 = arith.mulf %parallel_loop3A_672, %parallel_loop3A_674 : vector<16xf32>
      %parallel_loop3A_676 = arith.addf %parallel_loop3A_668, %parallel_loop3A_675 : vector<16xf32>
      %parallel_loop3A_677 = arith.index_cast %parallel_loop3A_646 : i32 to index
      %parallel_loop3A_678 = arith.index_cast %parallel_loop3A_664 : i32 to index
      %parallel_loop3A_679 = tpu.vector_load %arg8[%parallel_loop3A_677, %parallel_loop3A_678] {strides = array<i32>} : memref<16x1024xf32, #tpu.memory_space<vmem>>, vector<1x16xf32>,
      %parallel_loop3A_680 = vector.shape_cast %parallel_loop3A_679 : vector<1x16xf32> to vector<16xf32>
      %parallel_loop3A_681 = vector.shape_cast %parallel_loop3A_676 : vector<16xf32> to vector<1x16xf32>
      tpu.vector_store %arg8[%parallel_loop3A_677, %parallel_loop3A_678], %parallel_loop3A_681 {strides = array<i32>} : memref<16x1024xf32, #tpu.memory_space<vmem>>, vector<1x16xf32>,
    } {sc.loop_unroll_factor = 8 : i64, sc.parallel_access}
    %add3A_149 = arith.constant 0 : i32
    %add3A_150 = arith.addi %mul3A_2, %add3A_149 : i32
    %dma_start3A_151 = arith.constant 3 : i32
    %dma_start3A_152 = arith.constant 0 : i32
    %dma_start3A_153 = tpu.memref_slice %arg4[%dma_start3A_151, %add3A_150, %dma_start3A_152] : memref<4x2048x1024xf32, #tpu.memory_space<hbm>> -> memref<1x16x1024xf32, #tpu.memory_space<hbm>>
    %dma_start3A_154 = tpu.memref_squeeze %dma_start3A_153 : memref<1x16x1024xf32, #tpu.memory_space<hbm>> -> memref<16x1024xf32, #tpu.memory_space<hbm>>
    %dma_start3A_155 = arith.constant 0 : i32
    %dma_start3A_156 = tpu.memref_slice %arg4[%dma_start3A_151, %add3A_150, %dma_start3A_155] : memref<4x2048x1024xf32, #tpu.memory_space<hbm>> -> memref<1x16x1024xf32, #tpu.memory_space<hbm>>
    %dma_start3A_157 = tpu.memref_squeeze %dma_start3A_156 : memref<1x16x1024xf32, #tpu.memory_space<hbm>> -> memref<16x1024xf32, #tpu.memory_space<hbm>>
    tpu.enqueue_dma source(%arg8 : memref<16x1024xf32, #tpu.memory_space<vmem>>) target(%dma_start3A_157 : memref<16x1024xf32, #tpu.memory_space<hbm>>) target_semaphore(%arg14 : memref<!tpu.dma_semaphore, #tpu.memory_space<semaphore_mem>>)
    %add3A_158 = arith.constant 32 : i32
    %add3A_159 = arith.addi %mul3A_2, %add3A_158 : i32
    %dma_start3A_160 = arith.constant 0 : i32
    %dma_start3A_161 = arith.constant 0 : i32
    %dma_start3A_162 = tpu.memref_slice %arg3[%add3A_159, %dma_start3A_160, %dma_start3A_161] : memref<2049x1x1024xf32, #tpu.memory_space<hbm>> -> memref<16x1x1024xf32, #tpu.memory_space<hbm>>
    %dma_start3A_163 = tpu.memref_squeeze %dma_start3A_162 : memref<16x1x1024xf32, #tpu.memory_space<hbm>> -> memref<16x1024xf32, #tpu.memory_space<hbm>>
    %dma_start3A_164 = arith.constant 0 : i32
    %dma_start3A_165 = tpu.memref_slice %arg3[%add3A_159, %dma_start3A_160, %dma_start3A_164] : memref<2049x1x1024xf32, #tpu.memory_space<hbm>> -> memref<16x1x1024xf32, #tpu.memory_space<hbm>>
    %dma_start3A_166 = tpu.memref_squeeze %dma_start3A_165 : memref<16x1x1024xf32, #tpu.memory_space<hbm>> -> memref<16x1024xf32, #tpu.memory_space<hbm>>
    tpu.enqueue_dma source(%dma_start3A_166 : memref<16x1024xf32, #tpu.memory_space<hbm>>) target(%arg9 : memref<16x1024xf32, #tpu.memory_space<vmem>>) target_semaphore(%arg15 : memref<!tpu.dma_semaphore, #tpu.memory_space<semaphore_mem>>)
    %add3A_167 = arith.constant 16 : i32
    %add3A_168 = arith.addi %mul3A_2, %add3A_167 : i32
    %dma_start3A_169 = arith.constant 1 : i32
    %dma_start3A_170 = arith.constant 0 : i32
    %dma_start3A_171 = tpu.memref_slice %arg2[%dma_start3A_169, %add3A_168, %dma_start3A_170] : memref<4x2048x1024xf32, #tpu.memory_space<hbm>> -> memref<1x16x1024xf32, #tpu.memory_space<hbm>>
    %dma_start3A_172 = tpu.memref_squeeze %dma_start3A_171 : memref<1x16x1024xf32, #tpu.memory_space<hbm>> -> memref<16x1024xf32, #tpu.memory_space<hbm>>
    %dma_start3A_173 = arith.constant 0 : i32
    %dma_start3A_174 = tpu.memref_slice %arg2[%dma_start3A_169, %add3A_168, %dma_start3A_173] : memref<4x2048x1024xf32, #tpu.memory_space<hbm>> -> memref<1x16x1024xf32, #tpu.memory_space<hbm>>
    %dma_start3A_175 = tpu.memref_squeeze %dma_start3A_174 : memref<1x16x1024xf32, #tpu.memory_space<hbm>> -> memref<16x1024xf32, #tpu.memory_space<hbm>>
    tpu.enqueue_dma source(%dma_start3A_175 : memref<16x1024xf32, #tpu.memory_space<hbm>>) target(%arg6 : memref<16x1024xf32, #tpu.memory_space<vmem>>) target_semaphore(%arg12 : memref<!tpu.dma_semaphore, #tpu.memory_space<semaphore_mem>>)
    %dma_wait3A_176 = arith.constant 0 : i32
    %dma_wait3A_177 = arith.constant 0 : i32
    %dma_wait3A_178 = tpu.memref_slice %arg3[%add3A_19, %dma_wait3A_176, %dma_wait3A_177] : memref<2049x1x1024xf32, #tpu.memory_space<hbm>> -> memref<16x1x1024xf32, #tpu.memory_space<hbm>>
    %dma_wait3A_179 = tpu.memref_squeeze %dma_wait3A_178 : memref<16x1x1024xf32, #tpu.memory_space<hbm>> -> memref<16x1024xf32, #tpu.memory_space<hbm>>
    %dma_wait3A_180 = arith.constant 0 : i32
    %dma_wait3A_181 = tpu.memref_slice %arg3[%add3A_19, %dma_wait3A_176, %dma_wait3A_180] : memref<2049x1x1024xf32, #tpu.memory_space<hbm>> -> memref<16x1x1024xf32, #tpu.memory_space<hbm>>
    %dma_wait3A_182 = tpu.memref_squeeze %dma_wait3A_181 : memref<16x1x1024xf32, #tpu.memory_space<hbm>> -> memref<16x1024xf32, #tpu.memory_space<hbm>>
    tpu.wait_dma2 semaphore(%arg16 : memref<!tpu.dma_semaphore, #tpu.memory_space<semaphore_mem>>) src(%dma_wait3A_182 : memref<16x1024xf32, #tpu.memory_space<hbm>>) dst(%arg10 : memref<16x1024xf32, #tpu.memory_space<vmem>>)
    %dma_wait3A_183 = arith.constant 0 : i32
    %dma_wait3A_184 = arith.constant 0 : i32
    %dma_wait3A_185 = tpu.memref_slice %arg2[%dma_wait3A_183, %add3A_124, %dma_wait3A_184] : memref<4x2048x1024xf32, #tpu.memory_space<hbm>> -> memref<1x16x1024xf32, #tpu.memory_space<hbm>>
    %dma_wait3A_186 = tpu.memref_squeeze %dma_wait3A_185 : memref<1x16x1024xf32, #tpu.memory_space<hbm>> -> memref<16x1024xf32, #tpu.memory_space<hbm>>
    %dma_wait3A_187 = arith.constant 0 : i32
    %dma_wait3A_188 = tpu.memref_slice %arg2[%dma_wait3A_183, %add3A_124, %dma_wait3A_187] : memref<4x2048x1024xf32, #tpu.memory_space<hbm>> -> memref<1x16x1024xf32, #tpu.memory_space<hbm>>
    %dma_wait3A_189 = tpu.memref_squeeze %dma_wait3A_188 : memref<1x16x1024xf32, #tpu.memory_space<hbm>> -> memref<16x1024xf32, #tpu.memory_space<hbm>>
    tpu.wait_dma2 semaphore(%arg11 : memref<!tpu.dma_semaphore, #tpu.memory_space<semaphore_mem>>) src(%dma_wait3A_189 : memref<16x1024xf32, #tpu.memory_space<hbm>>) dst(%arg5 : memref<16x1024xf32, #tpu.memory_space<vmem>>)
    %dma_wait3A_190 = arith.constant 2 : i32
    %dma_wait3A_191 = arith.constant 0 : i32
    %dma_wait3A_192 = tpu.memref_slice %arg4[%dma_wait3A_190, %add3A_115, %dma_wait3A_191] : memref<4x2048x1024xf32, #tpu.memory_space<hbm>> -> memref<1x16x1024xf32, #tpu.memory_space<hbm>>
    %dma_wait3A_193 = tpu.memref_squeeze %dma_wait3A_192 : memref<1x16x1024xf32, #tpu.memory_space<hbm>> -> memref<16x1024xf32, #tpu.memory_space<hbm>>
    %dma_wait3A_194 = arith.constant 0 : i32
    %dma_wait3A_195 = tpu.memref_slice %arg4[%dma_wait3A_190, %add3A_115, %dma_wait3A_194] : memref<4x2048x1024xf32, #tpu.memory_space<hbm>> -> memref<1x16x1024xf32, #tpu.memory_space<hbm>>
    %dma_wait3A_196 = tpu.memref_squeeze %dma_wait3A_195 : memref<1x16x1024xf32, #tpu.memory_space<hbm>> -> memref<16x1024xf32, #tpu.memory_space<hbm>>
    tpu.wait_dma2 semaphore(%arg13 : memref<!tpu.dma_semaphore, #tpu.memory_space<semaphore_mem>>) src(%arg7 : memref<16x1024xf32, #tpu.memory_space<vmem>>) dst(%dma_wait3A_196 : memref<16x1024xf32, #tpu.memory_space<hbm>>)
    %parallel_loop3A_197 = arith.constant 0 : i32
    %parallel_loop3A_198 = arith.constant 1024 : i32
    %parallel_loop3A_199 = arith.constant 1 : i32
    scf.for %parallel_loop3A_622 = %parallel_loop3A_197 to %parallel_loop3A_198 step %parallel_loop3A_199  : i32 {
      %parallel_loop3A_623 = arith.constant 64 : i32
      %parallel_loop3A_624 = arith.divsi %parallel_loop3A_622, %parallel_loop3A_623 : i32
      %parallel_loop3A_625 = arith.constant 0 : i32
      %parallel_loop3A_626 = arith.cmpi sgt, %parallel_loop3A_622, %parallel_loop3A_625 : i32
      %parallel_loop3A_627 = arith.extui %parallel_loop3A_626 : i1 to i32
      %parallel_loop3A_628 = arith.constant 0 : i32
      %parallel_loop3A_629 = arith.cmpi slt, %parallel_loop3A_622, %parallel_loop3A_628 : i32
      %parallel_loop3A_630 = arith.extui %parallel_loop3A_629 : i1 to i32
      %parallel_loop3A_631 = arith.subi %parallel_loop3A_627, %parallel_loop3A_630 : i32
      %parallel_loop3A_632 = arith.constant 0 : i32
      %parallel_loop3A_633 = arith.cmpi sgt, %parallel_loop3A_623, %parallel_loop3A_632 : i32
      %parallel_loop3A_634 = arith.extui %parallel_loop3A_633 : i1 to i32
      %parallel_loop3A_635 = arith.constant 0 : i32
      %parallel_loop3A_636 = arith.cmpi slt, %parallel_loop3A_623, %parallel_loop3A_635 : i32
      %parallel_loop3A_637 = arith.extui %parallel_loop3A_636 : i1 to i32
      %parallel_loop3A_638 = arith.subi %parallel_loop3A_634, %parallel_loop3A_637 : i32
      %parallel_loop3A_639 = arith.cmpi ne, %parallel_loop3A_631, %parallel_loop3A_638 : i32
      %parallel_loop3A_640 = arith.remsi %parallel_loop3A_622, %parallel_loop3A_623 : i32
      %parallel_loop3A_641 = arith.constant 0 : i32
      %parallel_loop3A_642 = arith.cmpi ne, %parallel_loop3A_640, %parallel_loop3A_641 : i32
      %parallel_loop3A_643 = arith.andi %parallel_loop3A_639, %parallel_loop3A_642 : i1
      %parallel_loop3A_644 = arith.constant 1 : i32
      %parallel_loop3A_645 = arith.subi %parallel_loop3A_624, %parallel_loop3A_644 : i32
      %parallel_loop3A_646 = arith.select %parallel_loop3A_643, %parallel_loop3A_645, %parallel_loop3A_624 : i32
      %parallel_loop3A_647 = arith.constant 64 : i32
      %parallel_loop3A_648 = arith.constant 0 : i32
      %parallel_loop3A_649 = arith.cmpi eq, %parallel_loop3A_647, %parallel_loop3A_648 : i32
      %parallel_loop3A_650 = arith.constant 1 : i32
      %parallel_loop3A_651 = arith.select %parallel_loop3A_649, %parallel_loop3A_650, %parallel_loop3A_647 : i32
      %parallel_loop3A_652 = arith.remsi %parallel_loop3A_622, %parallel_loop3A_651 : i32
      %parallel_loop3A_653 = arith.constant 0 : i32
      %parallel_loop3A_654 = arith.cmpi ne, %parallel_loop3A_652, %parallel_loop3A_653 : i32
      %parallel_loop3A_655 = arith.constant 0 : i32
      %parallel_loop3A_656 = arith.cmpi slt, %parallel_loop3A_652, %parallel_loop3A_655 : i32
      %parallel_loop3A_657 = arith.constant 0 : i32
      %parallel_loop3A_658 = arith.cmpi slt, %parallel_loop3A_651, %parallel_loop3A_657 : i32
      %parallel_loop3A_659 = arith.xori %parallel_loop3A_656, %parallel_loop3A_658 : i1
      %parallel_loop3A_660 = arith.andi %parallel_loop3A_659, %parallel_loop3A_654 : i1
      %parallel_loop3A_661 = arith.addi %parallel_loop3A_652, %parallel_loop3A_651 : i32
      %parallel_loop3A_662 = arith.select %parallel_loop3A_660, %parallel_loop3A_661, %parallel_loop3A_652 : i32
      %parallel_loop3A_663 = arith.constant 16 : i32
      %parallel_loop3A_664 = arith.muli %parallel_loop3A_662, %parallel_loop3A_663 : i32
      %parallel_loop3A_665 = arith.index_cast %parallel_loop3A_646 : i32 to index
      %parallel_loop3A_666 = arith.index_cast %parallel_loop3A_664 : i32 to index
      %parallel_loop3A_667 = tpu.vector_load %arg5[%parallel_loop3A_665, %parallel_loop3A_666] {strides = array<i32>} : memref<16x1024xf32, #tpu.memory_space<vmem>>, vector<1x16xf32>,
      %parallel_loop3A_668 = vector.shape_cast %parallel_loop3A_667 : vector<1x16xf32> to vector<16xf32>
      %parallel_loop3A_669 = arith.index_cast %parallel_loop3A_646 : i32 to index
      %parallel_loop3A_670 = arith.index_cast %parallel_loop3A_664 : i32 to index
      %parallel_loop3A_671 = tpu.vector_load %arg10[%parallel_loop3A_669, %parallel_loop3A_670] {strides = array<i32>} : memref<16x1024xf32, #tpu.memory_space<vmem>>, vector<1x16xf32>,
      %parallel_loop3A_672 = vector.shape_cast %parallel_loop3A_671 : vector<1x16xf32> to vector<16xf32>
      %parallel_loop3A_673 = arith.constant 2.000000e-03 : f32
      %parallel_loop3A_674 = vector.broadcast %parallel_loop3A_673 : f32 to vector<16xf32>
      %parallel_loop3A_675 = arith.mulf %parallel_loop3A_672, %parallel_loop3A_674 : vector<16xf32>
      %parallel_loop3A_676 = arith.addf %parallel_loop3A_668, %parallel_loop3A_675 : vector<16xf32>
      %parallel_loop3A_677 = arith.index_cast %parallel_loop3A_646 : i32 to index
      %parallel_loop3A_678 = arith.index_cast %parallel_loop3A_664 : i32 to index
      %parallel_loop3A_679 = tpu.vector_load %arg7[%parallel_loop3A_677, %parallel_loop3A_678] {strides = array<i32>} : memref<16x1024xf32, #tpu.memory_space<vmem>>, vector<1x16xf32>,
      %parallel_loop3A_680 = vector.shape_cast %parallel_loop3A_679 : vector<1x16xf32> to vector<16xf32>
      %parallel_loop3A_681 = vector.shape_cast %parallel_loop3A_676 : vector<16xf32> to vector<1x16xf32>
      tpu.vector_store %arg7[%parallel_loop3A_677, %parallel_loop3A_678], %parallel_loop3A_681 {strides = array<i32>} : memref<16x1024xf32, #tpu.memory_space<vmem>>, vector<1x16xf32>,
    } {sc.loop_unroll_factor = 8 : i64, sc.parallel_access}
    %add3A_200 = arith.constant 16 : i32
    %add3A_201 = arith.addi %mul3A_2, %add3A_200 : i32
    %dma_start3A_202 = arith.constant 0 : i32
    %dma_start3A_203 = arith.constant 0 : i32
    %dma_start3A_204 = tpu.memref_slice %arg4[%dma_start3A_202, %add3A_201, %dma_start3A_203] : memref<4x2048x1024xf32, #tpu.memory_space<hbm>> -> memref<1x16x1024xf32, #tpu.memory_space<hbm>>
    %dma_start3A_205 = tpu.memref_squeeze %dma_start3A_204 : memref<1x16x1024xf32, #tpu.memory_space<hbm>> -> memref<16x1024xf32, #tpu.memory_space<hbm>>
    %dma_start3A_206 = arith.constant 0 : i32
    %dma_start3A_207 = tpu.memref_slice %arg4[%dma_start3A_202, %add3A_201, %dma_start3A_206] : memref<4x2048x1024xf32, #tpu.memory_space<hbm>> -> memref<1x16x1024xf32, #tpu.memory_space<hbm>>
    %dma_start3A_208 = tpu.memref_squeeze %dma_start3A_207 : memref<1x16x1024xf32, #tpu.memory_space<hbm>> -> memref<16x1024xf32, #tpu.memory_space<hbm>>
    tpu.enqueue_dma source(%arg7 : memref<16x1024xf32, #tpu.memory_space<vmem>>) target(%dma_start3A_208 : memref<16x1024xf32, #tpu.memory_space<hbm>>) target_semaphore(%arg13 : memref<!tpu.dma_semaphore, #tpu.memory_space<semaphore_mem>>)
    %add3A_209 = arith.constant 16 : i32
    %add3A_210 = arith.addi %mul3A_2, %add3A_209 : i32
    %dma_start3A_211 = arith.constant 2 : i32
    %dma_start3A_212 = arith.constant 0 : i32
    %dma_start3A_213 = tpu.memref_slice %arg2[%dma_start3A_211, %add3A_210, %dma_start3A_212] : memref<4x2048x1024xf32, #tpu.memory_space<hbm>> -> memref<1x16x1024xf32, #tpu.memory_space<hbm>>
    %dma_start3A_214 = tpu.memref_squeeze %dma_start3A_213 : memref<1x16x1024xf32, #tpu.memory_space<hbm>> -> memref<16x1024xf32, #tpu.memory_space<hbm>>
    %dma_start3A_215 = arith.constant 0 : i32
    %dma_start3A_216 = tpu.memref_slice %arg2[%dma_start3A_211, %add3A_210, %dma_start3A_215] : memref<4x2048x1024xf32, #tpu.memory_space<hbm>> -> memref<1x16x1024xf32, #tpu.memory_space<hbm>>
    %dma_start3A_217 = tpu.memref_squeeze %dma_start3A_216 : memref<1x16x1024xf32, #tpu.memory_space<hbm>> -> memref<16x1024xf32, #tpu.memory_space<hbm>>
    tpu.enqueue_dma source(%dma_start3A_217 : memref<16x1024xf32, #tpu.memory_space<hbm>>) target(%arg5 : memref<16x1024xf32, #tpu.memory_space<vmem>>) target_semaphore(%arg11 : memref<!tpu.dma_semaphore, #tpu.memory_space<semaphore_mem>>)
    %dma_wait3A_218 = arith.constant 1 : i32
    %dma_wait3A_219 = arith.constant 0 : i32
    %dma_wait3A_220 = tpu.memref_slice %arg2[%dma_wait3A_218, %add3A_168, %dma_wait3A_219] : memref<4x2048x1024xf32, #tpu.memory_space<hbm>> -> memref<1x16x1024xf32, #tpu.memory_space<hbm>>
    %dma_wait3A_221 = tpu.memref_squeeze %dma_wait3A_220 : memref<1x16x1024xf32, #tpu.memory_space<hbm>> -> memref<16x1024xf32, #tpu.memory_space<hbm>>
    %dma_wait3A_222 = arith.constant 0 : i32
    %dma_wait3A_223 = tpu.memref_slice %arg2[%dma_wait3A_218, %add3A_168, %dma_wait3A_222] : memref<4x2048x1024xf32, #tpu.memory_space<hbm>> -> memref<1x16x1024xf32, #tpu.memory_space<hbm>>
    %dma_wait3A_224 = tpu.memref_squeeze %dma_wait3A_223 : memref<1x16x1024xf32, #tpu.memory_space<hbm>> -> memref<16x1024xf32, #tpu.memory_space<hbm>>
    tpu.wait_dma2 semaphore(%arg12 : memref<!tpu.dma_semaphore, #tpu.memory_space<semaphore_mem>>) src(%dma_wait3A_224 : memref<16x1024xf32, #tpu.memory_space<hbm>>) dst(%arg6 : memref<16x1024xf32, #tpu.memory_space<vmem>>)
    %dma_wait3A_225 = arith.constant 3 : i32
    %dma_wait3A_226 = arith.constant 0 : i32
    %dma_wait3A_227 = tpu.memref_slice %arg4[%dma_wait3A_225, %add3A_150, %dma_wait3A_226] : memref<4x2048x1024xf32, #tpu.memory_space<hbm>> -> memref<1x16x1024xf32, #tpu.memory_space<hbm>>
    %dma_wait3A_228 = tpu.memref_squeeze %dma_wait3A_227 : memref<1x16x1024xf32, #tpu.memory_space<hbm>> -> memref<16x1024xf32, #tpu.memory_space<hbm>>
    %dma_wait3A_229 = arith.constant 0 : i32
    %dma_wait3A_230 = tpu.memref_slice %arg4[%dma_wait3A_225, %add3A_150, %dma_wait3A_229] : memref<4x2048x1024xf32, #tpu.memory_space<hbm>> -> memref<1x16x1024xf32, #tpu.memory_space<hbm>>
    %dma_wait3A_231 = tpu.memref_squeeze %dma_wait3A_230 : memref<1x16x1024xf32, #tpu.memory_space<hbm>> -> memref<16x1024xf32, #tpu.memory_space<hbm>>
    tpu.wait_dma2 semaphore(%arg14 : memref<!tpu.dma_semaphore, #tpu.memory_space<semaphore_mem>>) src(%arg8 : memref<16x1024xf32, #tpu.memory_space<vmem>>) dst(%dma_wait3A_231 : memref<16x1024xf32, #tpu.memory_space<hbm>>)
    %parallel_loop3A_232 = arith.constant 0 : i32
    %parallel_loop3A_233 = arith.constant 1024 : i32
    %parallel_loop3A_234 = arith.constant 1 : i32
    scf.for %parallel_loop3A_622 = %parallel_loop3A_232 to %parallel_loop3A_233 step %parallel_loop3A_234  : i32 {
      %parallel_loop3A_623 = arith.constant 64 : i32
      %parallel_loop3A_624 = arith.divsi %parallel_loop3A_622, %parallel_loop3A_623 : i32
      %parallel_loop3A_625 = arith.constant 0 : i32
      %parallel_loop3A_626 = arith.cmpi sgt, %parallel_loop3A_622, %parallel_loop3A_625 : i32
      %parallel_loop3A_627 = arith.extui %parallel_loop3A_626 : i1 to i32
      %parallel_loop3A_628 = arith.constant 0 : i32
      %parallel_loop3A_629 = arith.cmpi slt, %parallel_loop3A_622, %parallel_loop3A_628 : i32
      %parallel_loop3A_630 = arith.extui %parallel_loop3A_629 : i1 to i32
      %parallel_loop3A_631 = arith.subi %parallel_loop3A_627, %parallel_loop3A_630 : i32
      %parallel_loop3A_632 = arith.constant 0 : i32
      %parallel_loop3A_633 = arith.cmpi sgt, %parallel_loop3A_623, %parallel_loop3A_632 : i32
      %parallel_loop3A_634 = arith.extui %parallel_loop3A_633 : i1 to i32
      %parallel_loop3A_635 = arith.constant 0 : i32
      %parallel_loop3A_636 = arith.cmpi slt, %parallel_loop3A_623, %parallel_loop3A_635 : i32
      %parallel_loop3A_637 = arith.extui %parallel_loop3A_636 : i1 to i32
      %parallel_loop3A_638 = arith.subi %parallel_loop3A_634, %parallel_loop3A_637 : i32
      %parallel_loop3A_639 = arith.cmpi ne, %parallel_loop3A_631, %parallel_loop3A_638 : i32
      %parallel_loop3A_640 = arith.remsi %parallel_loop3A_622, %parallel_loop3A_623 : i32
      %parallel_loop3A_641 = arith.constant 0 : i32
      %parallel_loop3A_642 = arith.cmpi ne, %parallel_loop3A_640, %parallel_loop3A_641 : i32
      %parallel_loop3A_643 = arith.andi %parallel_loop3A_639, %parallel_loop3A_642 : i1
      %parallel_loop3A_644 = arith.constant 1 : i32
      %parallel_loop3A_645 = arith.subi %parallel_loop3A_624, %parallel_loop3A_644 : i32
      %parallel_loop3A_646 = arith.select %parallel_loop3A_643, %parallel_loop3A_645, %parallel_loop3A_624 : i32
      %parallel_loop3A_647 = arith.constant 64 : i32
      %parallel_loop3A_648 = arith.constant 0 : i32
      %parallel_loop3A_649 = arith.cmpi eq, %parallel_loop3A_647, %parallel_loop3A_648 : i32
      %parallel_loop3A_650 = arith.constant 1 : i32
      %parallel_loop3A_651 = arith.select %parallel_loop3A_649, %parallel_loop3A_650, %parallel_loop3A_647 : i32
      %parallel_loop3A_652 = arith.remsi %parallel_loop3A_622, %parallel_loop3A_651 : i32
      %parallel_loop3A_653 = arith.constant 0 : i32
      %parallel_loop3A_654 = arith.cmpi ne, %parallel_loop3A_652, %parallel_loop3A_653 : i32
      %parallel_loop3A_655 = arith.constant 0 : i32
      %parallel_loop3A_656 = arith.cmpi slt, %parallel_loop3A_652, %parallel_loop3A_655 : i32
      %parallel_loop3A_657 = arith.constant 0 : i32
      %parallel_loop3A_658 = arith.cmpi slt, %parallel_loop3A_651, %parallel_loop3A_657 : i32
      %parallel_loop3A_659 = arith.xori %parallel_loop3A_656, %parallel_loop3A_658 : i1
      %parallel_loop3A_660 = arith.andi %parallel_loop3A_659, %parallel_loop3A_654 : i1
      %parallel_loop3A_661 = arith.addi %parallel_loop3A_652, %parallel_loop3A_651 : i32
      %parallel_loop3A_662 = arith.select %parallel_loop3A_660, %parallel_loop3A_661, %parallel_loop3A_652 : i32
      %parallel_loop3A_663 = arith.constant 16 : i32
      %parallel_loop3A_664 = arith.muli %parallel_loop3A_662, %parallel_loop3A_663 : i32
      %parallel_loop3A_665 = arith.index_cast %parallel_loop3A_646 : i32 to index
      %parallel_loop3A_666 = arith.index_cast %parallel_loop3A_664 : i32 to index
      %parallel_loop3A_667 = tpu.vector_load %arg6[%parallel_loop3A_665, %parallel_loop3A_666] {strides = array<i32>} : memref<16x1024xf32, #tpu.memory_space<vmem>>, vector<1x16xf32>,
      %parallel_loop3A_668 = vector.shape_cast %parallel_loop3A_667 : vector<1x16xf32> to vector<16xf32>
      %parallel_loop3A_669 = arith.index_cast %parallel_loop3A_646 : i32 to index
      %parallel_loop3A_670 = arith.index_cast %parallel_loop3A_664 : i32 to index
      %parallel_loop3A_671 = tpu.vector_load %arg10[%parallel_loop3A_669, %parallel_loop3A_670] {strides = array<i32>} : memref<16x1024xf32, #tpu.memory_space<vmem>>, vector<1x16xf32>,
      %parallel_loop3A_672 = vector.shape_cast %parallel_loop3A_671 : vector<1x16xf32> to vector<16xf32>
      %parallel_loop3A_673 = arith.constant 2.000000e-03 : f32
      %parallel_loop3A_674 = vector.broadcast %parallel_loop3A_673 : f32 to vector<16xf32>
      %parallel_loop3A_675 = arith.mulf %parallel_loop3A_672, %parallel_loop3A_674 : vector<16xf32>
      %parallel_loop3A_676 = arith.addf %parallel_loop3A_668, %parallel_loop3A_675 : vector<16xf32>
      %parallel_loop3A_677 = arith.index_cast %parallel_loop3A_646 : i32 to index
      %parallel_loop3A_678 = arith.index_cast %parallel_loop3A_664 : i32 to index
      %parallel_loop3A_679 = tpu.vector_load %arg8[%parallel_loop3A_677, %parallel_loop3A_678] {strides = array<i32>} : memref<16x1024xf32, #tpu.memory_space<vmem>>, vector<1x16xf32>,
      %parallel_loop3A_680 = vector.shape_cast %parallel_loop3A_679 : vector<1x16xf32> to vector<16xf32>
      %parallel_loop3A_681 = vector.shape_cast %parallel_loop3A_676 : vector<16xf32> to vector<1x16xf32>
      tpu.vector_store %arg8[%parallel_loop3A_677, %parallel_loop3A_678], %parallel_loop3A_681 {strides = array<i32>} : memref<16x1024xf32, #tpu.memory_space<vmem>>, vector<1x16xf32>,
    } {sc.loop_unroll_factor = 8 : i64, sc.parallel_access}
    %add3A_235 = arith.constant 16 : i32
    %add3A_236 = arith.addi %mul3A_2, %add3A_235 : i32
    %dma_start3A_237 = arith.constant 1 : i32
    %dma_start3A_238 = arith.constant 0 : i32
    %dma_start3A_239 = tpu.memref_slice %arg4[%dma_start3A_237, %add3A_236, %dma_start3A_238] : memref<4x2048x1024xf32, #tpu.memory_space<hbm>> -> memref<1x16x1024xf32, #tpu.memory_space<hbm>>
    %dma_start3A_240 = tpu.memref_squeeze %dma_start3A_239 : memref<1x16x1024xf32, #tpu.memory_space<hbm>> -> memref<16x1024xf32, #tpu.memory_space<hbm>>
    %dma_start3A_241 = arith.constant 0 : i32
    %dma_start3A_242 = tpu.memref_slice %arg4[%dma_start3A_237, %add3A_236, %dma_start3A_241] : memref<4x2048x1024xf32, #tpu.memory_space<hbm>> -> memref<1x16x1024xf32, #tpu.memory_space<hbm>>
    %dma_start3A_243 = tpu.memref_squeeze %dma_start3A_242 : memref<1x16x1024xf32, #tpu.memory_space<hbm>> -> memref<16x1024xf32, #tpu.memory_space<hbm>>
    tpu.enqueue_dma source(%arg8 : memref<16x1024xf32, #tpu.memory_space<vmem>>) target(%dma_start3A_243 : memref<16x1024xf32, #tpu.memory_space<hbm>>) target_semaphore(%arg14 : memref<!tpu.dma_semaphore, #tpu.memory_space<semaphore_mem>>)
    %add3A_244 = arith.constant 16 : i32
    %add3A_245 = arith.addi %mul3A_2, %add3A_244 : i32
    %dma_start3A_246 = arith.constant 3 : i32
    %dma_start3A_247 = arith.constant 0 : i32
    %dma_start3A_248 = tpu.memref_slice %arg2[%dma_start3A_246, %add3A_245, %dma_start3A_247] : memref<4x2048x1024xf32, #tpu.memory_space<hbm>> -> memref<1x16x1024xf32, #tpu.memory_space<hbm>>
    %dma_start3A_249 = tpu.memref_squeeze %dma_start3A_248 : memref<1x16x1024xf32, #tpu.memory_space<hbm>> -> memref<16x1024xf32, #tpu.memory_space<hbm>>
    %dma_start3A_250 = arith.constant 0 : i32
    %dma_start3A_251 = tpu.memref_slice %arg2[%dma_start3A_246, %add3A_245, %dma_start3A_250] : memref<4x2048x1024xf32, #tpu.memory_space<hbm>> -> memref<1x16x1024xf32, #tpu.memory_space<hbm>>
    %dma_start3A_252 = tpu.memref_squeeze %dma_start3A_251 : memref<1x16x1024xf32, #tpu.memory_space<hbm>> -> memref<16x1024xf32, #tpu.memory_space<hbm>>
    tpu.enqueue_dma source(%dma_start3A_252 : memref<16x1024xf32, #tpu.memory_space<hbm>>) target(%arg6 : memref<16x1024xf32, #tpu.memory_space<vmem>>) target_semaphore(%arg12 : memref<!tpu.dma_semaphore, #tpu.memory_space<semaphore_mem>>)
    %dma_wait3A_253 = arith.constant 2 : i32
    %dma_wait3A_254 = arith.constant 0 : i32
    %dma_wait3A_255 = tpu.memref_slice %arg2[%dma_wait3A_253, %add3A_210, %dma_wait3A_254] : memref<4x2048x1024xf32, #tpu.memory_space<hbm>> -> memref<1x16x1024xf32, #tpu.memory_space<hbm>>
    %dma_wait3A_256 = tpu.memref_squeeze %dma_wait3A_255 : memref<1x16x1024xf32, #tpu.memory_space<hbm>> -> memref<16x1024xf32, #tpu.memory_space<hbm>>
    %dma_wait3A_257 = arith.constant 0 : i32
    %dma_wait3A_258 = tpu.memref_slice %arg2[%dma_wait3A_253, %add3A_210, %dma_wait3A_257] : memref<4x2048x1024xf32, #tpu.memory_space<hbm>> -> memref<1x16x1024xf32, #tpu.memory_space<hbm>>
    %dma_wait3A_259 = tpu.memref_squeeze %dma_wait3A_258 : memref<1x16x1024xf32, #tpu.memory_space<hbm>> -> memref<16x1024xf32, #tpu.memory_space<hbm>>
    tpu.wait_dma2 semaphore(%arg11 : memref<!tpu.dma_semaphore, #tpu.memory_space<semaphore_mem>>) src(%dma_wait3A_259 : memref<16x1024xf32, #tpu.memory_space<hbm>>) dst(%arg5 : memref<16x1024xf32, #tpu.memory_space<vmem>>)
    %dma_wait3A_260 = arith.constant 0 : i32
    %dma_wait3A_261 = arith.constant 0 : i32
    %dma_wait3A_262 = tpu.memref_slice %arg4[%dma_wait3A_260, %add3A_201, %dma_wait3A_261] : memref<4x2048x1024xf32, #tpu.memory_space<hbm>> -> memref<1x16x1024xf32, #tpu.memory_space<hbm>>
    %dma_wait3A_263 = tpu.memref_squeeze %dma_wait3A_262 : memref<1x16x1024xf32, #tpu.memory_space<hbm>> -> memref<16x1024xf32, #tpu.memory_space<hbm>>
    %dma_wait3A_264 = arith.constant 0 : i32
    %dma_wait3A_265 = tpu.memref_slice %arg4[%dma_wait3A_260, %add3A_201, %dma_wait3A_264] : memref<4x2048x1024xf32, #tpu.memory_space<hbm>> -> memref<1x16x1024xf32, #tpu.memory_space<hbm>>
    %dma_wait3A_266 = tpu.memref_squeeze %dma_wait3A_265 : memref<1x16x1024xf32, #tpu.memory_space<hbm>> -> memref<16x1024xf32, #tpu.memory_space<hbm>>
    tpu.wait_dma2 semaphore(%arg13 : memref<!tpu.dma_semaphore, #tpu.memory_space<semaphore_mem>>) src(%arg7 : memref<16x1024xf32, #tpu.memory_space<vmem>>) dst(%dma_wait3A_266 : memref<16x1024xf32, #tpu.memory_space<hbm>>)
    %parallel_loop3A_267 = arith.constant 0 : i32
    %parallel_loop3A_268 = arith.constant 1024 : i32
    %parallel_loop3A_269 = arith.constant 1 : i32
    scf.for %parallel_loop3A_622 = %parallel_loop3A_267 to %parallel_loop3A_268 step %parallel_loop3A_269  : i32 {
      %parallel_loop3A_623 = arith.constant 64 : i32
      %parallel_loop3A_624 = arith.divsi %parallel_loop3A_622, %parallel_loop3A_623 : i32
      %parallel_loop3A_625 = arith.constant 0 : i32
      %parallel_loop3A_626 = arith.cmpi sgt, %parallel_loop3A_622, %parallel_loop3A_625 : i32
      %parallel_loop3A_627 = arith.extui %parallel_loop3A_626 : i1 to i32
      %parallel_loop3A_628 = arith.constant 0 : i32
      %parallel_loop3A_629 = arith.cmpi slt, %parallel_loop3A_622, %parallel_loop3A_628 : i32
      %parallel_loop3A_630 = arith.extui %parallel_loop3A_629 : i1 to i32
      %parallel_loop3A_631 = arith.subi %parallel_loop3A_627, %parallel_loop3A_630 : i32
      %parallel_loop3A_632 = arith.constant 0 : i32
      %parallel_loop3A_633 = arith.cmpi sgt, %parallel_loop3A_623, %parallel_loop3A_632 : i32
      %parallel_loop3A_634 = arith.extui %parallel_loop3A_633 : i1 to i32
      %parallel_loop3A_635 = arith.constant 0 : i32
      %parallel_loop3A_636 = arith.cmpi slt, %parallel_loop3A_623, %parallel_loop3A_635 : i32
      %parallel_loop3A_637 = arith.extui %parallel_loop3A_636 : i1 to i32
      %parallel_loop3A_638 = arith.subi %parallel_loop3A_634, %parallel_loop3A_637 : i32
      %parallel_loop3A_639 = arith.cmpi ne, %parallel_loop3A_631, %parallel_loop3A_638 : i32
      %parallel_loop3A_640 = arith.remsi %parallel_loop3A_622, %parallel_loop3A_623 : i32
      %parallel_loop3A_641 = arith.constant 0 : i32
      %parallel_loop3A_642 = arith.cmpi ne, %parallel_loop3A_640, %parallel_loop3A_641 : i32
      %parallel_loop3A_643 = arith.andi %parallel_loop3A_639, %parallel_loop3A_642 : i1
      %parallel_loop3A_644 = arith.constant 1 : i32
      %parallel_loop3A_645 = arith.subi %parallel_loop3A_624, %parallel_loop3A_644 : i32
      %parallel_loop3A_646 = arith.select %parallel_loop3A_643, %parallel_loop3A_645, %parallel_loop3A_624 : i32
      %parallel_loop3A_647 = arith.constant 64 : i32
      %parallel_loop3A_648 = arith.constant 0 : i32
      %parallel_loop3A_649 = arith.cmpi eq, %parallel_loop3A_647, %parallel_loop3A_648 : i32
      %parallel_loop3A_650 = arith.constant 1 : i32
      %parallel_loop3A_651 = arith.select %parallel_loop3A_649, %parallel_loop3A_650, %parallel_loop3A_647 : i32
      %parallel_loop3A_652 = arith.remsi %parallel_loop3A_622, %parallel_loop3A_651 : i32
      %parallel_loop3A_653 = arith.constant 0 : i32
      %parallel_loop3A_654 = arith.cmpi ne, %parallel_loop3A_652, %parallel_loop3A_653 : i32
      %parallel_loop3A_655 = arith.constant 0 : i32
      %parallel_loop3A_656 = arith.cmpi slt, %parallel_loop3A_652, %parallel_loop3A_655 : i32
      %parallel_loop3A_657 = arith.constant 0 : i32
      %parallel_loop3A_658 = arith.cmpi slt, %parallel_loop3A_651, %parallel_loop3A_657 : i32
      %parallel_loop3A_659 = arith.xori %parallel_loop3A_656, %parallel_loop3A_658 : i1
      %parallel_loop3A_660 = arith.andi %parallel_loop3A_659, %parallel_loop3A_654 : i1
      %parallel_loop3A_661 = arith.addi %parallel_loop3A_652, %parallel_loop3A_651 : i32
      %parallel_loop3A_662 = arith.select %parallel_loop3A_660, %parallel_loop3A_661, %parallel_loop3A_652 : i32
      %parallel_loop3A_663 = arith.constant 16 : i32
      %parallel_loop3A_664 = arith.muli %parallel_loop3A_662, %parallel_loop3A_663 : i32
      %parallel_loop3A_665 = arith.index_cast %parallel_loop3A_646 : i32 to index
      %parallel_loop3A_666 = arith.index_cast %parallel_loop3A_664 : i32 to index
      %parallel_loop3A_667 = tpu.vector_load %arg5[%parallel_loop3A_665, %parallel_loop3A_666] {strides = array<i32>} : memref<16x1024xf32, #tpu.memory_space<vmem>>, vector<1x16xf32>,
      %parallel_loop3A_668 = vector.shape_cast %parallel_loop3A_667 : vector<1x16xf32> to vector<16xf32>
      %parallel_loop3A_669 = arith.index_cast %parallel_loop3A_646 : i32 to index
      %parallel_loop3A_670 = arith.index_cast %parallel_loop3A_664 : i32 to index
      %parallel_loop3A_671 = tpu.vector_load %arg10[%parallel_loop3A_669, %parallel_loop3A_670] {strides = array<i32>} : memref<16x1024xf32, #tpu.memory_space<vmem>>, vector<1x16xf32>,
      %parallel_loop3A_672 = vector.shape_cast %parallel_loop3A_671 : vector<1x16xf32> to vector<16xf32>
      %parallel_loop3A_673 = arith.constant 2.000000e-03 : f32
      %parallel_loop3A_674 = vector.broadcast %parallel_loop3A_673 : f32 to vector<16xf32>
      %parallel_loop3A_675 = arith.mulf %parallel_loop3A_672, %parallel_loop3A_674 : vector<16xf32>
      %parallel_loop3A_676 = arith.addf %parallel_loop3A_668, %parallel_loop3A_675 : vector<16xf32>
      %parallel_loop3A_677 = arith.index_cast %parallel_loop3A_646 : i32 to index
      %parallel_loop3A_678 = arith.index_cast %parallel_loop3A_664 : i32 to index
      %parallel_loop3A_679 = tpu.vector_load %arg7[%parallel_loop3A_677, %parallel_loop3A_678] {strides = array<i32>} : memref<16x1024xf32, #tpu.memory_space<vmem>>, vector<1x16xf32>,
      %parallel_loop3A_680 = vector.shape_cast %parallel_loop3A_679 : vector<1x16xf32> to vector<16xf32>
      %parallel_loop3A_681 = vector.shape_cast %parallel_loop3A_676 : vector<16xf32> to vector<1x16xf32>
      tpu.vector_store %arg7[%parallel_loop3A_677, %parallel_loop3A_678], %parallel_loop3A_681 {strides = array<i32>} : memref<16x1024xf32, #tpu.memory_space<vmem>>, vector<1x16xf32>,
    } {sc.loop_unroll_factor = 8 : i64, sc.parallel_access}
    %add3A_270 = arith.constant 16 : i32
    %add3A_271 = arith.addi %mul3A_2, %add3A_270 : i32
    %dma_start3A_272 = arith.constant 2 : i32
    %dma_start3A_273 = arith.constant 0 : i32
    %dma_start3A_274 = tpu.memref_slice %arg4[%dma_start3A_272, %add3A_271, %dma_start3A_273] : memref<4x2048x1024xf32, #tpu.memory_space<hbm>> -> memref<1x16x1024xf32, #tpu.memory_space<hbm>>
    %dma_start3A_275 = tpu.memref_squeeze %dma_start3A_274 : memref<1x16x1024xf32, #tpu.memory_space<hbm>> -> memref<16x1024xf32, #tpu.memory_space<hbm>>
    %dma_start3A_276 = arith.constant 0 : i32
    %dma_start3A_277 = tpu.memref_slice %arg4[%dma_start3A_272, %add3A_271, %dma_start3A_276] : memref<4x2048x1024xf32, #tpu.memory_space<hbm>> -> memref<1x16x1024xf32, #tpu.memory_space<hbm>>
    %dma_start3A_278 = tpu.memref_squeeze %dma_start3A_277 : memref<1x16x1024xf32, #tpu.memory_space<hbm>> -> memref<16x1024xf32, #tpu.memory_space<hbm>>
    tpu.enqueue_dma source(%arg7 : memref<16x1024xf32, #tpu.memory_space<vmem>>) target(%dma_start3A_278 : memref<16x1024xf32, #tpu.memory_space<hbm>>) target_semaphore(%arg13 : memref<!tpu.dma_semaphore, #tpu.memory_space<semaphore_mem>>)
    %add3A_279 = arith.constant 32 : i32
    %add3A_280 = arith.addi %mul3A_2, %add3A_279 : i32
    %dma_start3A_281 = arith.constant 0 : i32
    %dma_start3A_282 = arith.constant 0 : i32
    %dma_start3A_283 = tpu.memref_slice %arg2[%dma_start3A_281, %add3A_280, %dma_start3A_282] : memref<4x2048x1024xf32, #tpu.memory_space<hbm>> -> memref<1x16x1024xf32, #tpu.memory_space<hbm>>
    %dma_start3A_284 = tpu.memref_squeeze %dma_start3A_283 : memref<1x16x1024xf32, #tpu.memory_space<hbm>> -> memref<16x1024xf32, #tpu.memory_space<hbm>>
    %dma_start3A_285 = arith.constant 0 : i32
    %dma_start3A_286 = tpu.memref_slice %arg2[%dma_start3A_281, %add3A_280, %dma_start3A_285] : memref<4x2048x1024xf32, #tpu.memory_space<hbm>> -> memref<1x16x1024xf32, #tpu.memory_space<hbm>>
    %dma_start3A_287 = tpu.memref_squeeze %dma_start3A_286 : memref<1x16x1024xf32, #tpu.memory_space<hbm>> -> memref<16x1024xf32, #tpu.memory_space<hbm>>
    tpu.enqueue_dma source(%dma_start3A_287 : memref<16x1024xf32, #tpu.memory_space<hbm>>) target(%arg5 : memref<16x1024xf32, #tpu.memory_space<vmem>>) target_semaphore(%arg11 : memref<!tpu.dma_semaphore, #tpu.memory_space<semaphore_mem>>)
    %dma_wait3A_288 = arith.constant 3 : i32
    %dma_wait3A_289 = arith.constant 0 : i32
    %dma_wait3A_290 = tpu.memref_slice %arg2[%dma_wait3A_288, %add3A_245, %dma_wait3A_289] : memref<4x2048x1024xf32, #tpu.memory_space<hbm>> -> memref<1x16x1024xf32, #tpu.memory_space<hbm>>
    %dma_wait3A_291 = tpu.memref_squeeze %dma_wait3A_290 : memref<1x16x1024xf32, #tpu.memory_space<hbm>> -> memref<16x1024xf32, #tpu.memory_space<hbm>>
    %dma_wait3A_292 = arith.constant 0 : i32
    %dma_wait3A_293 = tpu.memref_slice %arg2[%dma_wait3A_288, %add3A_245, %dma_wait3A_292] : memref<4x2048x1024xf32, #tpu.memory_space<hbm>> -> memref<1x16x1024xf32, #tpu.memory_space<hbm>>
    %dma_wait3A_294 = tpu.memref_squeeze %dma_wait3A_293 : memref<1x16x1024xf32, #tpu.memory_space<hbm>> -> memref<16x1024xf32, #tpu.memory_space<hbm>>
    tpu.wait_dma2 semaphore(%arg12 : memref<!tpu.dma_semaphore, #tpu.memory_space<semaphore_mem>>) src(%dma_wait3A_294 : memref<16x1024xf32, #tpu.memory_space<hbm>>) dst(%arg6 : memref<16x1024xf32, #tpu.memory_space<vmem>>)
    %dma_wait3A_295 = arith.constant 1 : i32
    %dma_wait3A_296 = arith.constant 0 : i32
    %dma_wait3A_297 = tpu.memref_slice %arg4[%dma_wait3A_295, %add3A_236, %dma_wait3A_296] : memref<4x2048x1024xf32, #tpu.memory_space<hbm>> -> memref<1x16x1024xf32, #tpu.memory_space<hbm>>
    %dma_wait3A_298 = tpu.memref_squeeze %dma_wait3A_297 : memref<1x16x1024xf32, #tpu.memory_space<hbm>> -> memref<16x1024xf32, #tpu.memory_space<hbm>>
    %dma_wait3A_299 = arith.constant 0 : i32
    %dma_wait3A_300 = tpu.memref_slice %arg4[%dma_wait3A_295, %add3A_236, %dma_wait3A_299] : memref<4x2048x1024xf32, #tpu.memory_space<hbm>> -> memref<1x16x1024xf32, #tpu.memory_space<hbm>>
    %dma_wait3A_301 = tpu.memref_squeeze %dma_wait3A_300 : memref<1x16x1024xf32, #tpu.memory_space<hbm>> -> memref<16x1024xf32, #tpu.memory_space<hbm>>
    tpu.wait_dma2 semaphore(%arg14 : memref<!tpu.dma_semaphore, #tpu.memory_space<semaphore_mem>>) src(%arg8 : memref<16x1024xf32, #tpu.memory_space<vmem>>) dst(%dma_wait3A_301 : memref<16x1024xf32, #tpu.memory_space<hbm>>)
    %parallel_loop3A_302 = arith.constant 0 : i32
    %parallel_loop3A_303 = arith.constant 1024 : i32
    %parallel_loop3A_304 = arith.constant 1 : i32
    scf.for %parallel_loop3A_622 = %parallel_loop3A_302 to %parallel_loop3A_303 step %parallel_loop3A_304  : i32 {
      %parallel_loop3A_623 = arith.constant 64 : i32
      %parallel_loop3A_624 = arith.divsi %parallel_loop3A_622, %parallel_loop3A_623 : i32
      %parallel_loop3A_625 = arith.constant 0 : i32
      %parallel_loop3A_626 = arith.cmpi sgt, %parallel_loop3A_622, %parallel_loop3A_625 : i32
      %parallel_loop3A_627 = arith.extui %parallel_loop3A_626 : i1 to i32
      %parallel_loop3A_628 = arith.constant 0 : i32
      %parallel_loop3A_629 = arith.cmpi slt, %parallel_loop3A_622, %parallel_loop3A_628 : i32
      %parallel_loop3A_630 = arith.extui %parallel_loop3A_629 : i1 to i32
      %parallel_loop3A_631 = arith.subi %parallel_loop3A_627, %parallel_loop3A_630 : i32
      %parallel_loop3A_632 = arith.constant 0 : i32
      %parallel_loop3A_633 = arith.cmpi sgt, %parallel_loop3A_623, %parallel_loop3A_632 : i32
      %parallel_loop3A_634 = arith.extui %parallel_loop3A_633 : i1 to i32
      %parallel_loop3A_635 = arith.constant 0 : i32
      %parallel_loop3A_636 = arith.cmpi slt, %parallel_loop3A_623, %parallel_loop3A_635 : i32
      %parallel_loop3A_637 = arith.extui %parallel_loop3A_636 : i1 to i32
      %parallel_loop3A_638 = arith.subi %parallel_loop3A_634, %parallel_loop3A_637 : i32
      %parallel_loop3A_639 = arith.cmpi ne, %parallel_loop3A_631, %parallel_loop3A_638 : i32
      %parallel_loop3A_640 = arith.remsi %parallel_loop3A_622, %parallel_loop3A_623 : i32
      %parallel_loop3A_641 = arith.constant 0 : i32
      %parallel_loop3A_642 = arith.cmpi ne, %parallel_loop3A_640, %parallel_loop3A_641 : i32
      %parallel_loop3A_643 = arith.andi %parallel_loop3A_639, %parallel_loop3A_642 : i1
      %parallel_loop3A_644 = arith.constant 1 : i32
      %parallel_loop3A_645 = arith.subi %parallel_loop3A_624, %parallel_loop3A_644 : i32
      %parallel_loop3A_646 = arith.select %parallel_loop3A_643, %parallel_loop3A_645, %parallel_loop3A_624 : i32
      %parallel_loop3A_647 = arith.constant 64 : i32
      %parallel_loop3A_648 = arith.constant 0 : i32
      %parallel_loop3A_649 = arith.cmpi eq, %parallel_loop3A_647, %parallel_loop3A_648 : i32
      %parallel_loop3A_650 = arith.constant 1 : i32
      %parallel_loop3A_651 = arith.select %parallel_loop3A_649, %parallel_loop3A_650, %parallel_loop3A_647 : i32
      %parallel_loop3A_652 = arith.remsi %parallel_loop3A_622, %parallel_loop3A_651 : i32
      %parallel_loop3A_653 = arith.constant 0 : i32
      %parallel_loop3A_654 = arith.cmpi ne, %parallel_loop3A_652, %parallel_loop3A_653 : i32
      %parallel_loop3A_655 = arith.constant 0 : i32
      %parallel_loop3A_656 = arith.cmpi slt, %parallel_loop3A_652, %parallel_loop3A_655 : i32
      %parallel_loop3A_657 = arith.constant 0 : i32
      %parallel_loop3A_658 = arith.cmpi slt, %parallel_loop3A_651, %parallel_loop3A_657 : i32
      %parallel_loop3A_659 = arith.xori %parallel_loop3A_656, %parallel_loop3A_658 : i1
      %parallel_loop3A_660 = arith.andi %parallel_loop3A_659, %parallel_loop3A_654 : i1
      %parallel_loop3A_661 = arith.addi %parallel_loop3A_652, %parallel_loop3A_651 : i32
      %parallel_loop3A_662 = arith.select %parallel_loop3A_660, %parallel_loop3A_661, %parallel_loop3A_652 : i32
      %parallel_loop3A_663 = arith.constant 16 : i32
      %parallel_loop3A_664 = arith.muli %parallel_loop3A_662, %parallel_loop3A_663 : i32
      %parallel_loop3A_665 = arith.index_cast %parallel_loop3A_646 : i32 to index
      %parallel_loop3A_666 = arith.index_cast %parallel_loop3A_664 : i32 to index
      %parallel_loop3A_667 = tpu.vector_load %arg6[%parallel_loop3A_665, %parallel_loop3A_666] {strides = array<i32>} : memref<16x1024xf32, #tpu.memory_space<vmem>>, vector<1x16xf32>,
      %parallel_loop3A_668 = vector.shape_cast %parallel_loop3A_667 : vector<1x16xf32> to vector<16xf32>
      %parallel_loop3A_669 = arith.index_cast %parallel_loop3A_646 : i32 to index
      %parallel_loop3A_670 = arith.index_cast %parallel_loop3A_664 : i32 to index
      %parallel_loop3A_671 = tpu.vector_load %arg10[%parallel_loop3A_669, %parallel_loop3A_670] {strides = array<i32>} : memref<16x1024xf32, #tpu.memory_space<vmem>>, vector<1x16xf32>,
      %parallel_loop3A_672 = vector.shape_cast %parallel_loop3A_671 : vector<1x16xf32> to vector<16xf32>
      %parallel_loop3A_673 = arith.constant 2.000000e-03 : f32
      %parallel_loop3A_674 = vector.broadcast %parallel_loop3A_673 : f32 to vector<16xf32>
      %parallel_loop3A_675 = arith.mulf %parallel_loop3A_672, %parallel_loop3A_674 : vector<16xf32>
      %parallel_loop3A_676 = arith.addf %parallel_loop3A_668, %parallel_loop3A_675 : vector<16xf32>
      %parallel_loop3A_677 = arith.index_cast %parallel_loop3A_646 : i32 to index
      %parallel_loop3A_678 = arith.index_cast %parallel_loop3A_664 : i32 to index
      %parallel_loop3A_679 = tpu.vector_load %arg8[%parallel_loop3A_677, %parallel_loop3A_678] {strides = array<i32>} : memref<16x1024xf32, #tpu.memory_space<vmem>>, vector<1x16xf32>,
      %parallel_loop3A_680 = vector.shape_cast %parallel_loop3A_679 : vector<1x16xf32> to vector<16xf32>
      %parallel_loop3A_681 = vector.shape_cast %parallel_loop3A_676 : vector<16xf32> to vector<1x16xf32>
      tpu.vector_store %arg8[%parallel_loop3A_677, %parallel_loop3A_678], %parallel_loop3A_681 {strides = array<i32>} : memref<16x1024xf32, #tpu.memory_space<vmem>>, vector<1x16xf32>,
    } {sc.loop_unroll_factor = 8 : i64, sc.parallel_access}
    %add3A_305 = arith.constant 16 : i32
    %add3A_306 = arith.addi %mul3A_2, %add3A_305 : i32
    %dma_start3A_307 = arith.constant 3 : i32
    %dma_start3A_308 = arith.constant 0 : i32
    %dma_start3A_309 = tpu.memref_slice %arg4[%dma_start3A_307, %add3A_306, %dma_start3A_308] : memref<4x2048x1024xf32, #tpu.memory_space<hbm>> -> memref<1x16x1024xf32, #tpu.memory_space<hbm>>
    %dma_start3A_310 = tpu.memref_squeeze %dma_start3A_309 : memref<1x16x1024xf32, #tpu.memory_space<hbm>> -> memref<16x1024xf32, #tpu.memory_space<hbm>>
    %dma_start3A_311 = arith.constant 0 : i32
    %dma_start3A_312 = tpu.memref_slice %arg4[%dma_start3A_307, %add3A_306, %dma_start3A_311] : memref<4x2048x1024xf32, #tpu.memory_space<hbm>> -> memref<1x16x1024xf32, #tpu.memory_space<hbm>>
    %dma_start3A_313 = tpu.memref_squeeze %dma_start3A_312 : memref<1x16x1024xf32, #tpu.memory_space<hbm>> -> memref<16x1024xf32, #tpu.memory_space<hbm>>
    tpu.enqueue_dma source(%arg8 : memref<16x1024xf32, #tpu.memory_space<vmem>>) target(%dma_start3A_313 : memref<16x1024xf32, #tpu.memory_space<hbm>>) target_semaphore(%arg14 : memref<!tpu.dma_semaphore, #tpu.memory_space<semaphore_mem>>)
    %add3A_314 = arith.constant 48 : i32
    %add3A_315 = arith.addi %mul3A_2, %add3A_314 : i32
    %dma_start3A_316 = arith.constant 0 : i32
    %dma_start3A_317 = arith.constant 0 : i32
    %dma_start3A_318 = tpu.memref_slice %arg3[%add3A_315, %dma_start3A_316, %dma_start3A_317] : memref<2049x1x1024xf32, #tpu.memory_space<hbm>> -> memref<16x1x1024xf32, #tpu.memory_space<hbm>>
    %dma_start3A_319 = tpu.memref_squeeze %dma_start3A_318 : memref<16x1x1024xf32, #tpu.memory_space<hbm>> -> memref<16x1024xf32, #tpu.memory_space<hbm>>
    %dma_start3A_320 = arith.constant 0 : i32
    %dma_start3A_321 = tpu.memref_slice %arg3[%add3A_315, %dma_start3A_316, %dma_start3A_320] : memref<2049x1x1024xf32, #tpu.memory_space<hbm>> -> memref<16x1x1024xf32, #tpu.memory_space<hbm>>
    %dma_start3A_322 = tpu.memref_squeeze %dma_start3A_321 : memref<16x1x1024xf32, #tpu.memory_space<hbm>> -> memref<16x1024xf32, #tpu.memory_space<hbm>>
    tpu.enqueue_dma source(%dma_start3A_322 : memref<16x1024xf32, #tpu.memory_space<hbm>>) target(%arg10 : memref<16x1024xf32, #tpu.memory_space<vmem>>) target_semaphore(%arg16 : memref<!tpu.dma_semaphore, #tpu.memory_space<semaphore_mem>>)
    %add3A_323 = arith.constant 32 : i32
    %add3A_324 = arith.addi %mul3A_2, %add3A_323 : i32
    %dma_start3A_325 = arith.constant 1 : i32
    %dma_start3A_326 = arith.constant 0 : i32
    %dma_start3A_327 = tpu.memref_slice %arg2[%dma_start3A_325, %add3A_324, %dma_start3A_326] : memref<4x2048x1024xf32, #tpu.memory_space<hbm>> -> memref<1x16x1024xf32, #tpu.memory_space<hbm>>
    %dma_start3A_328 = tpu.memref_squeeze %dma_start3A_327 : memref<1x16x1024xf32, #tpu.memory_space<hbm>> -> memref<16x1024xf32, #tpu.memory_space<hbm>>
    %dma_start3A_329 = arith.constant 0 : i32
    %dma_start3A_330 = tpu.memref_slice %arg2[%dma_start3A_325, %add3A_324, %dma_start3A_329] : memref<4x2048x1024xf32, #tpu.memory_space<hbm>> -> memref<1x16x1024xf32, #tpu.memory_space<hbm>>
    %dma_start3A_331 = tpu.memref_squeeze %dma_start3A_330 : memref<1x16x1024xf32, #tpu.memory_space<hbm>> -> memref<16x1024xf32, #tpu.memory_space<hbm>>
    tpu.enqueue_dma source(%dma_start3A_331 : memref<16x1024xf32, #tpu.memory_space<hbm>>) target(%arg6 : memref<16x1024xf32, #tpu.memory_space<vmem>>) target_semaphore(%arg12 : memref<!tpu.dma_semaphore, #tpu.memory_space<semaphore_mem>>)
    %dma_wait3A_332 = arith.constant 0 : i32
    %dma_wait3A_333 = arith.constant 0 : i32
    %dma_wait3A_334 = tpu.memref_slice %arg3[%add3A_159, %dma_wait3A_332, %dma_wait3A_333] : memref<2049x1x1024xf32, #tpu.memory_space<hbm>> -> memref<16x1x1024xf32, #tpu.memory_space<hbm>>
    %dma_wait3A_335 = tpu.memref_squeeze %dma_wait3A_334 : memref<16x1x1024xf32, #tpu.memory_space<hbm>> -> memref<16x1024xf32, #tpu.memory_space<hbm>>
    %dma_wait3A_336 = arith.constant 0 : i32
    %dma_wait3A_337 = tpu.memref_slice %arg3[%add3A_159, %dma_wait3A_332, %dma_wait3A_336] : memref<2049x1x1024xf32, #tpu.memory_space<hbm>> -> memref<16x1x1024xf32, #tpu.memory_space<hbm>>
    %dma_wait3A_338 = tpu.memref_squeeze %dma_wait3A_337 : memref<16x1x1024xf32, #tpu.memory_space<hbm>> -> memref<16x1024xf32, #tpu.memory_space<hbm>>
    tpu.wait_dma2 semaphore(%arg15 : memref<!tpu.dma_semaphore, #tpu.memory_space<semaphore_mem>>) src(%dma_wait3A_338 : memref<16x1024xf32, #tpu.memory_space<hbm>>) dst(%arg9 : memref<16x1024xf32, #tpu.memory_space<vmem>>)
    %dma_wait3A_339 = arith.constant 0 : i32
    %dma_wait3A_340 = arith.constant 0 : i32
    %dma_wait3A_341 = tpu.memref_slice %arg2[%dma_wait3A_339, %add3A_280, %dma_wait3A_340] : memref<4x2048x1024xf32, #tpu.memory_space<hbm>> -> memref<1x16x1024xf32, #tpu.memory_space<hbm>>
    %dma_wait3A_342 = tpu.memref_squeeze %dma_wait3A_341 : memref<1x16x1024xf32, #tpu.memory_space<hbm>> -> memref<16x1024xf32, #tpu.memory_space<hbm>>
    %dma_wait3A_343 = arith.constant 0 : i32
    %dma_wait3A_344 = tpu.memref_slice %arg2[%dma_wait3A_339, %add3A_280, %dma_wait3A_343] : memref<4x2048x1024xf32, #tpu.memory_space<hbm>> -> memref<1x16x1024xf32, #tpu.memory_space<hbm>>
    %dma_wait3A_345 = tpu.memref_squeeze %dma_wait3A_344 : memref<1x16x1024xf32, #tpu.memory_space<hbm>> -> memref<16x1024xf32, #tpu.memory_space<hbm>>
    tpu.wait_dma2 semaphore(%arg11 : memref<!tpu.dma_semaphore, #tpu.memory_space<semaphore_mem>>) src(%dma_wait3A_345 : memref<16x1024xf32, #tpu.memory_space<hbm>>) dst(%arg5 : memref<16x1024xf32, #tpu.memory_space<vmem>>)
    %dma_wait3A_346 = arith.constant 2 : i32
    %dma_wait3A_347 = arith.constant 0 : i32
    %dma_wait3A_348 = tpu.memref_slice %arg4[%dma_wait3A_346, %add3A_271, %dma_wait3A_347] : memref<4x2048x1024xf32, #tpu.memory_space<hbm>> -> memref<1x16x1024xf32, #tpu.memory_space<hbm>>
    %dma_wait3A_349 = tpu.memref_squeeze %dma_wait3A_348 : memref<1x16x1024xf32, #tpu.memory_space<hbm>> -> memref<16x1024xf32, #tpu.memory_space<hbm>>
    %dma_wait3A_350 = arith.constant 0 : i32
    %dma_wait3A_351 = tpu.memref_slice %arg4[%dma_wait3A_346, %add3A_271, %dma_wait3A_350] : memref<4x2048x1024xf32, #tpu.memory_space<hbm>> -> memref<1x16x1024xf32, #tpu.memory_space<hbm>>
    %dma_wait3A_352 = tpu.memref_squeeze %dma_wait3A_351 : memref<1x16x1024xf32, #tpu.memory_space<hbm>> -> memref<16x1024xf32, #tpu.memory_space<hbm>>
    tpu.wait_dma2 semaphore(%arg13 : memref<!tpu.dma_semaphore, #tpu.memory_space<semaphore_mem>>) src(%arg7 : memref<16x1024xf32, #tpu.memory_space<vmem>>) dst(%dma_wait3A_352 : memref<16x1024xf32, #tpu.memory_space<hbm>>)
    %parallel_loop3A_353 = arith.constant 0 : i32
    %parallel_loop3A_354 = arith.constant 1024 : i32
    %parallel_loop3A_355 = arith.constant 1 : i32
    scf.for %parallel_loop3A_622 = %parallel_loop3A_353 to %parallel_loop3A_354 step %parallel_loop3A_355  : i32 {
      %parallel_loop3A_623 = arith.constant 64 : i32
      %parallel_loop3A_624 = arith.divsi %parallel_loop3A_622, %parallel_loop3A_623 : i32
      %parallel_loop3A_625 = arith.constant 0 : i32
      %parallel_loop3A_626 = arith.cmpi sgt, %parallel_loop3A_622, %parallel_loop3A_625 : i32
      %parallel_loop3A_627 = arith.extui %parallel_loop3A_626 : i1 to i32
      %parallel_loop3A_628 = arith.constant 0 : i32
      %parallel_loop3A_629 = arith.cmpi slt, %parallel_loop3A_622, %parallel_loop3A_628 : i32
      %parallel_loop3A_630 = arith.extui %parallel_loop3A_629 : i1 to i32
      %parallel_loop3A_631 = arith.subi %parallel_loop3A_627, %parallel_loop3A_630 : i32
      %parallel_loop3A_632 = arith.constant 0 : i32
      %parallel_loop3A_633 = arith.cmpi sgt, %parallel_loop3A_623, %parallel_loop3A_632 : i32
      %parallel_loop3A_634 = arith.extui %parallel_loop3A_633 : i1 to i32
      %parallel_loop3A_635 = arith.constant 0 : i32
      %parallel_loop3A_636 = arith.cmpi slt, %parallel_loop3A_623, %parallel_loop3A_635 : i32
      %parallel_loop3A_637 = arith.extui %parallel_loop3A_636 : i1 to i32
      %parallel_loop3A_638 = arith.subi %parallel_loop3A_634, %parallel_loop3A_637 : i32
      %parallel_loop3A_639 = arith.cmpi ne, %parallel_loop3A_631, %parallel_loop3A_638 : i32
      %parallel_loop3A_640 = arith.remsi %parallel_loop3A_622, %parallel_loop3A_623 : i32
      %parallel_loop3A_641 = arith.constant 0 : i32
      %parallel_loop3A_642 = arith.cmpi ne, %parallel_loop3A_640, %parallel_loop3A_641 : i32
      %parallel_loop3A_643 = arith.andi %parallel_loop3A_639, %parallel_loop3A_642 : i1
      %parallel_loop3A_644 = arith.constant 1 : i32
      %parallel_loop3A_645 = arith.subi %parallel_loop3A_624, %parallel_loop3A_644 : i32
      %parallel_loop3A_646 = arith.select %parallel_loop3A_643, %parallel_loop3A_645, %parallel_loop3A_624 : i32
      %parallel_loop3A_647 = arith.constant 64 : i32
      %parallel_loop3A_648 = arith.constant 0 : i32
      %parallel_loop3A_649 = arith.cmpi eq, %parallel_loop3A_647, %parallel_loop3A_648 : i32
      %parallel_loop3A_650 = arith.constant 1 : i32
      %parallel_loop3A_651 = arith.select %parallel_loop3A_649, %parallel_loop3A_650, %parallel_loop3A_647 : i32
      %parallel_loop3A_652 = arith.remsi %parallel_loop3A_622, %parallel_loop3A_651 : i32
      %parallel_loop3A_653 = arith.constant 0 : i32
      %parallel_loop3A_654 = arith.cmpi ne, %parallel_loop3A_652, %parallel_loop3A_653 : i32
      %parallel_loop3A_655 = arith.constant 0 : i32
      %parallel_loop3A_656 = arith.cmpi slt, %parallel_loop3A_652, %parallel_loop3A_655 : i32
      %parallel_loop3A_657 = arith.constant 0 : i32
      %parallel_loop3A_658 = arith.cmpi slt, %parallel_loop3A_651, %parallel_loop3A_657 : i32
      %parallel_loop3A_659 = arith.xori %parallel_loop3A_656, %parallel_loop3A_658 : i1
      %parallel_loop3A_660 = arith.andi %parallel_loop3A_659, %parallel_loop3A_654 : i1
      %parallel_loop3A_661 = arith.addi %parallel_loop3A_652, %parallel_loop3A_651 : i32
      %parallel_loop3A_662 = arith.select %parallel_loop3A_660, %parallel_loop3A_661, %parallel_loop3A_652 : i32
      %parallel_loop3A_663 = arith.constant 16 : i32
      %parallel_loop3A_664 = arith.muli %parallel_loop3A_662, %parallel_loop3A_663 : i32
      %parallel_loop3A_665 = arith.index_cast %parallel_loop3A_646 : i32 to index
      %parallel_loop3A_666 = arith.index_cast %parallel_loop3A_664 : i32 to index
      %parallel_loop3A_667 = tpu.vector_load %arg5[%parallel_loop3A_665, %parallel_loop3A_666] {strides = array<i32>} : memref<16x1024xf32, #tpu.memory_space<vmem>>, vector<1x16xf32>,
      %parallel_loop3A_668 = vector.shape_cast %parallel_loop3A_667 : vector<1x16xf32> to vector<16xf32>
      %parallel_loop3A_669 = arith.index_cast %parallel_loop3A_646 : i32 to index
      %parallel_loop3A_670 = arith.index_cast %parallel_loop3A_664 : i32 to index
      %parallel_loop3A_671 = tpu.vector_load %arg9[%parallel_loop3A_669, %parallel_loop3A_670] {strides = array<i32>} : memref<16x1024xf32, #tpu.memory_space<vmem>>, vector<1x16xf32>,
      %parallel_loop3A_672 = vector.shape_cast %parallel_loop3A_671 : vector<1x16xf32> to vector<16xf32>
      %parallel_loop3A_673 = arith.constant 2.000000e-03 : f32
      %parallel_loop3A_674 = vector.broadcast %parallel_loop3A_673 : f32 to vector<16xf32>
      %parallel_loop3A_675 = arith.mulf %parallel_loop3A_672, %parallel_loop3A_674 : vector<16xf32>
      %parallel_loop3A_676 = arith.addf %parallel_loop3A_668, %parallel_loop3A_675 : vector<16xf32>
      %parallel_loop3A_677 = arith.index_cast %parallel_loop3A_646 : i32 to index
      %parallel_loop3A_678 = arith.index_cast %parallel_loop3A_664 : i32 to index
      %parallel_loop3A_679 = tpu.vector_load %arg7[%parallel_loop3A_677, %parallel_loop3A_678] {strides = array<i32>} : memref<16x1024xf32, #tpu.memory_space<vmem>>, vector<1x16xf32>,
      %parallel_loop3A_680 = vector.shape_cast %parallel_loop3A_679 : vector<1x16xf32> to vector<16xf32>
      %parallel_loop3A_681 = vector.shape_cast %parallel_loop3A_676 : vector<16xf32> to vector<1x16xf32>
      tpu.vector_store %arg7[%parallel_loop3A_677, %parallel_loop3A_678], %parallel_loop3A_681 {strides = array<i32>} : memref<16x1024xf32, #tpu.memory_space<vmem>>, vector<1x16xf32>,
    } {sc.loop_unroll_factor = 8 : i64, sc.parallel_access}
    %add3A_356 = arith.constant 32 : i32
    %add3A_357 = arith.addi %mul3A_2, %add3A_356 : i32
    %dma_start3A_358 = arith.constant 0 : i32
    %dma_start3A_359 = arith.constant 0 : i32
    %dma_start3A_360 = tpu.memref_slice %arg4[%dma_start3A_358, %add3A_357, %dma_start3A_359] : memref<4x2048x1024xf32, #tpu.memory_space<hbm>> -> memref<1x16x1024xf32, #tpu.memory_space<hbm>>
    %dma_start3A_361 = tpu.memref_squeeze %dma_start3A_360 : memref<1x16x1024xf32, #tpu.memory_space<hbm>> -> memref<16x1024xf32, #tpu.memory_space<hbm>>
    %dma_start3A_362 = arith.constant 0 : i32
    %dma_start3A_363 = tpu.memref_slice %arg4[%dma_start3A_358, %add3A_357, %dma_start3A_362] : memref<4x2048x1024xf32, #tpu.memory_space<hbm>> -> memref<1x16x1024xf32, #tpu.memory_space<hbm>>
    %dma_start3A_364 = tpu.memref_squeeze %dma_start3A_363 : memref<1x16x1024xf32, #tpu.memory_space<hbm>> -> memref<16x1024xf32, #tpu.memory_space<hbm>>
    tpu.enqueue_dma source(%arg7 : memref<16x1024xf32, #tpu.memory_space<vmem>>) target(%dma_start3A_364 : memref<16x1024xf32, #tpu.memory_space<hbm>>) target_semaphore(%arg13 : memref<!tpu.dma_semaphore, #tpu.memory_space<semaphore_mem>>)
    %add3A_365 = arith.constant 32 : i32
    %add3A_366 = arith.addi %mul3A_2, %add3A_365 : i32
    %dma_start3A_367 = arith.constant 2 : i32
    %dma_start3A_368 = arith.constant 0 : i32
    %dma_start3A_369 = tpu.memref_slice %arg2[%dma_start3A_367, %add3A_366, %dma_start3A_368] : memref<4x2048x1024xf32, #tpu.memory_space<hbm>> -> memref<1x16x1024xf32, #tpu.memory_space<hbm>>
    %dma_start3A_370 = tpu.memref_squeeze %dma_start3A_369 : memref<1x16x1024xf32, #tpu.memory_space<hbm>> -> memref<16x1024xf32, #tpu.memory_space<hbm>>
    %dma_start3A_371 = arith.constant 0 : i32
    %dma_start3A_372 = tpu.memref_slice %arg2[%dma_start3A_367, %add3A_366, %dma_start3A_371] : memref<4x2048x1024xf32, #tpu.memory_space<hbm>> -> memref<1x16x1024xf32, #tpu.memory_space<hbm>>
    %dma_start3A_373 = tpu.memref_squeeze %dma_start3A_372 : memref<1x16x1024xf32, #tpu.memory_space<hbm>> -> memref<16x1024xf32, #tpu.memory_space<hbm>>
    tpu.enqueue_dma source(%dma_start3A_373 : memref<16x1024xf32, #tpu.memory_space<hbm>>) target(%arg5 : memref<16x1024xf32, #tpu.memory_space<vmem>>) target_semaphore(%arg11 : memref<!tpu.dma_semaphore, #tpu.memory_space<semaphore_mem>>)
    %dma_wait3A_374 = arith.constant 1 : i32
    %dma_wait3A_375 = arith.constant 0 : i32
    %dma_wait3A_376 = tpu.memref_slice %arg2[%dma_wait3A_374, %add3A_324, %dma_wait3A_375] : memref<4x2048x1024xf32, #tpu.memory_space<hbm>> -> memref<1x16x1024xf32, #tpu.memory_space<hbm>>
    %dma_wait3A_377 = tpu.memref_squeeze %dma_wait3A_376 : memref<1x16x1024xf32, #tpu.memory_space<hbm>> -> memref<16x1024xf32, #tpu.memory_space<hbm>>
    %dma_wait3A_378 = arith.constant 0 : i32
    %dma_wait3A_379 = tpu.memref_slice %arg2[%dma_wait3A_374, %add3A_324, %dma_wait3A_378] : memref<4x2048x1024xf32, #tpu.memory_space<hbm>> -> memref<1x16x1024xf32, #tpu.memory_space<hbm>>
    %dma_wait3A_380 = tpu.memref_squeeze %dma_wait3A_379 : memref<1x16x1024xf32, #tpu.memory_space<hbm>> -> memref<16x1024xf32, #tpu.memory_space<hbm>>
    tpu.wait_dma2 semaphore(%arg12 : memref<!tpu.dma_semaphore, #tpu.memory_space<semaphore_mem>>) src(%dma_wait3A_380 : memref<16x1024xf32, #tpu.memory_space<hbm>>) dst(%arg6 : memref<16x1024xf32, #tpu.memory_space<vmem>>)
    %dma_wait3A_381 = arith.constant 3 : i32
    %dma_wait3A_382 = arith.constant 0 : i32
    %dma_wait3A_383 = tpu.memref_slice %arg4[%dma_wait3A_381, %add3A_306, %dma_wait3A_382] : memref<4x2048x1024xf32, #tpu.memory_space<hbm>> -> memref<1x16x1024xf32, #tpu.memory_space<hbm>>
    %dma_wait3A_384 = tpu.memref_squeeze %dma_wait3A_383 : memref<1x16x1024xf32, #tpu.memory_space<hbm>> -> memref<16x1024xf32, #tpu.memory_space<hbm>>
    %dma_wait3A_385 = arith.constant 0 : i32
    %dma_wait3A_386 = tpu.memref_slice %arg4[%dma_wait3A_381, %add3A_306, %dma_wait3A_385] : memref<4x2048x1024xf32, #tpu.memory_space<hbm>> -> memref<1x16x1024xf32, #tpu.memory_space<hbm>>
    %dma_wait3A_387 = tpu.memref_squeeze %dma_wait3A_386 : memref<1x16x1024xf32, #tpu.memory_space<hbm>> -> memref<16x1024xf32, #tpu.memory_space<hbm>>
    tpu.wait_dma2 semaphore(%arg14 : memref<!tpu.dma_semaphore, #tpu.memory_space<semaphore_mem>>) src(%arg8 : memref<16x1024xf32, #tpu.memory_space<vmem>>) dst(%dma_wait3A_387 : memref<16x1024xf32, #tpu.memory_space<hbm>>)
    %parallel_loop3A_388 = arith.constant 0 : i32
    %parallel_loop3A_389 = arith.constant 1024 : i32
    %parallel_loop3A_390 = arith.constant 1 : i32
    scf.for %parallel_loop3A_622 = %parallel_loop3A_388 to %parallel_loop3A_389 step %parallel_loop3A_390  : i32 {
      %parallel_loop3A_623 = arith.constant 64 : i32
      %parallel_loop3A_624 = arith.divsi %parallel_loop3A_622, %parallel_loop3A_623 : i32
      %parallel_loop3A_625 = arith.constant 0 : i32
      %parallel_loop3A_626 = arith.cmpi sgt, %parallel_loop3A_622, %parallel_loop3A_625 : i32
      %parallel_loop3A_627 = arith.extui %parallel_loop3A_626 : i1 to i32
      %parallel_loop3A_628 = arith.constant 0 : i32
      %parallel_loop3A_629 = arith.cmpi slt, %parallel_loop3A_622, %parallel_loop3A_628 : i32
      %parallel_loop3A_630 = arith.extui %parallel_loop3A_629 : i1 to i32
      %parallel_loop3A_631 = arith.subi %parallel_loop3A_627, %parallel_loop3A_630 : i32
      %parallel_loop3A_632 = arith.constant 0 : i32
      %parallel_loop3A_633 = arith.cmpi sgt, %parallel_loop3A_623, %parallel_loop3A_632 : i32
      %parallel_loop3A_634 = arith.extui %parallel_loop3A_633 : i1 to i32
      %parallel_loop3A_635 = arith.constant 0 : i32
      %parallel_loop3A_636 = arith.cmpi slt, %parallel_loop3A_623, %parallel_loop3A_635 : i32
      %parallel_loop3A_637 = arith.extui %parallel_loop3A_636 : i1 to i32
      %parallel_loop3A_638 = arith.subi %parallel_loop3A_634, %parallel_loop3A_637 : i32
      %parallel_loop3A_639 = arith.cmpi ne, %parallel_loop3A_631, %parallel_loop3A_638 : i32
      %parallel_loop3A_640 = arith.remsi %parallel_loop3A_622, %parallel_loop3A_623 : i32
      %parallel_loop3A_641 = arith.constant 0 : i32
      %parallel_loop3A_642 = arith.cmpi ne, %parallel_loop3A_640, %parallel_loop3A_641 : i32
      %parallel_loop3A_643 = arith.andi %parallel_loop3A_639, %parallel_loop3A_642 : i1
      %parallel_loop3A_644 = arith.constant 1 : i32
      %parallel_loop3A_645 = arith.subi %parallel_loop3A_624, %parallel_loop3A_644 : i32
      %parallel_loop3A_646 = arith.select %parallel_loop3A_643, %parallel_loop3A_645, %parallel_loop3A_624 : i32
      %parallel_loop3A_647 = arith.constant 64 : i32
      %parallel_loop3A_648 = arith.constant 0 : i32
      %parallel_loop3A_649 = arith.cmpi eq, %parallel_loop3A_647, %parallel_loop3A_648 : i32
      %parallel_loop3A_650 = arith.constant 1 : i32
      %parallel_loop3A_651 = arith.select %parallel_loop3A_649, %parallel_loop3A_650, %parallel_loop3A_647 : i32
      %parallel_loop3A_652 = arith.remsi %parallel_loop3A_622, %parallel_loop3A_651 : i32
      %parallel_loop3A_653 = arith.constant 0 : i32
      %parallel_loop3A_654 = arith.cmpi ne, %parallel_loop3A_652, %parallel_loop3A_653 : i32
      %parallel_loop3A_655 = arith.constant 0 : i32
      %parallel_loop3A_656 = arith.cmpi slt, %parallel_loop3A_652, %parallel_loop3A_655 : i32
      %parallel_loop3A_657 = arith.constant 0 : i32
      %parallel_loop3A_658 = arith.cmpi slt, %parallel_loop3A_651, %parallel_loop3A_657 : i32
      %parallel_loop3A_659 = arith.xori %parallel_loop3A_656, %parallel_loop3A_658 : i1
      %parallel_loop3A_660 = arith.andi %parallel_loop3A_659, %parallel_loop3A_654 : i1
      %parallel_loop3A_661 = arith.addi %parallel_loop3A_652, %parallel_loop3A_651 : i32
      %parallel_loop3A_662 = arith.select %parallel_loop3A_660, %parallel_loop3A_661, %parallel_loop3A_652 : i32
      %parallel_loop3A_663 = arith.constant 16 : i32
      %parallel_loop3A_664 = arith.muli %parallel_loop3A_662, %parallel_loop3A_663 : i32
      %parallel_loop3A_665 = arith.index_cast %parallel_loop3A_646 : i32 to index
      %parallel_loop3A_666 = arith.index_cast %parallel_loop3A_664 : i32 to index
      %parallel_loop3A_667 = tpu.vector_load %arg6[%parallel_loop3A_665, %parallel_loop3A_666] {strides = array<i32>} : memref<16x1024xf32, #tpu.memory_space<vmem>>, vector<1x16xf32>,
      %parallel_loop3A_668 = vector.shape_cast %parallel_loop3A_667 : vector<1x16xf32> to vector<16xf32>
      %parallel_loop3A_669 = arith.index_cast %parallel_loop3A_646 : i32 to index
      %parallel_loop3A_670 = arith.index_cast %parallel_loop3A_664 : i32 to index
      %parallel_loop3A_671 = tpu.vector_load %arg9[%parallel_loop3A_669, %parallel_loop3A_670] {strides = array<i32>} : memref<16x1024xf32, #tpu.memory_space<vmem>>, vector<1x16xf32>,
      %parallel_loop3A_672 = vector.shape_cast %parallel_loop3A_671 : vector<1x16xf32> to vector<16xf32>
      %parallel_loop3A_673 = arith.constant 2.000000e-03 : f32
      %parallel_loop3A_674 = vector.broadcast %parallel_loop3A_673 : f32 to vector<16xf32>
      %parallel_loop3A_675 = arith.mulf %parallel_loop3A_672, %parallel_loop3A_674 : vector<16xf32>
      %parallel_loop3A_676 = arith.addf %parallel_loop3A_668, %parallel_loop3A_675 : vector<16xf32>
      %parallel_loop3A_677 = arith.index_cast %parallel_loop3A_646 : i32 to index
      %parallel_loop3A_678 = arith.index_cast %parallel_loop3A_664 : i32 to index
      %parallel_loop3A_679 = tpu.vector_load %arg8[%parallel_loop3A_677, %parallel_loop3A_678] {strides = array<i32>} : memref<16x1024xf32, #tpu.memory_space<vmem>>, vector<1x16xf32>,
      %parallel_loop3A_680 = vector.shape_cast %parallel_loop3A_679 : vector<1x16xf32> to vector<16xf32>
      %parallel_loop3A_681 = vector.shape_cast %parallel_loop3A_676 : vector<16xf32> to vector<1x16xf32>
      tpu.vector_store %arg8[%parallel_loop3A_677, %parallel_loop3A_678], %parallel_loop3A_681 {strides = array<i32>} : memref<16x1024xf32, #tpu.memory_space<vmem>>, vector<1x16xf32>,
    } {sc.loop_unroll_factor = 8 : i64, sc.parallel_access}
    %add3A_391 = arith.constant 32 : i32
    %add3A_392 = arith.addi %mul3A_2, %add3A_391 : i32
    %dma_start3A_393 = arith.constant 1 : i32
    %dma_start3A_394 = arith.constant 0 : i32
    %dma_start3A_395 = tpu.memref_slice %arg4[%dma_start3A_393, %add3A_392, %dma_start3A_394] : memref<4x2048x1024xf32, #tpu.memory_space<hbm>> -> memref<1x16x1024xf32, #tpu.memory_space<hbm>>
    %dma_start3A_396 = tpu.memref_squeeze %dma_start3A_395 : memref<1x16x1024xf32, #tpu.memory_space<hbm>> -> memref<16x1024xf32, #tpu.memory_space<hbm>>
    %dma_start3A_397 = arith.constant 0 : i32
    %dma_start3A_398 = tpu.memref_slice %arg4[%dma_start3A_393, %add3A_392, %dma_start3A_397] : memref<4x2048x1024xf32, #tpu.memory_space<hbm>> -> memref<1x16x1024xf32, #tpu.memory_space<hbm>>
    %dma_start3A_399 = tpu.memref_squeeze %dma_start3A_398 : memref<1x16x1024xf32, #tpu.memory_space<hbm>> -> memref<16x1024xf32, #tpu.memory_space<hbm>>
    tpu.enqueue_dma source(%arg8 : memref<16x1024xf32, #tpu.memory_space<vmem>>) target(%dma_start3A_399 : memref<16x1024xf32, #tpu.memory_space<hbm>>) target_semaphore(%arg14 : memref<!tpu.dma_semaphore, #tpu.memory_space<semaphore_mem>>)
    %add3A_400 = arith.constant 32 : i32
    %add3A_401 = arith.addi %mul3A_2, %add3A_400 : i32
    %dma_start3A_402 = arith.constant 3 : i32
    %dma_start3A_403 = arith.constant 0 : i32
    %dma_start3A_404 = tpu.memref_slice %arg2[%dma_start3A_402, %add3A_401, %dma_start3A_403] : memref<4x2048x1024xf32, #tpu.memory_space<hbm>> -> memref<1x16x1024xf32, #tpu.memory_space<hbm>>
    %dma_start3A_405 = tpu.memref_squeeze %dma_start3A_404 : memref<1x16x1024xf32, #tpu.memory_space<hbm>> -> memref<16x1024xf32, #tpu.memory_space<hbm>>
    %dma_start3A_406 = arith.constant 0 : i32
    %dma_start3A_407 = tpu.memref_slice %arg2[%dma_start3A_402, %add3A_401, %dma_start3A_406] : memref<4x2048x1024xf32, #tpu.memory_space<hbm>> -> memref<1x16x1024xf32, #tpu.memory_space<hbm>>
    %dma_start3A_408 = tpu.memref_squeeze %dma_start3A_407 : memref<1x16x1024xf32, #tpu.memory_space<hbm>> -> memref<16x1024xf32, #tpu.memory_space<hbm>>
    tpu.enqueue_dma source(%dma_start3A_408 : memref<16x1024xf32, #tpu.memory_space<hbm>>) target(%arg6 : memref<16x1024xf32, #tpu.memory_space<vmem>>) target_semaphore(%arg12 : memref<!tpu.dma_semaphore, #tpu.memory_space<semaphore_mem>>)
    %dma_wait3A_409 = arith.constant 2 : i32
    %dma_wait3A_410 = arith.constant 0 : i32
    %dma_wait3A_411 = tpu.memref_slice %arg2[%dma_wait3A_409, %add3A_366, %dma_wait3A_410] : memref<4x2048x1024xf32, #tpu.memory_space<hbm>> -> memref<1x16x1024xf32, #tpu.memory_space<hbm>>
    %dma_wait3A_412 = tpu.memref_squeeze %dma_wait3A_411 : memref<1x16x1024xf32, #tpu.memory_space<hbm>> -> memref<16x1024xf32, #tpu.memory_space<hbm>>
    %dma_wait3A_413 = arith.constant 0 : i32
    %dma_wait3A_414 = tpu.memref_slice %arg2[%dma_wait3A_409, %add3A_366, %dma_wait3A_413] : memref<4x2048x1024xf32, #tpu.memory_space<hbm>> -> memref<1x16x1024xf32, #tpu.memory_space<hbm>>
    %dma_wait3A_415 = tpu.memref_squeeze %dma_wait3A_414 : memref<1x16x1024xf32, #tpu.memory_space<hbm>> -> memref<16x1024xf32, #tpu.memory_space<hbm>>
    tpu.wait_dma2 semaphore(%arg11 : memref<!tpu.dma_semaphore, #tpu.memory_space<semaphore_mem>>) src(%dma_wait3A_415 : memref<16x1024xf32, #tpu.memory_space<hbm>>) dst(%arg5 : memref<16x1024xf32, #tpu.memory_space<vmem>>)
    %dma_wait3A_416 = arith.constant 0 : i32
    %dma_wait3A_417 = arith.constant 0 : i32
    %dma_wait3A_418 = tpu.memref_slice %arg4[%dma_wait3A_416, %add3A_357, %dma_wait3A_417] : memref<4x2048x1024xf32, #tpu.memory_space<hbm>> -> memref<1x16x1024xf32, #tpu.memory_space<hbm>>
    %dma_wait3A_419 = tpu.memref_squeeze %dma_wait3A_418 : memref<1x16x1024xf32, #tpu.memory_space<hbm>> -> memref<16x1024xf32, #tpu.memory_space<hbm>>
    %dma_wait3A_420 = arith.constant 0 : i32
    %dma_wait3A_421 = tpu.memref_slice %arg4[%dma_wait3A_416, %add3A_357, %dma_wait3A_420] : memref<4x2048x1024xf32, #tpu.memory_space<hbm>> -> memref<1x16x1024xf32, #tpu.memory_space<hbm>>
    %dma_wait3A_422 = tpu.memref_squeeze %dma_wait3A_421 : memref<1x16x1024xf32, #tpu.memory_space<hbm>> -> memref<16x1024xf32, #tpu.memory_space<hbm>>
    tpu.wait_dma2 semaphore(%arg13 : memref<!tpu.dma_semaphore, #tpu.memory_space<semaphore_mem>>) src(%arg7 : memref<16x1024xf32, #tpu.memory_space<vmem>>) dst(%dma_wait3A_422 : memref<16x1024xf32, #tpu.memory_space<hbm>>)
    %parallel_loop3A_423 = arith.constant 0 : i32
    %parallel_loop3A_424 = arith.constant 1024 : i32
    %parallel_loop3A_425 = arith.constant 1 : i32
    scf.for %parallel_loop3A_622 = %parallel_loop3A_423 to %parallel_loop3A_424 step %parallel_loop3A_425  : i32 {
      %parallel_loop3A_623 = arith.constant 64 : i32
      %parallel_loop3A_624 = arith.divsi %parallel_loop3A_622, %parallel_loop3A_623 : i32
      %parallel_loop3A_625 = arith.constant 0 : i32
      %parallel_loop3A_626 = arith.cmpi sgt, %parallel_loop3A_622, %parallel_loop3A_625 : i32
      %parallel_loop3A_627 = arith.extui %parallel_loop3A_626 : i1 to i32
      %parallel_loop3A_628 = arith.constant 0 : i32
      %parallel_loop3A_629 = arith.cmpi slt, %parallel_loop3A_622, %parallel_loop3A_628 : i32
      %parallel_loop3A_630 = arith.extui %parallel_loop3A_629 : i1 to i32
      %parallel_loop3A_631 = arith.subi %parallel_loop3A_627, %parallel_loop3A_630 : i32
      %parallel_loop3A_632 = arith.constant 0 : i32
      %parallel_loop3A_633 = arith.cmpi sgt, %parallel_loop3A_623, %parallel_loop3A_632 : i32
      %parallel_loop3A_634 = arith.extui %parallel_loop3A_633 : i1 to i32
      %parallel_loop3A_635 = arith.constant 0 : i32
      %parallel_loop3A_636 = arith.cmpi slt, %parallel_loop3A_623, %parallel_loop3A_635 : i32
      %parallel_loop3A_637 = arith.extui %parallel_loop3A_636 : i1 to i32
      %parallel_loop3A_638 = arith.subi %parallel_loop3A_634, %parallel_loop3A_637 : i32
      %parallel_loop3A_639 = arith.cmpi ne, %parallel_loop3A_631, %parallel_loop3A_638 : i32
      %parallel_loop3A_640 = arith.remsi %parallel_loop3A_622, %parallel_loop3A_623 : i32
      %parallel_loop3A_641 = arith.constant 0 : i32
      %parallel_loop3A_642 = arith.cmpi ne, %parallel_loop3A_640, %parallel_loop3A_641 : i32
      %parallel_loop3A_643 = arith.andi %parallel_loop3A_639, %parallel_loop3A_642 : i1
      %parallel_loop3A_644 = arith.constant 1 : i32
      %parallel_loop3A_645 = arith.subi %parallel_loop3A_624, %parallel_loop3A_644 : i32
      %parallel_loop3A_646 = arith.select %parallel_loop3A_643, %parallel_loop3A_645, %parallel_loop3A_624 : i32
      %parallel_loop3A_647 = arith.constant 64 : i32
      %parallel_loop3A_648 = arith.constant 0 : i32
      %parallel_loop3A_649 = arith.cmpi eq, %parallel_loop3A_647, %parallel_loop3A_648 : i32
      %parallel_loop3A_650 = arith.constant 1 : i32
      %parallel_loop3A_651 = arith.select %parallel_loop3A_649, %parallel_loop3A_650, %parallel_loop3A_647 : i32
      %parallel_loop3A_652 = arith.remsi %parallel_loop3A_622, %parallel_loop3A_651 : i32
      %parallel_loop3A_653 = arith.constant 0 : i32
      %parallel_loop3A_654 = arith.cmpi ne, %parallel_loop3A_652, %parallel_loop3A_653 : i32
      %parallel_loop3A_655 = arith.constant 0 : i32
      %parallel_loop3A_656 = arith.cmpi slt, %parallel_loop3A_652, %parallel_loop3A_655 : i32
      %parallel_loop3A_657 = arith.constant 0 : i32
      %parallel_loop3A_658 = arith.cmpi slt, %parallel_loop3A_651, %parallel_loop3A_657 : i32
      %parallel_loop3A_659 = arith.xori %parallel_loop3A_656, %parallel_loop3A_658 : i1
      %parallel_loop3A_660 = arith.andi %parallel_loop3A_659, %parallel_loop3A_654 : i1
      %parallel_loop3A_661 = arith.addi %parallel_loop3A_652, %parallel_loop3A_651 : i32
      %parallel_loop3A_662 = arith.select %parallel_loop3A_660, %parallel_loop3A_661, %parallel_loop3A_652 : i32
      %parallel_loop3A_663 = arith.constant 16 : i32
      %parallel_loop3A_664 = arith.muli %parallel_loop3A_662, %parallel_loop3A_663 : i32
      %parallel_loop3A_665 = arith.index_cast %parallel_loop3A_646 : i32 to index
      %parallel_loop3A_666 = arith.index_cast %parallel_loop3A_664 : i32 to index
      %parallel_loop3A_667 = tpu.vector_load %arg5[%parallel_loop3A_665, %parallel_loop3A_666] {strides = array<i32>} : memref<16x1024xf32, #tpu.memory_space<vmem>>, vector<1x16xf32>,
      %parallel_loop3A_668 = vector.shape_cast %parallel_loop3A_667 : vector<1x16xf32> to vector<16xf32>
      %parallel_loop3A_669 = arith.index_cast %parallel_loop3A_646 : i32 to index
      %parallel_loop3A_670 = arith.index_cast %parallel_loop3A_664 : i32 to index
      %parallel_loop3A_671 = tpu.vector_load %arg9[%parallel_loop3A_669, %parallel_loop3A_670] {strides = array<i32>} : memref<16x1024xf32, #tpu.memory_space<vmem>>, vector<1x16xf32>,
      %parallel_loop3A_672 = vector.shape_cast %parallel_loop3A_671 : vector<1x16xf32> to vector<16xf32>
      %parallel_loop3A_673 = arith.constant 2.000000e-03 : f32
      %parallel_loop3A_674 = vector.broadcast %parallel_loop3A_673 : f32 to vector<16xf32>
      %parallel_loop3A_675 = arith.mulf %parallel_loop3A_672, %parallel_loop3A_674 : vector<16xf32>
      %parallel_loop3A_676 = arith.addf %parallel_loop3A_668, %parallel_loop3A_675 : vector<16xf32>
      %parallel_loop3A_677 = arith.index_cast %parallel_loop3A_646 : i32 to index
      %parallel_loop3A_678 = arith.index_cast %parallel_loop3A_664 : i32 to index
      %parallel_loop3A_679 = tpu.vector_load %arg7[%parallel_loop3A_677, %parallel_loop3A_678] {strides = array<i32>} : memref<16x1024xf32, #tpu.memory_space<vmem>>, vector<1x16xf32>,
      %parallel_loop3A_680 = vector.shape_cast %parallel_loop3A_679 : vector<1x16xf32> to vector<16xf32>
      %parallel_loop3A_681 = vector.shape_cast %parallel_loop3A_676 : vector<16xf32> to vector<1x16xf32>
      tpu.vector_store %arg7[%parallel_loop3A_677, %parallel_loop3A_678], %parallel_loop3A_681 {strides = array<i32>} : memref<16x1024xf32, #tpu.memory_space<vmem>>, vector<1x16xf32>,
    } {sc.loop_unroll_factor = 8 : i64, sc.parallel_access}
    %add3A_426 = arith.constant 32 : i32
    %add3A_427 = arith.addi %mul3A_2, %add3A_426 : i32
    %dma_start3A_428 = arith.constant 2 : i32
    %dma_start3A_429 = arith.constant 0 : i32
    %dma_start3A_430 = tpu.memref_slice %arg4[%dma_start3A_428, %add3A_427, %dma_start3A_429] : memref<4x2048x1024xf32, #tpu.memory_space<hbm>> -> memref<1x16x1024xf32, #tpu.memory_space<hbm>>
    %dma_start3A_431 = tpu.memref_squeeze %dma_start3A_430 : memref<1x16x1024xf32, #tpu.memory_space<hbm>> -> memref<16x1024xf32, #tpu.memory_space<hbm>>
    %dma_start3A_432 = arith.constant 0 : i32
    %dma_start3A_433 = tpu.memref_slice %arg4[%dma_start3A_428, %add3A_427, %dma_start3A_432] : memref<4x2048x1024xf32, #tpu.memory_space<hbm>> -> memref<1x16x1024xf32, #tpu.memory_space<hbm>>
    %dma_start3A_434 = tpu.memref_squeeze %dma_start3A_433 : memref<1x16x1024xf32, #tpu.memory_space<hbm>> -> memref<16x1024xf32, #tpu.memory_space<hbm>>
    tpu.enqueue_dma source(%arg7 : memref<16x1024xf32, #tpu.memory_space<vmem>>) target(%dma_start3A_434 : memref<16x1024xf32, #tpu.memory_space<hbm>>) target_semaphore(%arg13 : memref<!tpu.dma_semaphore, #tpu.memory_space<semaphore_mem>>)
    %add3A_435 = arith.constant 48 : i32
    %add3A_436 = arith.addi %mul3A_2, %add3A_435 : i32
    %dma_start3A_437 = arith.constant 0 : i32
    %dma_start3A_438 = arith.constant 0 : i32
    %dma_start3A_439 = tpu.memref_slice %arg2[%dma_start3A_437, %add3A_436, %dma_start3A_438] : memref<4x2048x1024xf32, #tpu.memory_space<hbm>> -> memref<1x16x1024xf32, #tpu.memory_space<hbm>>
    %dma_start3A_440 = tpu.memref_squeeze %dma_start3A_439 : memref<1x16x1024xf32, #tpu.memory_space<hbm>> -> memref<16x1024xf32, #tpu.memory_space<hbm>>
    %dma_start3A_441 = arith.constant 0 : i32
    %dma_start3A_442 = tpu.memref_slice %arg2[%dma_start3A_437, %add3A_436, %dma_start3A_441] : memref<4x2048x1024xf32, #tpu.memory_space<hbm>> -> memref<1x16x1024xf32, #tpu.memory_space<hbm>>
    %dma_start3A_443 = tpu.memref_squeeze %dma_start3A_442 : memref<1x16x1024xf32, #tpu.memory_space<hbm>> -> memref<16x1024xf32, #tpu.memory_space<hbm>>
    tpu.enqueue_dma source(%dma_start3A_443 : memref<16x1024xf32, #tpu.memory_space<hbm>>) target(%arg5 : memref<16x1024xf32, #tpu.memory_space<vmem>>) target_semaphore(%arg11 : memref<!tpu.dma_semaphore, #tpu.memory_space<semaphore_mem>>)
    %dma_wait3A_444 = arith.constant 3 : i32
    %dma_wait3A_445 = arith.constant 0 : i32
    %dma_wait3A_446 = tpu.memref_slice %arg2[%dma_wait3A_444, %add3A_401, %dma_wait3A_445] : memref<4x2048x1024xf32, #tpu.memory_space<hbm>> -> memref<1x16x1024xf32, #tpu.memory_space<hbm>>
    %dma_wait3A_447 = tpu.memref_squeeze %dma_wait3A_446 : memref<1x16x1024xf32, #tpu.memory_space<hbm>> -> memref<16x1024xf32, #tpu.memory_space<hbm>>
    %dma_wait3A_448 = arith.constant 0 : i32
    %dma_wait3A_449 = tpu.memref_slice %arg2[%dma_wait3A_444, %add3A_401, %dma_wait3A_448] : memref<4x2048x1024xf32, #tpu.memory_space<hbm>> -> memref<1x16x1024xf32, #tpu.memory_space<hbm>>
    %dma_wait3A_450 = tpu.memref_squeeze %dma_wait3A_449 : memref<1x16x1024xf32, #tpu.memory_space<hbm>> -> memref<16x1024xf32, #tpu.memory_space<hbm>>
    tpu.wait_dma2 semaphore(%arg12 : memref<!tpu.dma_semaphore, #tpu.memory_space<semaphore_mem>>) src(%dma_wait3A_450 : memref<16x1024xf32, #tpu.memory_space<hbm>>) dst(%arg6 : memref<16x1024xf32, #tpu.memory_space<vmem>>)
    %dma_wait3A_451 = arith.constant 1 : i32
    %dma_wait3A_452 = arith.constant 0 : i32
    %dma_wait3A_453 = tpu.memref_slice %arg4[%dma_wait3A_451, %add3A_392, %dma_wait3A_452] : memref<4x2048x1024xf32, #tpu.memory_space<hbm>> -> memref<1x16x1024xf32, #tpu.memory_space<hbm>>
    %dma_wait3A_454 = tpu.memref_squeeze %dma_wait3A_453 : memref<1x16x1024xf32, #tpu.memory_space<hbm>> -> memref<16x1024xf32, #tpu.memory_space<hbm>>
    %dma_wait3A_455 = arith.constant 0 : i32
    %dma_wait3A_456 = tpu.memref_slice %arg4[%dma_wait3A_451, %add3A_392, %dma_wait3A_455] : memref<4x2048x1024xf32, #tpu.memory_space<hbm>> -> memref<1x16x1024xf32, #tpu.memory_space<hbm>>
    %dma_wait3A_457 = tpu.memref_squeeze %dma_wait3A_456 : memref<1x16x1024xf32, #tpu.memory_space<hbm>> -> memref<16x1024xf32, #tpu.memory_space<hbm>>
    tpu.wait_dma2 semaphore(%arg14 : memref<!tpu.dma_semaphore, #tpu.memory_space<semaphore_mem>>) src(%arg8 : memref<16x1024xf32, #tpu.memory_space<vmem>>) dst(%dma_wait3A_457 : memref<16x1024xf32, #tpu.memory_space<hbm>>)
    %parallel_loop3A_458 = arith.constant 0 : i32
    %parallel_loop3A_459 = arith.constant 1024 : i32
    %parallel_loop3A_460 = arith.constant 1 : i32
    scf.for %parallel_loop3A_622 = %parallel_loop3A_458 to %parallel_loop3A_459 step %parallel_loop3A_460  : i32 {
      %parallel_loop3A_623 = arith.constant 64 : i32
      %parallel_loop3A_624 = arith.divsi %parallel_loop3A_622, %parallel_loop3A_623 : i32
      %parallel_loop3A_625 = arith.constant 0 : i32
      %parallel_loop3A_626 = arith.cmpi sgt, %parallel_loop3A_622, %parallel_loop3A_625 : i32
      %parallel_loop3A_627 = arith.extui %parallel_loop3A_626 : i1 to i32
      %parallel_loop3A_628 = arith.constant 0 : i32
      %parallel_loop3A_629 = arith.cmpi slt, %parallel_loop3A_622, %parallel_loop3A_628 : i32
      %parallel_loop3A_630 = arith.extui %parallel_loop3A_629 : i1 to i32
      %parallel_loop3A_631 = arith.subi %parallel_loop3A_627, %parallel_loop3A_630 : i32
      %parallel_loop3A_632 = arith.constant 0 : i32
      %parallel_loop3A_633 = arith.cmpi sgt, %parallel_loop3A_623, %parallel_loop3A_632 : i32
      %parallel_loop3A_634 = arith.extui %parallel_loop3A_633 : i1 to i32
      %parallel_loop3A_635 = arith.constant 0 : i32
      %parallel_loop3A_636 = arith.cmpi slt, %parallel_loop3A_623, %parallel_loop3A_635 : i32
      %parallel_loop3A_637 = arith.extui %parallel_loop3A_636 : i1 to i32
      %parallel_loop3A_638 = arith.subi %parallel_loop3A_634, %parallel_loop3A_637 : i32
      %parallel_loop3A_639 = arith.cmpi ne, %parallel_loop3A_631, %parallel_loop3A_638 : i32
      %parallel_loop3A_640 = arith.remsi %parallel_loop3A_622, %parallel_loop3A_623 : i32
      %parallel_loop3A_641 = arith.constant 0 : i32
      %parallel_loop3A_642 = arith.cmpi ne, %parallel_loop3A_640, %parallel_loop3A_641 : i32
      %parallel_loop3A_643 = arith.andi %parallel_loop3A_639, %parallel_loop3A_642 : i1
      %parallel_loop3A_644 = arith.constant 1 : i32
      %parallel_loop3A_645 = arith.subi %parallel_loop3A_624, %parallel_loop3A_644 : i32
      %parallel_loop3A_646 = arith.select %parallel_loop3A_643, %parallel_loop3A_645, %parallel_loop3A_624 : i32
      %parallel_loop3A_647 = arith.constant 64 : i32
      %parallel_loop3A_648 = arith.constant 0 : i32
      %parallel_loop3A_649 = arith.cmpi eq, %parallel_loop3A_647, %parallel_loop3A_648 : i32
      %parallel_loop3A_650 = arith.constant 1 : i32
      %parallel_loop3A_651 = arith.select %parallel_loop3A_649, %parallel_loop3A_650, %parallel_loop3A_647 : i32
      %parallel_loop3A_652 = arith.remsi %parallel_loop3A_622, %parallel_loop3A_651 : i32
      %parallel_loop3A_653 = arith.constant 0 : i32
      %parallel_loop3A_654 = arith.cmpi ne, %parallel_loop3A_652, %parallel_loop3A_653 : i32
      %parallel_loop3A_655 = arith.constant 0 : i32
      %parallel_loop3A_656 = arith.cmpi slt, %parallel_loop3A_652, %parallel_loop3A_655 : i32
      %parallel_loop3A_657 = arith.constant 0 : i32
      %parallel_loop3A_658 = arith.cmpi slt, %parallel_loop3A_651, %parallel_loop3A_657 : i32
      %parallel_loop3A_659 = arith.xori %parallel_loop3A_656, %parallel_loop3A_658 : i1
      %parallel_loop3A_660 = arith.andi %parallel_loop3A_659, %parallel_loop3A_654 : i1
      %parallel_loop3A_661 = arith.addi %parallel_loop3A_652, %parallel_loop3A_651 : i32
      %parallel_loop3A_662 = arith.select %parallel_loop3A_660, %parallel_loop3A_661, %parallel_loop3A_652 : i32
      %parallel_loop3A_663 = arith.constant 16 : i32
      %parallel_loop3A_664 = arith.muli %parallel_loop3A_662, %parallel_loop3A_663 : i32
      %parallel_loop3A_665 = arith.index_cast %parallel_loop3A_646 : i32 to index
      %parallel_loop3A_666 = arith.index_cast %parallel_loop3A_664 : i32 to index
      %parallel_loop3A_667 = tpu.vector_load %arg6[%parallel_loop3A_665, %parallel_loop3A_666] {strides = array<i32>} : memref<16x1024xf32, #tpu.memory_space<vmem>>, vector<1x16xf32>,
      %parallel_loop3A_668 = vector.shape_cast %parallel_loop3A_667 : vector<1x16xf32> to vector<16xf32>
      %parallel_loop3A_669 = arith.index_cast %parallel_loop3A_646 : i32 to index
      %parallel_loop3A_670 = arith.index_cast %parallel_loop3A_664 : i32 to index
      %parallel_loop3A_671 = tpu.vector_load %arg9[%parallel_loop3A_669, %parallel_loop3A_670] {strides = array<i32>} : memref<16x1024xf32, #tpu.memory_space<vmem>>, vector<1x16xf32>,
      %parallel_loop3A_672 = vector.shape_cast %parallel_loop3A_671 : vector<1x16xf32> to vector<16xf32>
      %parallel_loop3A_673 = arith.constant 2.000000e-03 : f32
      %parallel_loop3A_674 = vector.broadcast %parallel_loop3A_673 : f32 to vector<16xf32>
      %parallel_loop3A_675 = arith.mulf %parallel_loop3A_672, %parallel_loop3A_674 : vector<16xf32>
      %parallel_loop3A_676 = arith.addf %parallel_loop3A_668, %parallel_loop3A_675 : vector<16xf32>
      %parallel_loop3A_677 = arith.index_cast %parallel_loop3A_646 : i32 to index
      %parallel_loop3A_678 = arith.index_cast %parallel_loop3A_664 : i32 to index
      %parallel_loop3A_679 = tpu.vector_load %arg8[%parallel_loop3A_677, %parallel_loop3A_678] {strides = array<i32>} : memref<16x1024xf32, #tpu.memory_space<vmem>>, vector<1x16xf32>,
      %parallel_loop3A_680 = vector.shape_cast %parallel_loop3A_679 : vector<1x16xf32> to vector<16xf32>
      %parallel_loop3A_681 = vector.shape_cast %parallel_loop3A_676 : vector<16xf32> to vector<1x16xf32>
      tpu.vector_store %arg8[%parallel_loop3A_677, %parallel_loop3A_678], %parallel_loop3A_681 {strides = array<i32>} : memref<16x1024xf32, #tpu.memory_space<vmem>>, vector<1x16xf32>,
    } {sc.loop_unroll_factor = 8 : i64, sc.parallel_access}
    %add3A_461 = arith.constant 32 : i32
    %add3A_462 = arith.addi %mul3A_2, %add3A_461 : i32
    %dma_start3A_463 = arith.constant 3 : i32
    %dma_start3A_464 = arith.constant 0 : i32
    %dma_start3A_465 = tpu.memref_slice %arg4[%dma_start3A_463, %add3A_462, %dma_start3A_464] : memref<4x2048x1024xf32, #tpu.memory_space<hbm>> -> memref<1x16x1024xf32, #tpu.memory_space<hbm>>
    %dma_start3A_466 = tpu.memref_squeeze %dma_start3A_465 : memref<1x16x1024xf32, #tpu.memory_space<hbm>> -> memref<16x1024xf32, #tpu.memory_space<hbm>>
    %dma_start3A_467 = arith.constant 0 : i32
    %dma_start3A_468 = tpu.memref_slice %arg4[%dma_start3A_463, %add3A_462, %dma_start3A_467] : memref<4x2048x1024xf32, #tpu.memory_space<hbm>> -> memref<1x16x1024xf32, #tpu.memory_space<hbm>>
    %dma_start3A_469 = tpu.memref_squeeze %dma_start3A_468 : memref<1x16x1024xf32, #tpu.memory_space<hbm>> -> memref<16x1024xf32, #tpu.memory_space<hbm>>
    tpu.enqueue_dma source(%arg8 : memref<16x1024xf32, #tpu.memory_space<vmem>>) target(%dma_start3A_469 : memref<16x1024xf32, #tpu.memory_space<hbm>>) target_semaphore(%arg14 : memref<!tpu.dma_semaphore, #tpu.memory_space<semaphore_mem>>)
    %add3A_470 = arith.constant 48 : i32
    %add3A_471 = arith.addi %mul3A_2, %add3A_470 : i32
    %dma_start3A_472 = arith.constant 1 : i32
    %dma_start3A_473 = arith.constant 0 : i32
    %dma_start3A_474 = tpu.memref_slice %arg2[%dma_start3A_472, %add3A_471, %dma_start3A_473] : memref<4x2048x1024xf32, #tpu.memory_space<hbm>> -> memref<1x16x1024xf32, #tpu.memory_space<hbm>>
    %dma_start3A_475 = tpu.memref_squeeze %dma_start3A_474 : memref<1x16x1024xf32, #tpu.memory_space<hbm>> -> memref<16x1024xf32, #tpu.memory_space<hbm>>
    %dma_start3A_476 = arith.constant 0 : i32
    %dma_start3A_477 = tpu.memref_slice %arg2[%dma_start3A_472, %add3A_471, %dma_start3A_476] : memref<4x2048x1024xf32, #tpu.memory_space<hbm>> -> memref<1x16x1024xf32, #tpu.memory_space<hbm>>
    %dma_start3A_478 = tpu.memref_squeeze %dma_start3A_477 : memref<1x16x1024xf32, #tpu.memory_space<hbm>> -> memref<16x1024xf32, #tpu.memory_space<hbm>>
    tpu.enqueue_dma source(%dma_start3A_478 : memref<16x1024xf32, #tpu.memory_space<hbm>>) target(%arg6 : memref<16x1024xf32, #tpu.memory_space<vmem>>) target_semaphore(%arg12 : memref<!tpu.dma_semaphore, #tpu.memory_space<semaphore_mem>>)
    %dma_wait3A_479 = arith.constant 0 : i32
    %dma_wait3A_480 = arith.constant 0 : i32
    %dma_wait3A_481 = tpu.memref_slice %arg3[%add3A_315, %dma_wait3A_479, %dma_wait3A_480] : memref<2049x1x1024xf32, #tpu.memory_space<hbm>> -> memref<16x1x1024xf32, #tpu.memory_space<hbm>>
    %dma_wait3A_482 = tpu.memref_squeeze %dma_wait3A_481 : memref<16x1x1024xf32, #tpu.memory_space<hbm>> -> memref<16x1024xf32, #tpu.memory_space<hbm>>
    %dma_wait3A_483 = arith.constant 0 : i32
    %dma_wait3A_484 = tpu.memref_slice %arg3[%add3A_315, %dma_wait3A_479, %dma_wait3A_483] : memref<2049x1x1024xf32, #tpu.memory_space<hbm>> -> memref<16x1x1024xf32, #tpu.memory_space<hbm>>
    %dma_wait3A_485 = tpu.memref_squeeze %dma_wait3A_484 : memref<16x1x1024xf32, #tpu.memory_space<hbm>> -> memref<16x1024xf32, #tpu.memory_space<hbm>>
    tpu.wait_dma2 semaphore(%arg16 : memref<!tpu.dma_semaphore, #tpu.memory_space<semaphore_mem>>) src(%dma_wait3A_485 : memref<16x1024xf32, #tpu.memory_space<hbm>>) dst(%arg10 : memref<16x1024xf32, #tpu.memory_space<vmem>>)
    %dma_wait3A_486 = arith.constant 0 : i32
    %dma_wait3A_487 = arith.constant 0 : i32
    %dma_wait3A_488 = tpu.memref_slice %arg2[%dma_wait3A_486, %add3A_436, %dma_wait3A_487] : memref<4x2048x1024xf32, #tpu.memory_space<hbm>> -> memref<1x16x1024xf32, #tpu.memory_space<hbm>>
    %dma_wait3A_489 = tpu.memref_squeeze %dma_wait3A_488 : memref<1x16x1024xf32, #tpu.memory_space<hbm>> -> memref<16x1024xf32, #tpu.memory_space<hbm>>
    %dma_wait3A_490 = arith.constant 0 : i32
    %dma_wait3A_491 = tpu.memref_slice %arg2[%dma_wait3A_486, %add3A_436, %dma_wait3A_490] : memref<4x2048x1024xf32, #tpu.memory_space<hbm>> -> memref<1x16x1024xf32, #tpu.memory_space<hbm>>
    %dma_wait3A_492 = tpu.memref_squeeze %dma_wait3A_491 : memref<1x16x1024xf32, #tpu.memory_space<hbm>> -> memref<16x1024xf32, #tpu.memory_space<hbm>>
    tpu.wait_dma2 semaphore(%arg11 : memref<!tpu.dma_semaphore, #tpu.memory_space<semaphore_mem>>) src(%dma_wait3A_492 : memref<16x1024xf32, #tpu.memory_space<hbm>>) dst(%arg5 : memref<16x1024xf32, #tpu.memory_space<vmem>>)
    %dma_wait3A_493 = arith.constant 2 : i32
    %dma_wait3A_494 = arith.constant 0 : i32
    %dma_wait3A_495 = tpu.memref_slice %arg4[%dma_wait3A_493, %add3A_427, %dma_wait3A_494] : memref<4x2048x1024xf32, #tpu.memory_space<hbm>> -> memref<1x16x1024xf32, #tpu.memory_space<hbm>>
    %dma_wait3A_496 = tpu.memref_squeeze %dma_wait3A_495 : memref<1x16x1024xf32, #tpu.memory_space<hbm>> -> memref<16x1024xf32, #tpu.memory_space<hbm>>
    %dma_wait3A_497 = arith.constant 0 : i32
    %dma_wait3A_498 = tpu.memref_slice %arg4[%dma_wait3A_493, %add3A_427, %dma_wait3A_497] : memref<4x2048x1024xf32, #tpu.memory_space<hbm>> -> memref<1x16x1024xf32, #tpu.memory_space<hbm>>
    %dma_wait3A_499 = tpu.memref_squeeze %dma_wait3A_498 : memref<1x16x1024xf32, #tpu.memory_space<hbm>> -> memref<16x1024xf32, #tpu.memory_space<hbm>>
    tpu.wait_dma2 semaphore(%arg13 : memref<!tpu.dma_semaphore, #tpu.memory_space<semaphore_mem>>) src(%arg7 : memref<16x1024xf32, #tpu.memory_space<vmem>>) dst(%dma_wait3A_499 : memref<16x1024xf32, #tpu.memory_space<hbm>>)
    %parallel_loop3A_500 = arith.constant 0 : i32
    %parallel_loop3A_501 = arith.constant 1024 : i32
    %parallel_loop3A_502 = arith.constant 1 : i32
    scf.for %parallel_loop3A_622 = %parallel_loop3A_500 to %parallel_loop3A_501 step %parallel_loop3A_502  : i32 {
      %parallel_loop3A_623 = arith.constant 64 : i32
      %parallel_loop3A_624 = arith.divsi %parallel_loop3A_622, %parallel_loop3A_623 : i32
      %parallel_loop3A_625 = arith.constant 0 : i32
      %parallel_loop3A_626 = arith.cmpi sgt, %parallel_loop3A_622, %parallel_loop3A_625 : i32
      %parallel_loop3A_627 = arith.extui %parallel_loop3A_626 : i1 to i32
      %parallel_loop3A_628 = arith.constant 0 : i32
      %parallel_loop3A_629 = arith.cmpi slt, %parallel_loop3A_622, %parallel_loop3A_628 : i32
      %parallel_loop3A_630 = arith.extui %parallel_loop3A_629 : i1 to i32
      %parallel_loop3A_631 = arith.subi %parallel_loop3A_627, %parallel_loop3A_630 : i32
      %parallel_loop3A_632 = arith.constant 0 : i32
      %parallel_loop3A_633 = arith.cmpi sgt, %parallel_loop3A_623, %parallel_loop3A_632 : i32
      %parallel_loop3A_634 = arith.extui %parallel_loop3A_633 : i1 to i32
      %parallel_loop3A_635 = arith.constant 0 : i32
      %parallel_loop3A_636 = arith.cmpi slt, %parallel_loop3A_623, %parallel_loop3A_635 : i32
      %parallel_loop3A_637 = arith.extui %parallel_loop3A_636 : i1 to i32
      %parallel_loop3A_638 = arith.subi %parallel_loop3A_634, %parallel_loop3A_637 : i32
      %parallel_loop3A_639 = arith.cmpi ne, %parallel_loop3A_631, %parallel_loop3A_638 : i32
      %parallel_loop3A_640 = arith.remsi %parallel_loop3A_622, %parallel_loop3A_623 : i32
      %parallel_loop3A_641 = arith.constant 0 : i32
      %parallel_loop3A_642 = arith.cmpi ne, %parallel_loop3A_640, %parallel_loop3A_641 : i32
      %parallel_loop3A_643 = arith.andi %parallel_loop3A_639, %parallel_loop3A_642 : i1
      %parallel_loop3A_644 = arith.constant 1 : i32
      %parallel_loop3A_645 = arith.subi %parallel_loop3A_624, %parallel_loop3A_644 : i32
      %parallel_loop3A_646 = arith.select %parallel_loop3A_643, %parallel_loop3A_645, %parallel_loop3A_624 : i32
      %parallel_loop3A_647 = arith.constant 64 : i32
      %parallel_loop3A_648 = arith.constant 0 : i32
      %parallel_loop3A_649 = arith.cmpi eq, %parallel_loop3A_647, %parallel_loop3A_648 : i32
      %parallel_loop3A_650 = arith.constant 1 : i32
      %parallel_loop3A_651 = arith.select %parallel_loop3A_649, %parallel_loop3A_650, %parallel_loop3A_647 : i32
      %parallel_loop3A_652 = arith.remsi %parallel_loop3A_622, %parallel_loop3A_651 : i32
      %parallel_loop3A_653 = arith.constant 0 : i32
      %parallel_loop3A_654 = arith.cmpi ne, %parallel_loop3A_652, %parallel_loop3A_653 : i32
      %parallel_loop3A_655 = arith.constant 0 : i32
      %parallel_loop3A_656 = arith.cmpi slt, %parallel_loop3A_652, %parallel_loop3A_655 : i32
      %parallel_loop3A_657 = arith.constant 0 : i32
      %parallel_loop3A_658 = arith.cmpi slt, %parallel_loop3A_651, %parallel_loop3A_657 : i32
      %parallel_loop3A_659 = arith.xori %parallel_loop3A_656, %parallel_loop3A_658 : i1
      %parallel_loop3A_660 = arith.andi %parallel_loop3A_659, %parallel_loop3A_654 : i1
      %parallel_loop3A_661 = arith.addi %parallel_loop3A_652, %parallel_loop3A_651 : i32
      %parallel_loop3A_662 = arith.select %parallel_loop3A_660, %parallel_loop3A_661, %parallel_loop3A_652 : i32
      %parallel_loop3A_663 = arith.constant 16 : i32
      %parallel_loop3A_664 = arith.muli %parallel_loop3A_662, %parallel_loop3A_663 : i32
      %parallel_loop3A_665 = arith.index_cast %parallel_loop3A_646 : i32 to index
      %parallel_loop3A_666 = arith.index_cast %parallel_loop3A_664 : i32 to index
      %parallel_loop3A_667 = tpu.vector_load %arg5[%parallel_loop3A_665, %parallel_loop3A_666] {strides = array<i32>} : memref<16x1024xf32, #tpu.memory_space<vmem>>, vector<1x16xf32>,
      %parallel_loop3A_668 = vector.shape_cast %parallel_loop3A_667 : vector<1x16xf32> to vector<16xf32>
      %parallel_loop3A_669 = arith.index_cast %parallel_loop3A_646 : i32 to index
      %parallel_loop3A_670 = arith.index_cast %parallel_loop3A_664 : i32 to index
      %parallel_loop3A_671 = tpu.vector_load %arg10[%parallel_loop3A_669, %parallel_loop3A_670] {strides = array<i32>} : memref<16x1024xf32, #tpu.memory_space<vmem>>, vector<1x16xf32>,
      %parallel_loop3A_672 = vector.shape_cast %parallel_loop3A_671 : vector<1x16xf32> to vector<16xf32>
      %parallel_loop3A_673 = arith.constant 2.000000e-03 : f32
      %parallel_loop3A_674 = vector.broadcast %parallel_loop3A_673 : f32 to vector<16xf32>
      %parallel_loop3A_675 = arith.mulf %parallel_loop3A_672, %parallel_loop3A_674 : vector<16xf32>
      %parallel_loop3A_676 = arith.addf %parallel_loop3A_668, %parallel_loop3A_675 : vector<16xf32>
      %parallel_loop3A_677 = arith.index_cast %parallel_loop3A_646 : i32 to index
      %parallel_loop3A_678 = arith.index_cast %parallel_loop3A_664 : i32 to index
      %parallel_loop3A_679 = tpu.vector_load %arg7[%parallel_loop3A_677, %parallel_loop3A_678] {strides = array<i32>} : memref<16x1024xf32, #tpu.memory_space<vmem>>, vector<1x16xf32>,
      %parallel_loop3A_680 = vector.shape_cast %parallel_loop3A_679 : vector<1x16xf32> to vector<16xf32>
      %parallel_loop3A_681 = vector.shape_cast %parallel_loop3A_676 : vector<16xf32> to vector<1x16xf32>
      tpu.vector_store %arg7[%parallel_loop3A_677, %parallel_loop3A_678], %parallel_loop3A_681 {strides = array<i32>} : memref<16x1024xf32, #tpu.memory_space<vmem>>, vector<1x16xf32>,
    } {sc.loop_unroll_factor = 8 : i64, sc.parallel_access}
    %add3A_503 = arith.constant 48 : i32
    %add3A_504 = arith.addi %mul3A_2, %add3A_503 : i32
    %dma_start3A_505 = arith.constant 0 : i32
    %dma_start3A_506 = arith.constant 0 : i32
    %dma_start3A_507 = tpu.memref_slice %arg4[%dma_start3A_505, %add3A_504, %dma_start3A_506] : memref<4x2048x1024xf32, #tpu.memory_space<hbm>> -> memref<1x16x1024xf32, #tpu.memory_space<hbm>>
    %dma_start3A_508 = tpu.memref_squeeze %dma_start3A_507 : memref<1x16x1024xf32, #tpu.memory_space<hbm>> -> memref<16x1024xf32, #tpu.memory_space<hbm>>
    %dma_start3A_509 = arith.constant 0 : i32
    %dma_start3A_510 = tpu.memref_slice %arg4[%dma_start3A_505, %add3A_504, %dma_start3A_509] : memref<4x2048x1024xf32, #tpu.memory_space<hbm>> -> memref<1x16x1024xf32, #tpu.memory_space<hbm>>
    %dma_start3A_511 = tpu.memref_squeeze %dma_start3A_510 : memref<1x16x1024xf32, #tpu.memory_space<hbm>> -> memref<16x1024xf32, #tpu.memory_space<hbm>>
    tpu.enqueue_dma source(%arg7 : memref<16x1024xf32, #tpu.memory_space<vmem>>) target(%dma_start3A_511 : memref<16x1024xf32, #tpu.memory_space<hbm>>) target_semaphore(%arg13 : memref<!tpu.dma_semaphore, #tpu.memory_space<semaphore_mem>>)
    %add3A_512 = arith.constant 48 : i32
    %add3A_513 = arith.addi %mul3A_2, %add3A_512 : i32
    %dma_start3A_514 = arith.constant 2 : i32
    %dma_start3A_515 = arith.constant 0 : i32
    %dma_start3A_516 = tpu.memref_slice %arg2[%dma_start3A_514, %add3A_513, %dma_start3A_515] : memref<4x2048x1024xf32, #tpu.memory_space<hbm>> -> memref<1x16x1024xf32, #tpu.memory_space<hbm>>
    %dma_start3A_517 = tpu.memref_squeeze %dma_start3A_516 : memref<1x16x1024xf32, #tpu.memory_space<hbm>> -> memref<16x1024xf32, #tpu.memory_space<hbm>>
    %dma_start3A_518 = arith.constant 0 : i32
    %dma_start3A_519 = tpu.memref_slice %arg2[%dma_start3A_514, %add3A_513, %dma_start3A_518] : memref<4x2048x1024xf32, #tpu.memory_space<hbm>> -> memref<1x16x1024xf32, #tpu.memory_space<hbm>>
    %dma_start3A_520 = tpu.memref_squeeze %dma_start3A_519 : memref<1x16x1024xf32, #tpu.memory_space<hbm>> -> memref<16x1024xf32, #tpu.memory_space<hbm>>
    tpu.enqueue_dma source(%dma_start3A_520 : memref<16x1024xf32, #tpu.memory_space<hbm>>) target(%arg5 : memref<16x1024xf32, #tpu.memory_space<vmem>>) target_semaphore(%arg11 : memref<!tpu.dma_semaphore, #tpu.memory_space<semaphore_mem>>)
    %dma_wait3A_521 = arith.constant 1 : i32
    %dma_wait3A_522 = arith.constant 0 : i32
    %dma_wait3A_523 = tpu.memref_slice %arg2[%dma_wait3A_521, %add3A_471, %dma_wait3A_522] : memref<4x2048x1024xf32, #tpu.memory_space<hbm>> -> memref<1x16x1024xf32, #tpu.memory_space<hbm>>
    %dma_wait3A_524 = tpu.memref_squeeze %dma_wait3A_523 : memref<1x16x1024xf32, #tpu.memory_space<hbm>> -> memref<16x1024xf32, #tpu.memory_space<hbm>>
    %dma_wait3A_525 = arith.constant 0 : i32
    %dma_wait3A_526 = tpu.memref_slice %arg2[%dma_wait3A_521, %add3A_471, %dma_wait3A_525] : memref<4x2048x1024xf32, #tpu.memory_space<hbm>> -> memref<1x16x1024xf32, #tpu.memory_space<hbm>>
    %dma_wait3A_527 = tpu.memref_squeeze %dma_wait3A_526 : memref<1x16x1024xf32, #tpu.memory_space<hbm>> -> memref<16x1024xf32, #tpu.memory_space<hbm>>
    tpu.wait_dma2 semaphore(%arg12 : memref<!tpu.dma_semaphore, #tpu.memory_space<semaphore_mem>>) src(%dma_wait3A_527 : memref<16x1024xf32, #tpu.memory_space<hbm>>) dst(%arg6 : memref<16x1024xf32, #tpu.memory_space<vmem>>)
    %dma_wait3A_528 = arith.constant 3 : i32
    %dma_wait3A_529 = arith.constant 0 : i32
    %dma_wait3A_530 = tpu.memref_slice %arg4[%dma_wait3A_528, %add3A_462, %dma_wait3A_529] : memref<4x2048x1024xf32, #tpu.memory_space<hbm>> -> memref<1x16x1024xf32, #tpu.memory_space<hbm>>
    %dma_wait3A_531 = tpu.memref_squeeze %dma_wait3A_530 : memref<1x16x1024xf32, #tpu.memory_space<hbm>> -> memref<16x1024xf32, #tpu.memory_space<hbm>>
    %dma_wait3A_532 = arith.constant 0 : i32
    %dma_wait3A_533 = tpu.memref_slice %arg4[%dma_wait3A_528, %add3A_462, %dma_wait3A_532] : memref<4x2048x1024xf32, #tpu.memory_space<hbm>> -> memref<1x16x1024xf32, #tpu.memory_space<hbm>>
    %dma_wait3A_534 = tpu.memref_squeeze %dma_wait3A_533 : memref<1x16x1024xf32, #tpu.memory_space<hbm>> -> memref<16x1024xf32, #tpu.memory_space<hbm>>
    tpu.wait_dma2 semaphore(%arg14 : memref<!tpu.dma_semaphore, #tpu.memory_space<semaphore_mem>>) src(%arg8 : memref<16x1024xf32, #tpu.memory_space<vmem>>) dst(%dma_wait3A_534 : memref<16x1024xf32, #tpu.memory_space<hbm>>)
    %parallel_loop3A_535 = arith.constant 0 : i32
    %parallel_loop3A_536 = arith.constant 1024 : i32
    %parallel_loop3A_537 = arith.constant 1 : i32
    scf.for %parallel_loop3A_622 = %parallel_loop3A_535 to %parallel_loop3A_536 step %parallel_loop3A_537  : i32 {
      %parallel_loop3A_623 = arith.constant 64 : i32
      %parallel_loop3A_624 = arith.divsi %parallel_loop3A_622, %parallel_loop3A_623 : i32
      %parallel_loop3A_625 = arith.constant 0 : i32
      %parallel_loop3A_626 = arith.cmpi sgt, %parallel_loop3A_622, %parallel_loop3A_625 : i32
      %parallel_loop3A_627 = arith.extui %parallel_loop3A_626 : i1 to i32
      %parallel_loop3A_628 = arith.constant 0 : i32
      %parallel_loop3A_629 = arith.cmpi slt, %parallel_loop3A_622, %parallel_loop3A_628 : i32
      %parallel_loop3A_630 = arith.extui %parallel_loop3A_629 : i1 to i32
      %parallel_loop3A_631 = arith.subi %parallel_loop3A_627, %parallel_loop3A_630 : i32
      %parallel_loop3A_632 = arith.constant 0 : i32
      %parallel_loop3A_633 = arith.cmpi sgt, %parallel_loop3A_623, %parallel_loop3A_632 : i32
      %parallel_loop3A_634 = arith.extui %parallel_loop3A_633 : i1 to i32
      %parallel_loop3A_635 = arith.constant 0 : i32
      %parallel_loop3A_636 = arith.cmpi slt, %parallel_loop3A_623, %parallel_loop3A_635 : i32
      %parallel_loop3A_637 = arith.extui %parallel_loop3A_636 : i1 to i32
      %parallel_loop3A_638 = arith.subi %parallel_loop3A_634, %parallel_loop3A_637 : i32
      %parallel_loop3A_639 = arith.cmpi ne, %parallel_loop3A_631, %parallel_loop3A_638 : i32
      %parallel_loop3A_640 = arith.remsi %parallel_loop3A_622, %parallel_loop3A_623 : i32
      %parallel_loop3A_641 = arith.constant 0 : i32
      %parallel_loop3A_642 = arith.cmpi ne, %parallel_loop3A_640, %parallel_loop3A_641 : i32
      %parallel_loop3A_643 = arith.andi %parallel_loop3A_639, %parallel_loop3A_642 : i1
      %parallel_loop3A_644 = arith.constant 1 : i32
      %parallel_loop3A_645 = arith.subi %parallel_loop3A_624, %parallel_loop3A_644 : i32
      %parallel_loop3A_646 = arith.select %parallel_loop3A_643, %parallel_loop3A_645, %parallel_loop3A_624 : i32
      %parallel_loop3A_647 = arith.constant 64 : i32
      %parallel_loop3A_648 = arith.constant 0 : i32
      %parallel_loop3A_649 = arith.cmpi eq, %parallel_loop3A_647, %parallel_loop3A_648 : i32
      %parallel_loop3A_650 = arith.constant 1 : i32
      %parallel_loop3A_651 = arith.select %parallel_loop3A_649, %parallel_loop3A_650, %parallel_loop3A_647 : i32
      %parallel_loop3A_652 = arith.remsi %parallel_loop3A_622, %parallel_loop3A_651 : i32
      %parallel_loop3A_653 = arith.constant 0 : i32
      %parallel_loop3A_654 = arith.cmpi ne, %parallel_loop3A_652, %parallel_loop3A_653 : i32
      %parallel_loop3A_655 = arith.constant 0 : i32
      %parallel_loop3A_656 = arith.cmpi slt, %parallel_loop3A_652, %parallel_loop3A_655 : i32
      %parallel_loop3A_657 = arith.constant 0 : i32
      %parallel_loop3A_658 = arith.cmpi slt, %parallel_loop3A_651, %parallel_loop3A_657 : i32
      %parallel_loop3A_659 = arith.xori %parallel_loop3A_656, %parallel_loop3A_658 : i1
      %parallel_loop3A_660 = arith.andi %parallel_loop3A_659, %parallel_loop3A_654 : i1
      %parallel_loop3A_661 = arith.addi %parallel_loop3A_652, %parallel_loop3A_651 : i32
      %parallel_loop3A_662 = arith.select %parallel_loop3A_660, %parallel_loop3A_661, %parallel_loop3A_652 : i32
      %parallel_loop3A_663 = arith.constant 16 : i32
      %parallel_loop3A_664 = arith.muli %parallel_loop3A_662, %parallel_loop3A_663 : i32
      %parallel_loop3A_665 = arith.index_cast %parallel_loop3A_646 : i32 to index
      %parallel_loop3A_666 = arith.index_cast %parallel_loop3A_664 : i32 to index
      %parallel_loop3A_667 = tpu.vector_load %arg6[%parallel_loop3A_665, %parallel_loop3A_666] {strides = array<i32>} : memref<16x1024xf32, #tpu.memory_space<vmem>>, vector<1x16xf32>,
      %parallel_loop3A_668 = vector.shape_cast %parallel_loop3A_667 : vector<1x16xf32> to vector<16xf32>
      %parallel_loop3A_669 = arith.index_cast %parallel_loop3A_646 : i32 to index
      %parallel_loop3A_670 = arith.index_cast %parallel_loop3A_664 : i32 to index
      %parallel_loop3A_671 = tpu.vector_load %arg10[%parallel_loop3A_669, %parallel_loop3A_670] {strides = array<i32>} : memref<16x1024xf32, #tpu.memory_space<vmem>>, vector<1x16xf32>,
      %parallel_loop3A_672 = vector.shape_cast %parallel_loop3A_671 : vector<1x16xf32> to vector<16xf32>
      %parallel_loop3A_673 = arith.constant 2.000000e-03 : f32
      %parallel_loop3A_674 = vector.broadcast %parallel_loop3A_673 : f32 to vector<16xf32>
      %parallel_loop3A_675 = arith.mulf %parallel_loop3A_672, %parallel_loop3A_674 : vector<16xf32>
      %parallel_loop3A_676 = arith.addf %parallel_loop3A_668, %parallel_loop3A_675 : vector<16xf32>
      %parallel_loop3A_677 = arith.index_cast %parallel_loop3A_646 : i32 to index
      %parallel_loop3A_678 = arith.index_cast %parallel_loop3A_664 : i32 to index
      %parallel_loop3A_679 = tpu.vector_load %arg8[%parallel_loop3A_677, %parallel_loop3A_678] {strides = array<i32>} : memref<16x1024xf32, #tpu.memory_space<vmem>>, vector<1x16xf32>,
      %parallel_loop3A_680 = vector.shape_cast %parallel_loop3A_679 : vector<1x16xf32> to vector<16xf32>
      %parallel_loop3A_681 = vector.shape_cast %parallel_loop3A_676 : vector<16xf32> to vector<1x16xf32>
      tpu.vector_store %arg8[%parallel_loop3A_677, %parallel_loop3A_678], %parallel_loop3A_681 {strides = array<i32>} : memref<16x1024xf32, #tpu.memory_space<vmem>>, vector<1x16xf32>,
    } {sc.loop_unroll_factor = 8 : i64, sc.parallel_access}
    %add3A_538 = arith.constant 48 : i32
    %add3A_539 = arith.addi %mul3A_2, %add3A_538 : i32
    %dma_start3A_540 = arith.constant 1 : i32
    %dma_start3A_541 = arith.constant 0 : i32
    %dma_start3A_542 = tpu.memref_slice %arg4[%dma_start3A_540, %add3A_539, %dma_start3A_541] : memref<4x2048x1024xf32, #tpu.memory_space<hbm>> -> memref<1x16x1024xf32, #tpu.memory_space<hbm>>
    %dma_start3A_543 = tpu.memref_squeeze %dma_start3A_542 : memref<1x16x1024xf32, #tpu.memory_space<hbm>> -> memref<16x1024xf32, #tpu.memory_space<hbm>>
    %dma_start3A_544 = arith.constant 0 : i32
    %dma_start3A_545 = tpu.memref_slice %arg4[%dma_start3A_540, %add3A_539, %dma_start3A_544] : memref<4x2048x1024xf32, #tpu.memory_space<hbm>> -> memref<1x16x1024xf32, #tpu.memory_space<hbm>>
    %dma_start3A_546 = tpu.memref_squeeze %dma_start3A_545 : memref<1x16x1024xf32, #tpu.memory_space<hbm>> -> memref<16x1024xf32, #tpu.memory_space<hbm>>
    tpu.enqueue_dma source(%arg8 : memref<16x1024xf32, #tpu.memory_space<vmem>>) target(%dma_start3A_546 : memref<16x1024xf32, #tpu.memory_space<hbm>>) target_semaphore(%arg14 : memref<!tpu.dma_semaphore, #tpu.memory_space<semaphore_mem>>)
    %add3A_547 = arith.constant 48 : i32
    %add3A_548 = arith.addi %mul3A_2, %add3A_547 : i32
    %dma_start3A_549 = arith.constant 3 : i32
    %dma_start3A_550 = arith.constant 0 : i32
    %dma_start3A_551 = tpu.memref_slice %arg2[%dma_start3A_549, %add3A_548, %dma_start3A_550] : memref<4x2048x1024xf32, #tpu.memory_space<hbm>> -> memref<1x16x1024xf32, #tpu.memory_space<hbm>>
    %dma_start3A_552 = tpu.memref_squeeze %dma_start3A_551 : memref<1x16x1024xf32, #tpu.memory_space<hbm>> -> memref<16x1024xf32, #tpu.memory_space<hbm>>
    %dma_start3A_553 = arith.constant 0 : i32
    %dma_start3A_554 = tpu.memref_slice %arg2[%dma_start3A_549, %add3A_548, %dma_start3A_553] : memref<4x2048x1024xf32, #tpu.memory_space<hbm>> -> memref<1x16x1024xf32, #tpu.memory_space<hbm>>
    %dma_start3A_555 = tpu.memref_squeeze %dma_start3A_554 : memref<1x16x1024xf32, #tpu.memory_space<hbm>> -> memref<16x1024xf32, #tpu.memory_space<hbm>>
    tpu.enqueue_dma source(%dma_start3A_555 : memref<16x1024xf32, #tpu.memory_space<hbm>>) target(%arg6 : memref<16x1024xf32, #tpu.memory_space<vmem>>) target_semaphore(%arg12 : memref<!tpu.dma_semaphore, #tpu.memory_space<semaphore_mem>>)
    %dma_wait3A_556 = arith.constant 2 : i32
    %dma_wait3A_557 = arith.constant 0 : i32
    %dma_wait3A_558 = tpu.memref_slice %arg2[%dma_wait3A_556, %add3A_513, %dma_wait3A_557] : memref<4x2048x1024xf32, #tpu.memory_space<hbm>> -> memref<1x16x1024xf32, #tpu.memory_space<hbm>>
    %dma_wait3A_559 = tpu.memref_squeeze %dma_wait3A_558 : memref<1x16x1024xf32, #tpu.memory_space<hbm>> -> memref<16x1024xf32, #tpu.memory_space<hbm>>
    %dma_wait3A_560 = arith.constant 0 : i32
    %dma_wait3A_561 = tpu.memref_slice %arg2[%dma_wait3A_556, %add3A_513, %dma_wait3A_560] : memref<4x2048x1024xf32, #tpu.memory_space<hbm>> -> memref<1x16x1024xf32, #tpu.memory_space<hbm>>
    %dma_wait3A_562 = tpu.memref_squeeze %dma_wait3A_561 : memref<1x16x1024xf32, #tpu.memory_space<hbm>> -> memref<16x1024xf32, #tpu.memory_space<hbm>>
    tpu.wait_dma2 semaphore(%arg11 : memref<!tpu.dma_semaphore, #tpu.memory_space<semaphore_mem>>) src(%dma_wait3A_562 : memref<16x1024xf32, #tpu.memory_space<hbm>>) dst(%arg5 : memref<16x1024xf32, #tpu.memory_space<vmem>>)
    %dma_wait3A_563 = arith.constant 0 : i32
    %dma_wait3A_564 = arith.constant 0 : i32
    %dma_wait3A_565 = tpu.memref_slice %arg4[%dma_wait3A_563, %add3A_504, %dma_wait3A_564] : memref<4x2048x1024xf32, #tpu.memory_space<hbm>> -> memref<1x16x1024xf32, #tpu.memory_space<hbm>>
    %dma_wait3A_566 = tpu.memref_squeeze %dma_wait3A_565 : memref<1x16x1024xf32, #tpu.memory_space<hbm>> -> memref<16x1024xf32, #tpu.memory_space<hbm>>
    %dma_wait3A_567 = arith.constant 0 : i32
    %dma_wait3A_568 = tpu.memref_slice %arg4[%dma_wait3A_563, %add3A_504, %dma_wait3A_567] : memref<4x2048x1024xf32, #tpu.memory_space<hbm>> -> memref<1x16x1024xf32, #tpu.memory_space<hbm>>
    %dma_wait3A_569 = tpu.memref_squeeze %dma_wait3A_568 : memref<1x16x1024xf32, #tpu.memory_space<hbm>> -> memref<16x1024xf32, #tpu.memory_space<hbm>>
    tpu.wait_dma2 semaphore(%arg13 : memref<!tpu.dma_semaphore, #tpu.memory_space<semaphore_mem>>) src(%arg7 : memref<16x1024xf32, #tpu.memory_space<vmem>>) dst(%dma_wait3A_569 : memref<16x1024xf32, #tpu.memory_space<hbm>>)
    %parallel_loop3A_570 = arith.constant 0 : i32
    %parallel_loop3A_571 = arith.constant 1024 : i32
    %parallel_loop3A_572 = arith.constant 1 : i32
    scf.for %parallel_loop3A_622 = %parallel_loop3A_570 to %parallel_loop3A_571 step %parallel_loop3A_572  : i32 {
      %parallel_loop3A_623 = arith.constant 64 : i32
      %parallel_loop3A_624 = arith.divsi %parallel_loop3A_622, %parallel_loop3A_623 : i32
      %parallel_loop3A_625 = arith.constant 0 : i32
      %parallel_loop3A_626 = arith.cmpi sgt, %parallel_loop3A_622, %parallel_loop3A_625 : i32
      %parallel_loop3A_627 = arith.extui %parallel_loop3A_626 : i1 to i32
      %parallel_loop3A_628 = arith.constant 0 : i32
      %parallel_loop3A_629 = arith.cmpi slt, %parallel_loop3A_622, %parallel_loop3A_628 : i32
      %parallel_loop3A_630 = arith.extui %parallel_loop3A_629 : i1 to i32
      %parallel_loop3A_631 = arith.subi %parallel_loop3A_627, %parallel_loop3A_630 : i32
      %parallel_loop3A_632 = arith.constant 0 : i32
      %parallel_loop3A_633 = arith.cmpi sgt, %parallel_loop3A_623, %parallel_loop3A_632 : i32
      %parallel_loop3A_634 = arith.extui %parallel_loop3A_633 : i1 to i32
      %parallel_loop3A_635 = arith.constant 0 : i32
      %parallel_loop3A_636 = arith.cmpi slt, %parallel_loop3A_623, %parallel_loop3A_635 : i32
      %parallel_loop3A_637 = arith.extui %parallel_loop3A_636 : i1 to i32
      %parallel_loop3A_638 = arith.subi %parallel_loop3A_634, %parallel_loop3A_637 : i32
      %parallel_loop3A_639 = arith.cmpi ne, %parallel_loop3A_631, %parallel_loop3A_638 : i32
      %parallel_loop3A_640 = arith.remsi %parallel_loop3A_622, %parallel_loop3A_623 : i32
      %parallel_loop3A_641 = arith.constant 0 : i32
      %parallel_loop3A_642 = arith.cmpi ne, %parallel_loop3A_640, %parallel_loop3A_641 : i32
      %parallel_loop3A_643 = arith.andi %parallel_loop3A_639, %parallel_loop3A_642 : i1
      %parallel_loop3A_644 = arith.constant 1 : i32
      %parallel_loop3A_645 = arith.subi %parallel_loop3A_624, %parallel_loop3A_644 : i32
      %parallel_loop3A_646 = arith.select %parallel_loop3A_643, %parallel_loop3A_645, %parallel_loop3A_624 : i32
      %parallel_loop3A_647 = arith.constant 64 : i32
      %parallel_loop3A_648 = arith.constant 0 : i32
      %parallel_loop3A_649 = arith.cmpi eq, %parallel_loop3A_647, %parallel_loop3A_648 : i32
      %parallel_loop3A_650 = arith.constant 1 : i32
      %parallel_loop3A_651 = arith.select %parallel_loop3A_649, %parallel_loop3A_650, %parallel_loop3A_647 : i32
      %parallel_loop3A_652 = arith.remsi %parallel_loop3A_622, %parallel_loop3A_651 : i32
      %parallel_loop3A_653 = arith.constant 0 : i32
      %parallel_loop3A_654 = arith.cmpi ne, %parallel_loop3A_652, %parallel_loop3A_653 : i32
      %parallel_loop3A_655 = arith.constant 0 : i32
      %parallel_loop3A_656 = arith.cmpi slt, %parallel_loop3A_652, %parallel_loop3A_655 : i32
      %parallel_loop3A_657 = arith.constant 0 : i32
      %parallel_loop3A_658 = arith.cmpi slt, %parallel_loop3A_651, %parallel_loop3A_657 : i32
      %parallel_loop3A_659 = arith.xori %parallel_loop3A_656, %parallel_loop3A_658 : i1
      %parallel_loop3A_660 = arith.andi %parallel_loop3A_659, %parallel_loop3A_654 : i1
      %parallel_loop3A_661 = arith.addi %parallel_loop3A_652, %parallel_loop3A_651 : i32
      %parallel_loop3A_662 = arith.select %parallel_loop3A_660, %parallel_loop3A_661, %parallel_loop3A_652 : i32
      %parallel_loop3A_663 = arith.constant 16 : i32
      %parallel_loop3A_664 = arith.muli %parallel_loop3A_662, %parallel_loop3A_663 : i32
      %parallel_loop3A_665 = arith.index_cast %parallel_loop3A_646 : i32 to index
      %parallel_loop3A_666 = arith.index_cast %parallel_loop3A_664 : i32 to index
      %parallel_loop3A_667 = tpu.vector_load %arg5[%parallel_loop3A_665, %parallel_loop3A_666] {strides = array<i32>} : memref<16x1024xf32, #tpu.memory_space<vmem>>, vector<1x16xf32>,
      %parallel_loop3A_668 = vector.shape_cast %parallel_loop3A_667 : vector<1x16xf32> to vector<16xf32>
      %parallel_loop3A_669 = arith.index_cast %parallel_loop3A_646 : i32 to index
      %parallel_loop3A_670 = arith.index_cast %parallel_loop3A_664 : i32 to index
      %parallel_loop3A_671 = tpu.vector_load %arg10[%parallel_loop3A_669, %parallel_loop3A_670] {strides = array<i32>} : memref<16x1024xf32, #tpu.memory_space<vmem>>, vector<1x16xf32>,
      %parallel_loop3A_672 = vector.shape_cast %parallel_loop3A_671 : vector<1x16xf32> to vector<16xf32>
      %parallel_loop3A_673 = arith.constant 2.000000e-03 : f32
      %parallel_loop3A_674 = vector.broadcast %parallel_loop3A_673 : f32 to vector<16xf32>
      %parallel_loop3A_675 = arith.mulf %parallel_loop3A_672, %parallel_loop3A_674 : vector<16xf32>
      %parallel_loop3A_676 = arith.addf %parallel_loop3A_668, %parallel_loop3A_675 : vector<16xf32>
      %parallel_loop3A_677 = arith.index_cast %parallel_loop3A_646 : i32 to index
      %parallel_loop3A_678 = arith.index_cast %parallel_loop3A_664 : i32 to index
      %parallel_loop3A_679 = tpu.vector_load %arg7[%parallel_loop3A_677, %parallel_loop3A_678] {strides = array<i32>} : memref<16x1024xf32, #tpu.memory_space<vmem>>, vector<1x16xf32>,
      %parallel_loop3A_680 = vector.shape_cast %parallel_loop3A_679 : vector<1x16xf32> to vector<16xf32>
      %parallel_loop3A_681 = vector.shape_cast %parallel_loop3A_676 : vector<16xf32> to vector<1x16xf32>
      tpu.vector_store %arg7[%parallel_loop3A_677, %parallel_loop3A_678], %parallel_loop3A_681 {strides = array<i32>} : memref<16x1024xf32, #tpu.memory_space<vmem>>, vector<1x16xf32>,
    } {sc.loop_unroll_factor = 8 : i64, sc.parallel_access}
    %add3A_573 = arith.constant 48 : i32
    %add3A_574 = arith.addi %mul3A_2, %add3A_573 : i32
    %dma_start3A_575 = arith.constant 2 : i32
    %dma_start3A_576 = arith.constant 0 : i32
    %dma_start3A_577 = tpu.memref_slice %arg4[%dma_start3A_575, %add3A_574, %dma_start3A_576] : memref<4x2048x1024xf32, #tpu.memory_space<hbm>> -> memref<1x16x1024xf32, #tpu.memory_space<hbm>>
    %dma_start3A_578 = tpu.memref_squeeze %dma_start3A_577 : memref<1x16x1024xf32, #tpu.memory_space<hbm>> -> memref<16x1024xf32, #tpu.memory_space<hbm>>
    %dma_start3A_579 = arith.constant 0 : i32
    %dma_start3A_580 = tpu.memref_slice %arg4[%dma_start3A_575, %add3A_574, %dma_start3A_579] : memref<4x2048x1024xf32, #tpu.memory_space<hbm>> -> memref<1x16x1024xf32, #tpu.memory_space<hbm>>
    %dma_start3A_581 = tpu.memref_squeeze %dma_start3A_580 : memref<1x16x1024xf32, #tpu.memory_space<hbm>> -> memref<16x1024xf32, #tpu.memory_space<hbm>>
    tpu.enqueue_dma source(%arg7 : memref<16x1024xf32, #tpu.memory_space<vmem>>) target(%dma_start3A_581 : memref<16x1024xf32, #tpu.memory_space<hbm>>) target_semaphore(%arg13 : memref<!tpu.dma_semaphore, #tpu.memory_space<semaphore_mem>>)
    %dma_wait3A_582 = arith.constant 3 : i32
    %dma_wait3A_583 = arith.constant 0 : i32
    %dma_wait3A_584 = tpu.memref_slice %arg2[%dma_wait3A_582, %add3A_548, %dma_wait3A_583] : memref<4x2048x1024xf32, #tpu.memory_space<hbm>> -> memref<1x16x1024xf32, #tpu.memory_space<hbm>>
    %dma_wait3A_585 = tpu.memref_squeeze %dma_wait3A_584 : memref<1x16x1024xf32, #tpu.memory_space<hbm>> -> memref<16x1024xf32, #tpu.memory_space<hbm>>
    %dma_wait3A_586 = arith.constant 0 : i32
    %dma_wait3A_587 = tpu.memref_slice %arg2[%dma_wait3A_582, %add3A_548, %dma_wait3A_586] : memref<4x2048x1024xf32, #tpu.memory_space<hbm>> -> memref<1x16x1024xf32, #tpu.memory_space<hbm>>
    %dma_wait3A_588 = tpu.memref_squeeze %dma_wait3A_587 : memref<1x16x1024xf32, #tpu.memory_space<hbm>> -> memref<16x1024xf32, #tpu.memory_space<hbm>>
    tpu.wait_dma2 semaphore(%arg12 : memref<!tpu.dma_semaphore, #tpu.memory_space<semaphore_mem>>) src(%dma_wait3A_588 : memref<16x1024xf32, #tpu.memory_space<hbm>>) dst(%arg6 : memref<16x1024xf32, #tpu.memory_space<vmem>>)
    %dma_wait3A_589 = arith.constant 1 : i32
    %dma_wait3A_590 = arith.constant 0 : i32
    %dma_wait3A_591 = tpu.memref_slice %arg4[%dma_wait3A_589, %add3A_539, %dma_wait3A_590] : memref<4x2048x1024xf32, #tpu.memory_space<hbm>> -> memref<1x16x1024xf32, #tpu.memory_space<hbm>>
    %dma_wait3A_592 = tpu.memref_squeeze %dma_wait3A_591 : memref<1x16x1024xf32, #tpu.memory_space<hbm>> -> memref<16x1024xf32, #tpu.memory_space<hbm>>
    %dma_wait3A_593 = arith.constant 0 : i32
    %dma_wait3A_594 = tpu.memref_slice %arg4[%dma_wait3A_589, %add3A_539, %dma_wait3A_593] : memref<4x2048x1024xf32, #tpu.memory_space<hbm>> -> memref<1x16x1024xf32, #tpu.memory_space<hbm>>
    %dma_wait3A_595 = tpu.memref_squeeze %dma_wait3A_594 : memref<1x16x1024xf32, #tpu.memory_space<hbm>> -> memref<16x1024xf32, #tpu.memory_space<hbm>>
    tpu.wait_dma2 semaphore(%arg14 : memref<!tpu.dma_semaphore, #tpu.memory_space<semaphore_mem>>) src(%arg8 : memref<16x1024xf32, #tpu.memory_space<vmem>>) dst(%dma_wait3A_595 : memref<16x1024xf32, #tpu.memory_space<hbm>>)
    %parallel_loop3A_596 = arith.constant 0 : i32
    %parallel_loop3A_597 = arith.constant 1024 : i32
    %parallel_loop3A_598 = arith.constant 1 : i32
    scf.for %parallel_loop3A_622 = %parallel_loop3A_596 to %parallel_loop3A_597 step %parallel_loop3A_598  : i32 {
      %parallel_loop3A_623 = arith.constant 64 : i32
      %parallel_loop3A_624 = arith.divsi %parallel_loop3A_622, %parallel_loop3A_623 : i32
      %parallel_loop3A_625 = arith.constant 0 : i32
      %parallel_loop3A_626 = arith.cmpi sgt, %parallel_loop3A_622, %parallel_loop3A_625 : i32
      %parallel_loop3A_627 = arith.extui %parallel_loop3A_626 : i1 to i32
      %parallel_loop3A_628 = arith.constant 0 : i32
      %parallel_loop3A_629 = arith.cmpi slt, %parallel_loop3A_622, %parallel_loop3A_628 : i32
      %parallel_loop3A_630 = arith.extui %parallel_loop3A_629 : i1 to i32
      %parallel_loop3A_631 = arith.subi %parallel_loop3A_627, %parallel_loop3A_630 : i32
      %parallel_loop3A_632 = arith.constant 0 : i32
      %parallel_loop3A_633 = arith.cmpi sgt, %parallel_loop3A_623, %parallel_loop3A_632 : i32
      %parallel_loop3A_634 = arith.extui %parallel_loop3A_633 : i1 to i32
      %parallel_loop3A_635 = arith.constant 0 : i32
      %parallel_loop3A_636 = arith.cmpi slt, %parallel_loop3A_623, %parallel_loop3A_635 : i32
      %parallel_loop3A_637 = arith.extui %parallel_loop3A_636 : i1 to i32
      %parallel_loop3A_638 = arith.subi %parallel_loop3A_634, %parallel_loop3A_637 : i32
      %parallel_loop3A_639 = arith.cmpi ne, %parallel_loop3A_631, %parallel_loop3A_638 : i32
      %parallel_loop3A_640 = arith.remsi %parallel_loop3A_622, %parallel_loop3A_623 : i32
      %parallel_loop3A_641 = arith.constant 0 : i32
      %parallel_loop3A_642 = arith.cmpi ne, %parallel_loop3A_640, %parallel_loop3A_641 : i32
      %parallel_loop3A_643 = arith.andi %parallel_loop3A_639, %parallel_loop3A_642 : i1
      %parallel_loop3A_644 = arith.constant 1 : i32
      %parallel_loop3A_645 = arith.subi %parallel_loop3A_624, %parallel_loop3A_644 : i32
      %parallel_loop3A_646 = arith.select %parallel_loop3A_643, %parallel_loop3A_645, %parallel_loop3A_624 : i32
      %parallel_loop3A_647 = arith.constant 64 : i32
      %parallel_loop3A_648 = arith.constant 0 : i32
      %parallel_loop3A_649 = arith.cmpi eq, %parallel_loop3A_647, %parallel_loop3A_648 : i32
      %parallel_loop3A_650 = arith.constant 1 : i32
      %parallel_loop3A_651 = arith.select %parallel_loop3A_649, %parallel_loop3A_650, %parallel_loop3A_647 : i32
      %parallel_loop3A_652 = arith.remsi %parallel_loop3A_622, %parallel_loop3A_651 : i32
      %parallel_loop3A_653 = arith.constant 0 : i32
      %parallel_loop3A_654 = arith.cmpi ne, %parallel_loop3A_652, %parallel_loop3A_653 : i32
      %parallel_loop3A_655 = arith.constant 0 : i32
      %parallel_loop3A_656 = arith.cmpi slt, %parallel_loop3A_652, %parallel_loop3A_655 : i32
      %parallel_loop3A_657 = arith.constant 0 : i32
      %parallel_loop3A_658 = arith.cmpi slt, %parallel_loop3A_651, %parallel_loop3A_657 : i32
      %parallel_loop3A_659 = arith.xori %parallel_loop3A_656, %parallel_loop3A_658 : i1
      %parallel_loop3A_660 = arith.andi %parallel_loop3A_659, %parallel_loop3A_654 : i1
      %parallel_loop3A_661 = arith.addi %parallel_loop3A_652, %parallel_loop3A_651 : i32
      %parallel_loop3A_662 = arith.select %parallel_loop3A_660, %parallel_loop3A_661, %parallel_loop3A_652 : i32
      %parallel_loop3A_663 = arith.constant 16 : i32
      %parallel_loop3A_664 = arith.muli %parallel_loop3A_662, %parallel_loop3A_663 : i32
      %parallel_loop3A_665 = arith.index_cast %parallel_loop3A_646 : i32 to index
      %parallel_loop3A_666 = arith.index_cast %parallel_loop3A_664 : i32 to index
      %parallel_loop3A_667 = tpu.vector_load %arg6[%parallel_loop3A_665, %parallel_loop3A_666] {strides = array<i32>} : memref<16x1024xf32, #tpu.memory_space<vmem>>, vector<1x16xf32>,
      %parallel_loop3A_668 = vector.shape_cast %parallel_loop3A_667 : vector<1x16xf32> to vector<16xf32>
      %parallel_loop3A_669 = arith.index_cast %parallel_loop3A_646 : i32 to index
      %parallel_loop3A_670 = arith.index_cast %parallel_loop3A_664 : i32 to index
      %parallel_loop3A_671 = tpu.vector_load %arg10[%parallel_loop3A_669, %parallel_loop3A_670] {strides = array<i32>} : memref<16x1024xf32, #tpu.memory_space<vmem>>, vector<1x16xf32>,
      %parallel_loop3A_672 = vector.shape_cast %parallel_loop3A_671 : vector<1x16xf32> to vector<16xf32>
      %parallel_loop3A_673 = arith.constant 2.000000e-03 : f32
      %parallel_loop3A_674 = vector.broadcast %parallel_loop3A_673 : f32 to vector<16xf32>
      %parallel_loop3A_675 = arith.mulf %parallel_loop3A_672, %parallel_loop3A_674 : vector<16xf32>
      %parallel_loop3A_676 = arith.addf %parallel_loop3A_668, %parallel_loop3A_675 : vector<16xf32>
      %parallel_loop3A_677 = arith.index_cast %parallel_loop3A_646 : i32 to index
      %parallel_loop3A_678 = arith.index_cast %parallel_loop3A_664 : i32 to index
      %parallel_loop3A_679 = tpu.vector_load %arg8[%parallel_loop3A_677, %parallel_loop3A_678] {strides = array<i32>} : memref<16x1024xf32, #tpu.memory_space<vmem>>, vector<1x16xf32>,
      %parallel_loop3A_680 = vector.shape_cast %parallel_loop3A_679 : vector<1x16xf32> to vector<16xf32>
      %parallel_loop3A_681 = vector.shape_cast %parallel_loop3A_676 : vector<16xf32> to vector<1x16xf32>
      tpu.vector_store %arg8[%parallel_loop3A_677, %parallel_loop3A_678], %parallel_loop3A_681 {strides = array<i32>} : memref<16x1024xf32, #tpu.memory_space<vmem>>, vector<1x16xf32>,
    } {sc.loop_unroll_factor = 8 : i64, sc.parallel_access}
    %add3A_599 = arith.constant 48 : i32
    %add3A_600 = arith.addi %mul3A_2, %add3A_599 : i32
    %dma_start3A_601 = arith.constant 3 : i32
    %dma_start3A_602 = arith.constant 0 : i32
    %dma_start3A_603 = tpu.memref_slice %arg4[%dma_start3A_601, %add3A_600, %dma_start3A_602] : memref<4x2048x1024xf32, #tpu.memory_space<hbm>> -> memref<1x16x1024xf32, #tpu.memory_space<hbm>>
    %dma_start3A_604 = tpu.memref_squeeze %dma_start3A_603 : memref<1x16x1024xf32, #tpu.memory_space<hbm>> -> memref<16x1024xf32, #tpu.memory_space<hbm>>
    %dma_start3A_605 = arith.constant 0 : i32
    %dma_start3A_606 = tpu.memref_slice %arg4[%dma_start3A_601, %add3A_600, %dma_start3A_605] : memref<4x2048x1024xf32, #tpu.memory_space<hbm>> -> memref<1x16x1024xf32, #tpu.memory_space<hbm>>
    %dma_start3A_607 = tpu.memref_squeeze %dma_start3A_606 : memref<1x16x1024xf32, #tpu.memory_space<hbm>> -> memref<16x1024xf32, #tpu.memory_space<hbm>>
    tpu.enqueue_dma source(%arg8 : memref<16x1024xf32, #tpu.memory_space<vmem>>) target(%dma_start3A_607 : memref<16x1024xf32, #tpu.memory_space<hbm>>) target_semaphore(%arg14 : memref<!tpu.dma_semaphore, #tpu.memory_space<semaphore_mem>>)
    %dma_wait3A_608 = arith.constant 2 : i32
    %dma_wait3A_609 = arith.constant 0 : i32
    %dma_wait3A_610 = tpu.memref_slice %arg4[%dma_wait3A_608, %add3A_574, %dma_wait3A_609] : memref<4x2048x1024xf32, #tpu.memory_space<hbm>> -> memref<1x16x1024xf32, #tpu.memory_space<hbm>>
    %dma_wait3A_611 = tpu.memref_squeeze %dma_wait3A_610 : memref<1x16x1024xf32, #tpu.memory_space<hbm>> -> memref<16x1024xf32, #tpu.memory_space<hbm>>
    %dma_wait3A_612 = arith.constant 0 : i32
    %dma_wait3A_613 = tpu.memref_slice %arg4[%dma_wait3A_608, %add3A_574, %dma_wait3A_612] : memref<4x2048x1024xf32, #tpu.memory_space<hbm>> -> memref<1x16x1024xf32, #tpu.memory_space<hbm>>
    %dma_wait3A_614 = tpu.memref_squeeze %dma_wait3A_613 : memref<1x16x1024xf32, #tpu.memory_space<hbm>> -> memref<16x1024xf32, #tpu.memory_space<hbm>>
    tpu.wait_dma2 semaphore(%arg13 : memref<!tpu.dma_semaphore, #tpu.memory_space<semaphore_mem>>) src(%arg7 : memref<16x1024xf32, #tpu.memory_space<vmem>>) dst(%dma_wait3A_614 : memref<16x1024xf32, #tpu.memory_space<hbm>>)
    %dma_wait3A_615 = arith.constant 3 : i32
    %dma_wait3A_616 = arith.constant 0 : i32
    %dma_wait3A_617 = tpu.memref_slice %arg4[%dma_wait3A_615, %add3A_600, %dma_wait3A_616] : memref<4x2048x1024xf32, #tpu.memory_space<hbm>> -> memref<1x16x1024xf32, #tpu.memory_space<hbm>>
    %dma_wait3A_618 = tpu.memref_squeeze %dma_wait3A_617 : memref<1x16x1024xf32, #tpu.memory_space<hbm>> -> memref<16x1024xf32, #tpu.memory_space<hbm>>
    %dma_wait3A_619 = arith.constant 0 : i32
    %dma_wait3A_620 = tpu.memref_slice %arg4[%dma_wait3A_615, %add3A_600, %dma_wait3A_619] : memref<4x2048x1024xf32, #tpu.memory_space<hbm>> -> memref<1x16x1024xf32, #tpu.memory_space<hbm>>
    %dma_wait3A_621 = tpu.memref_squeeze %dma_wait3A_620 : memref<1x16x1024xf32, #tpu.memory_space<hbm>> -> memref<16x1024xf32, #tpu.memory_space<hbm>>
    tpu.wait_dma2 semaphore(%arg14 : memref<!tpu.dma_semaphore, #tpu.memory_space<semaphore_mem>>) src(%arg8 : memref<16x1024xf32, #tpu.memory_space<vmem>>) dst(%dma_wait3A_621 : memref<16x1024xf32, #tpu.memory_space<hbm>>)
    return
  }
}

</mosaic_0001>

<sc_bundles>
// kernel: _pe_add.3.cloned.1.call-start
scs
__scs_entry_jumppad:
0x0: {  	(pc) =	sbr.rel $0x88, $3  }
0x1: {  	(tag) =	ssettag $0x0;
	lr =	simm.s32 $0x1  }
0x2: {  	[smem:$0x3F9F] =	sst lr;
	_ =	strace $0xD0000000  }
0x3: {  	_ = 	snop  }
0x4: {  	_ = 	snop  }
0x5: {  	_ = 	snop  }
0x6: {  	_ = 	snop  }
0x7: {  	_ = 	snop  }
__scs_overlays_trampoline_lowered:
0x8: {  	[smem:$0x3FAE] =	sst s0  }
0x9: {  	[smem:$0x3FAF] =	sst s1  }
0xa: {  	[smem:$0x3FB0] =	sst s2  }
0xb: {  	[smem:$0x3FB1] =	sst s3  }
0xc: {  	[smem:$0x3FB2] =	sst s4  }
0xd: {  	[smem:$0x3FB3] =	sst s5  }
0xe: {  	[smem:$0x3FB4] =	sst s6  }
0xf: {  	[smem:$0x3FB5] =	sst s7  }
0x10: {  	[smem:$0x3FB6] =	sst s8  }
0x11: {  	[smem:$0x3FB7] =	sst s9;
	s0 =	simm.s32 @!p0 $0x0  }
0x12: {  	s1 =	sld [smem:$0x3F9D];
	s0 =	simm.s32 @p0 $0x1  }
0x13: {  	[smem:$0x3FB8] =	sst s0;
	s0 =	simm.s32 @!p1 $0x0  }
0x14: {  	s2 =	sld [smem:$0x3F9C];
	s0 =	simm.s32 @p1 $0x1  }
0x15: {  	[smem:$0x3FB9] =	sst s0;
	s0 =	simm.s32 @!p2 $0x0  }
0x16: {  	s3 =	sld [smem:$0x3FDB];
	s0 =	simm.s32 @p2 $0x1  }
0x17: {  	s4 =	simm.s32 $0x1BF5;
	[smem:$0x3FBB] =	sst s0  }
0x18: {  	s0 =	sld [smem:$0x3F9E];
	_ =	swait.ge [sflag:s4], $0x0  }
0x19: {  	s7 =	sld [smem:$0x3F9F]  }
0x1a: {  	s8 =	sadd.s32 $0xFFFFE003, lr  }
0x1b: {  	s9 =	sadd.s32 $0xFFFFFEF7, lr;
	s5 =	simm.s32 $0xFFFFFFFF;
	p2 =	slt.u32 s8, $0xFFFFF086  }
0x1c: {  	p1 =	slt.u32 s9, $0xF7A;
	s5 =	simm.s32 @!p2 $0x0  }
0x1d: {  	s5 =	simm.s32 @p1 $0x1;
	p0 =	seq.s32 s7, s2  }
0x1e: {  	s7 =	smul.u32 @!p0 $0xF7A, s2;
	p2 =	seq.s32 @!p0 s5, $0x0  }
0x1f: {  	s9 =	smul.u32 $0xF7A, s1;
	s8 =	simm.s32 @!p0 $0x1BF5;
	p2 =	por !p2, p0  }
0x20: {  	[sflag:s8] =	ssyncset.s32 @!p0 $0xFFFFF086;
	s6 =	sadd.s32 @!p0 s3, s7;
	s7 =	simm.s32 @!p0 $0x108  }
0x21: {  	s3 =	sadd.s32 s3, s9;
	s6 =	sadd.s32 @!p0 $0x88, s6;
	s7 =	simm.s32 @p2 $0x1082  }
0x22: {  	[simem:s7], [sflag:s8] =	dma.local @!p0 [hbm:s6], $0xF7A  }
0x23: {  	s9 =	sor.u32 $0xD0000000, s2;
	s6 =	simm.s32 $0x108;
	_ =	swait.ge @!p0 [sflag:s8], $0x0  }
0x24: {  	s3 =	sadd.s32 $0x88, s3;
	s6 =	simm.s32 @!p1 $0x1082;
	[sflag:s4] =	ssyncset.s32 $0xFFFFF086  }
0x25: {  	[simem:s6], [sflag:s4] =	dma.local [hbm:s3], $0xF7A  }
0x26: {  	[smem:$0x3F9F] =	sst s1;
	(tag) =	ssettag s2;
	_ =	strace s9  }
0x27: {  	s1 =	sld [smem:$0x3FAF]  }
0x28: {  	s2 =	sld [smem:$0x3FB0]  }
0x29: {  	s4 =	sld [smem:$0x3FB2]  }
0x2a: {  	p0 =	seq.s32 s5, $0x0;
	s5 =	sld [smem:$0x3FB3]  }
0x2b: {  	s6 =	sld [smem:$0x3FB4]  }
0x2c: {  	s7 =	sld [smem:$0x3FB5]  }
0x2d: {  	s3 =	simm.s32 $0x108;
	s8 =	sld [smem:$0x3FB6]  }
0x2e: {  	s3 =	simm.s32 @!p0 $0x1082;
	s9 =	sld [smem:$0x3FB7]  }
0x2f: {  	lr =	sadd.s32 s0, s3;
	s0 =	sld [smem:$0x3FAE]  }
0x30: {  	s3 =	sld [smem:$0x3FB1]  }
0x31: {  	[smem:$0x3FBA] =	sst s10  }
0x32: {  	s10 =	sld [smem:$0x3FB8];
	_ =	sdelay $0x3  }
0x33: {  	p0 =	seq.s32 s10, $0x1;
	s10 =	sld [smem:$0x3FBA];
	_ =	sdelay $0x3  }
0x34: {  	[smem:$0x3FBA] =	sst s10  }
0x35: {  	s10 =	sld [smem:$0x3FB9];
	_ =	sdelay $0x3  }
0x36: {  	p1 =	seq.s32 s10, $0x1;
	s10 =	sld [smem:$0x3FBA];
	_ =	sdelay $0x3  }
0x37: {  	[smem:$0x3FBA] =	sst s10  }
0x38: {  	s10 =	sld [smem:$0x3FBB]  }
0x39: {  	_ = 	snop;
	(pc) =	sbr.ind lr, $3  }
0x3a: {  	_ = 	snop  }
0x3b: {  	_ = 	snop  }
0x3c: {  	p2 =	seq.s32 s10, $0x1;
	s10 =	sld [smem:$0x3FBA]  }
0x3d: {  	_ =	shalt  }
0x3e: {  	_ =	shalt  }
0x3f: {  	_ =	shalt  }
0x40: {  	_ =	shalt  }
0x41: {  	_ =	shalt  }
0x42: {  	_ =	shalt  }
0x43: {  	_ =	shalt  }
0x44: {  	_ =	shalt  }
0x45: {  	_ =	shalt  }
0x46: {  	_ =	shalt  }
0x47: {  	_ =	shalt  }
0x48: {  	_ =	shalt  }
0x49: {  	_ =	shalt  }
0x4a: {  	_ =	shalt  }
0x4b: {  	_ =	shalt  }
0x4c: {  	_ =	shalt  }
0x4d: {  	_ =	shalt  }
0x4e: {  	_ =	shalt  }
0x4f: {  	_ =	shalt  }
0x50: {  	_ =	shalt  }
0x51: {  	_ =	shalt  }
0x52: {  	_ =	shalt  }
0x53: {  	_ =	shalt  }
0x54: {  	_ =	shalt  }
0x55: {  	_ =	shalt  }
0x56: {  	_ =	shalt  }
0x57: {  	_ =	shalt  }
0x58: {  	_ =	shalt  }
0x59: {  	_ =	shalt  }
0x5a: {  	_ =	shalt  }
0x5b: {  	_ =	shalt  }
0x5c: {  	_ =	shalt  }
0x5d: {  	_ =	shalt  }
0x5e: {  	_ =	shalt  }
0x5f: {  	_ =	shalt  }
0x60: {  	_ =	shalt  }
0x61: {  	_ =	shalt  }
0x62: {  	_ =	shalt  }
0x63: {  	_ =	shalt  }
0x64: {  	_ =	shalt  }
0x65: {  	_ =	shalt  }
0x66: {  	_ =	shalt  }
0x67: {  	_ =	shalt  }
0x68: {  	_ =	shalt  }
0x69: {  	_ =	shalt  }
0x6a: {  	_ =	shalt  }
0x6b: {  	_ =	shalt  }
0x6c: {  	_ =	shalt  }
0x6d: {  	_ =	shalt  }
0x6e: {  	_ =	shalt  }
0x6f: {  	_ =	shalt  }
0x70: {  	_ =	shalt  }
0x71: {  	_ =	shalt  }
0x72: {  	_ =	shalt  }
0x73: {  	_ =	shalt  }
0x74: {  	_ =	shalt  }
0x75: {  	_ =	shalt  }
0x76: {  	_ =	shalt  }
0x77: {  	_ =	shalt  }
0x78: {  	_ =	shalt  }
0x79: {  	_ =	shalt  }
0x7a: {  	_ =	shalt  }
0x7b: {  	_ =	shalt  }
0x7c: {  	_ =	shalt  }
0x7d: {  	_ =	shalt  }
0x7e: {  	_ =	shalt  }
0x7f: {  	_ =	shalt  }
0x80: {  	_ =	shalt  }
0x81: {  	_ =	shalt  }
0x82: {  	_ =	shalt  }
0x83: {  	_ =	shalt  }
0x84: {  	_ =	shalt  }
0x85: {  	_ =	shalt  }
0x86: {  	_ =	shalt  }
0x87: {  	_ =	shalt  }
.Lfunc_end0:
.L_simem_size_0:
called_computation_lowered:
.L_overlay_start_0:
0x88: {  	s2 =	sld [smem:$0x3FD9]  }
0x89: {  	s3 =	sld [smem:$0x3FFE];
	_ =	sdelay $0x1  }
0x8a: {  	s1 =	srdreg.scid  }
0x8b: {  	s0 =	sand.u32 $0x1, s1  }
0x8c: {  	s18 =	sshll.u32 s0, $0xA;
	s2 =	sadd.s32 s3, s2  }
0x8d: {  	s2 =	sadd.s32 s2, s18  }
0x8e: {  	[smem:$0x3FC6] =	sst s2  }
0x8f: {  	_ = 	snop  }
0x90: {  	s2 =	sld [smem:$0x3FC9]  }
0x91: {  	s19 =	sld [smem:$0x3FC8]  }
0x92: {  	s4 =	sld [smem:$0x3FD0];
	(tm) =	ssettm $0x1  }
0x93: {  	s5 =	sld [smem:$0x3FFB];
	_ =	sdelay $0x3  }
0x94: {  	_ =	strace s5  }
0x95: {  	s5 =	sld [smem:$0x3FFC];
	_ =	sdelay $0x3  }
0x96: {  	_ =	strace s5  }
0x97: {  	s5 =	sld [smem:$0x3FFD];
	_ =	sdelay $0x3  }
0x98: {  	_ =	strace s5  }
0x99: {  	_ =	strace $0x8FFFFFFF  }
0x9a: {  	s20 =	sld [smem:$0x3FDB];
	_ =	sdelay $0x1  }
0x9b: {  	s6 =	simm.s32 $_scs_section_size  }
0x9c: {  	s7 =	simm.s32 $_size__tile_overlayer_lowered;
	s8 =	simm.s32 $_tile_overlayer_lowered  }
0x9d: {  	s23 =	simm.s32 $0x1BFF;
	s22 =	sshll.u32 s8, $0x1;
	s5 =	sadd.s32 s6, s20  }
0x9e: {  	s9 =	simm.s32 $0x0;
	s21 =	sshll.u32 s7, $0x1;
	s7 =	sadd.s32 s22, s5  }
0x9f: {  	[timem:s9], [sflag:s23] =	dma.local [hbm:s7], s21  }
0xa0: {  	_ =	swait.ge [sflag:s23], s21  }
0xa1: {  	s6 =	ssub.s32 $0x0, s21;
	[sflag:s23] =	ssyncset.done $0x0  }
0xa2: {  	[sflag:s23] =	ssyncadd.s32 s6;
	_ =	sdelay $0x1  }
0xa3: {  	s24 =	simm.s32 $0x1B8B  }
0xa4: {  	_ =	swait.ge [sflag:s24], $0x1  }
0xa5: {  	[sflag:s24] =	ssyncset.done $0x0  }
0xa6: {  	s25 =	simm.s32 $0x1B8E;
	[sflag:s24] =	ssyncadd.s32 $0xFFFFFFFF  }
0xa7: {  	s26 =	simm.s32 $execute0_lowered;
	[smem:$0x3FD2] =	sst s25  }
0xa8: {  	s6 =	sshll.u32 s26, $0x1;
	_ =	strace $0x80000046;
	[dreg:$0x1] =	wrdreg $0xFFFFFFFF  }
0xa9: {  	s28 =	simm.s32 $_size_execute0_lowered;
	s5 =	sadd.s32 s5, s6;
	[dreg:$0x0] =	wrdreg $0x0  }
0xaa: {  	s6 =	sshll.u32 s28, $0x1;
	[dreg:$0x2] =	wrdreg s5  }
0xab: {  	[dreg:$0x3] =	wrdreg s6  }
0xac: {  	[dreg:$0x4] =	wrdreg $0xC0  }
0xad: {  	_ =	task [dreg:s9], $0x5FFFF  }
0xae: {  	[dreg:$0x1] =	wrdreg $0xFFFFFFFF  }
0xaf: {  	[dreg:$0x0] =	wrdreg $0x60  }
0xb0: {  	[dreg:$0x2] =	wrdreg s2  }
0xb1: {  	[dreg:$0x3] =	wrdreg s19  }
0xb2: {  	[dreg:$0x4] =	wrdreg s4  }
0xb3: {  	[dreg:$0x5] =	wrdreg $0x9  }
0xb4: {  	_ =	task.clear_ibuf [dreg:s9], $0x6FFFF;
	_ =	strace $0x90000046  }
0xb5: {  	s29 =	simm.s32 $0x9;
	_ =	strace $0x80000048  }
0xb6: {  	_ =	swait.ge [sflag:s29], $0x1  }
0xb7: {  	[sflag:s29] =	ssyncadd.s32 $0xFFFFFFFF  }
0xb8: {  	_ =	strace $0x90000048  }
0xb9: {  	_ =	sfence  }
0xba: {  	s30 =	sld [smem:$0x0];
	_ =	sdelay $0x2  }
0xbb: {  	s31 =	sshll.u32 s1, $0xD;
	s1 =	sshrl.u32 s1, $0x2  }
0xbc: {  	s3 =	sand.u32 $0x4000, s31;
	s1 =	sadd.s32 s1, s30  }
0xbd: {  	s0 =	sor.u32 s3, s0;
	s1 =	sshll.u32 s1, $0x11  }
0xbe: {  	s0 =	sor.u32 s1, s0  }
0xbf: {  	s0 =	sadd.s32 $0x8F2B, s0  }
0xc0: {  	[sflag:s0] =	ssyncadd.remote.s32 $0x1  }
0xc1: {  	_ =	sfence.sel $0xFFFF  }
0xc2: {  	[dreg:$0x0] =	wrdreg $0xFFFFFFFF;
	(pc) =	sbr.abs _section_cstart, $3  }
0xc3: {  	[dreg:$0x1] =	wrdreg $0xFFFFFFFF  }
0xc4: {  	_ =	task.clear_ibuf [dreg:s9], $0x2FFFF;
	_ =	strace $0x9FFFFFFF  }
0xc5: {  	(tm) =	ssettm $0x7FFFFFFF  }
tec
execute0_lowered:
.L_overlay_start_1:
0x0: {  	(tag) =	ssettag $0x1  }
0x1: {  	s2 =	srdreg.scid  }
0x2: {  	s4 =	rddreg [dreg:$0x0];
	s6 =	stileid.u32;
	s2 =	sand.u32 $0x1, s2  }
0x3: {  	s6 =	sshll.u32 s6, $0xE;
	s3 =	ssub.s32 $0x2, s2;
	s2 =	sshll.u32 s2, $0xD  }
0x4: {  	s5 =	rddreg [dreg:$0x1];
	s6 =	sor.u32 s2, s6  }
0x5: {  	s0 =	rddreg [dreg:$0x2];
	s1 =	simm.s32 $0x0;
	s9 =	sor.u32 $0x40000, s6  }
0x6: {  	[smem:$0x7FF] =	sst s1;
	s10 =	sor.u32 $0x80000, s6;
	s11 =	sadd.s32 s4, s9  }
0x7: {  	s7 =	sshrl.u32 s3, $0x1;
	s29 =	sadd.s32 s4, s10;
	[dreg:$0x4] =	wrdreg s11  }
0x8: {  	s12 =	sor.u32 $0xC0000, s6;
	s9 =	sadd.s32 s0, s9;
	[dreg:$0x5] =	wrdreg s29  }
0x9: {  	s7 =	ssub.s32 s3, s7;
	s13 =	sadd.s32 s4, s12;
	[dreg:$0x6] =	wrdreg s9  }
0xa: {  	s8 =	sor.u32 $0x800, s6;
	s14 =	sadd.s32 s0, s10;
	[dreg:$0x7] =	wrdreg s13  }
0xb: {  	s17 =	sor.u32 $0x40800, s6;
	s15 =	sadd.s32 s4, s8;
	[dreg:$0x8] =	wrdreg s14  }
0xc: {  	s3 =	sadd.s32 s5, s8;
	s8 =	sadd.s32 s0, s8;
	[dreg:$0x9] =	wrdreg s15  }
0xd: {  	s19 =	sor.u32 $0xC0800, s6;
	s10 =	sadd.s32 s0, s17;
	[dreg:$0xc] =	wrdreg s8  }
0xe: {  	s20 =	sadd.s32 s4, s19;
	[dreg:$0xe] =	wrdreg s10  }
0xf: {  	s16 =	sor.u32 $0x1000, s6;
	s21 =	sadd.s32 s0, s19;
	[dreg:$0xf] =	wrdreg s20  }
0x10: {  	s24 =	sor.u32 $0x41000, s6;
	s23 =	sadd.s32 s4, s16;
	[dreg:$0x11] =	wrdreg s21  }
0x11: {  	s25 =	sadd.s32 s4, s24;
	[dreg:$0x12] =	wrdreg s23  }
0x12: {  	s11 =	sadd.s32 s0, s12;
	[dreg:$0x14] =	wrdreg s25  }
0x13: {  	s18 =	sor.u32 $0x80800, s6;
	s12 =	sadd.s32 s4, s17;
	[dreg:$0xa] =	wrdreg s11  }
0x14: {  	s13 =	sadd.s32 s4, s18;
	[dreg:$0xb] =	wrdreg s12  }
0x15: {  	s8 =	sadd.s32 s0, s18;
	[dreg:$0xd] =	wrdreg s13  }
0x16: {  	s26 =	sor.u32 $0x81000, s6;
	s9 =	sadd.s32 s0, s16;
	[dreg:$0x10] =	wrdreg s8  }
0x17: {  	s22 =	sor.u32 $0x1800, s6;
	s29 =	sadd.s32 s4, s26;
	[dreg:$0x13] =	wrdreg s9  }
0x18: {  	s14 =	sadd.s32 s0, s22;
	[dreg:$0x16] =	wrdreg s29  }
0x19: {  	s2 =	sadd.s32 s5, s6;
	s17 =	sadd.s32 s4, s6;
	[dreg:$0x1b] =	wrdreg s14  }
0x1a: {  	s19 =	sadd.s32 s5, s22;
	s18 =	sadd.s32 s0, s6;
	[dreg:$0x1e] =	wrdreg s17  }
0x1b: {  	s11 =	sadd.s32 s5, s16;
	s5 =	sadd.s32 s0, s24;
	[dreg:$0x1f] =	wrdreg s18  }
0x1c: {  	s10 =	sor.u32 $0xC1000, s6;
	s9 =	sadd.s32 s0, s26;
	[dreg:$0x15] =	wrdreg s5  }
0x1d: {  	s12 =	sadd.s32 s4, s10;
	[dreg:$0x17] =	wrdreg s9  }
0x1e: {  	s15 =	sor.u32 $0x41800, s6;
	s13 =	sadd.s32 s4, s22;
	[dreg:$0x18] =	wrdreg s12  }
0x1f: {  	s20 =	sor.u32 $0x81800, s6;
	s16 =	sadd.s32 s4, s15;
	[dreg:$0x1a] =	wrdreg s13  }
0x20: {  	s6 =	sor.u32 $0xC1800, s6;
	s21 =	sadd.s32 s4, s20;
	[dreg:$0x1c] =	wrdreg s16  }
0x21: {  	s4 =	sadd.s32 s4, s6;
	[smem:$0x7DF] =	sst s21  }
0x22: {  	s22 =	sadd.s32 s0, s20;
	[smem:$0x7E0] =	sst s4  }
0x23: {  	s5 =	sadd.s32 s0, s10;
	[smem:$0x7E1] =	sst s22  }
0x24: {  	[dreg:$0x19] =	wrdreg s5;
	s5 =	sadd.s32 s0, s15  }
0x25: {  	s0 =	sadd.s32 s0, s6;
	[dreg:$0x1d] =	wrdreg s5  }
0x26: {  	s23 =	smax.u32 s7, $0x1;
	[smem:$0x7E2] =	sst s0  }
0x27: {  	s24 =	sadd.s32 $0x10, s2;
	_ =	strace $0x80000047;
	[smem:$0x7E3] =	sst s23  }
0x28: {  	s25 =	sadd.s32 $0x20, s2;
	[smem:$0x7E4] =	sst s24  }
0x29: {  	s26 =	sadd.s32 $0x30, s2;
	[smem:$0x7E5] =	sst s25  }
0x2a: {  	s29 =	sadd.s32 $0x40, s2;
	[smem:$0x7E6] =	sst s26  }
0x2b: {  	s4 =	sadd.s32 $0x50, s2;
	[smem:$0x7E7] =	sst s29  }
0x2c: {  	s5 =	sadd.s32 $0x60, s2;
	[smem:$0x7E8] =	sst s4  }
0x2d: {  	s6 =	sadd.s32 $0x70, s2;
	[smem:$0x7E9] =	sst s5  }
0x2e: {  	s7 =	sadd.s32 $0x400, s2;
	[smem:$0x7EA] =	sst s6  }
0x2f: {  	s8 =	sadd.s32 $0x410, s2;
	[smem:$0x7EB] =	sst s7  }
0x30: {  	s9 =	sadd.s32 $0x420, s2;
	[smem:$0x7EC] =	sst s8  }
0x31: {  	s10 =	sadd.s32 $0x430, s2;
	[smem:$0x7ED] =	sst s9  }
0x32: {  	s12 =	sadd.s32 $0x440, s2;
	[smem:$0x7EE] =	sst s10  }
0x33: {  	s13 =	sadd.s32 $0x450, s2;
	[smem:$0x7EF] =	sst s12  }
0x34: {  	s14 =	sadd.s32 $0x460, s2;
	[smem:$0x7F0] =	sst s13  }
0x35: {  	s15 =	sadd.s32 $0x470, s2;
	[smem:$0x7F1] =	sst s14  }
0x36: {  	s16 =	sadd.s32 $0x10, s3;
	[smem:$0x7F2] =	sst s15  }
0x37: {  	s17 =	sadd.s32 $0x20, s3;
	[smem:$0x7F3] =	sst s16  }
0x38: {  	s30 =	simm.s32 $0x17000;
	s18 =	sadd.s32 $0x30, s3;
	[smem:$0x7F4] =	sst s17  }
0x39: {  	s31 =	simm.s32 $0x17800;
	s20 =	sadd.s32 $0x40, s3;
	[smem:$0x7F5] =	sst s18  }
0x3a: {  	s28 =	simm.s32 $0x0;
	s21 =	sadd.s32 $0x50, s3;
	[smem:$0x7F6] =	sst s20  }
0x3b: {  	s22 =	sadd.s32 $0x60, s3;
	s0 =	simm.s32 $0x4000;
	[smem:$0x7F7] =	sst s21  }
0x3c: {  	[smem:$0x7F8] =	sst s22;
	s23 =	sadd.s32 $0x70, s3;
	s24 =	sadd.s32 $0x400, s3  }
0x3d: {  	s25 =	sadd.s32 $0x410, s3;
	s26 =	sadd.s32 $0x420, s3;
	s29 =	sadd.s32 $0x430, s3  }
0x3e: {  	s12 =	sadd.s32 $0x440, s3;
	s13 =	sadd.s32 $0x450, s3;
	s14 =	sadd.s32 $0x460, s3  }
0x3f: {  	s15 =	sadd.s32 $0x470, s3;
	s16 =	simm.s32 $0x80;
	[smem:$0x7F9] =	sst s23  }
0x40: {  	s17 =	simm.s32 $0x400;
	s21 =	simm.s32 $0x17400;
	[smem:$0x7FA] =	sst s24  }
0x41: {  	s20 =	simm.s32 $0x5;
	s4 =	simm.s32 $0x1;
	[smem:$0x7FB] =	sst s25  }
0x42: {  	s5 =	simm.s32 $0x2;
	s22 =	simm.s32 $0xC000;
	[smem:$0x7FC] =	sst s26  }
0x43: {  	s6 =	simm.s32 $0x3;
	s7 =	simm.s32 $0x6;
	[smem:$0x7FD] =	sst s29  }
0x44: {  	s24 =	simm.s32 $0x17C00;
	s25 =	simm.s32 $0x8000;
	s26 =	simm.s32 $0x4  }
.LBB2_1:
0x45: {  	s8 =	simm.s32 $0x10000;
	s29 =	sld [smem:$0x7E4]  }
0x46: {  	[tilespmem:s8], [sflag:$0x5] =	stream.strided.gather [hbm4b:s2+s16], $0x400, s17, s16, $0x38;
	[tilespmem:$0x18000] =	vst v63  }
0x47: {  	s9 =	simm.s32 $0x10400;
	s10 =	sld [smem:$0x7E5]  }
0x48: {  	[tilespmem:s9], [sflag:$0x5] =	stream.strided.gather [hbm4b:s29+s16], $0x400, s17, s16, $0x38;
	[tilespmem:$0x18000] =	vst v63  }
0x49: {  	s18 =	simm.s32 $0x10800;
	s23 =	sld [smem:$0x7E6]  }
0x4a: {  	[tilespmem:s18], [sflag:$0x5] =	stream.strided.gather [hbm4b:s10+s16], $0x400, s17, s16, $0x38;
	[tilespmem:$0x18000] =	vst v63  }
0x4b: {  	s29 =	simm.s32 $0x10C00;
	s10 =	sld [smem:$0x7E7]  }
0x4c: {  	[tilespmem:s29], [sflag:$0x5] =	stream.strided.gather [hbm4b:s23+s16], $0x400, s17, s16, $0x38;
	[tilespmem:$0x18000] =	vst v63  }
0x4d: {  	s18 =	simm.s32 $0x11000;
	s23 =	sld [smem:$0x7E8]  }
0x4e: {  	[tilespmem:s18], [sflag:$0x5] =	stream.strided.gather [hbm4b:s10+s16], $0x400, s17, s16, $0x38;
	[tilespmem:$0x18000] =	vst v63  }
0x4f: {  	s29 =	simm.s32 $0x11400;
	s10 =	sld [smem:$0x7E9]  }
0x50: {  	[tilespmem:s29], [sflag:$0x5] =	stream.strided.gather [hbm4b:s23+s16], $0x400, s17, s16, $0x38;
	[tilespmem:$0x18000] =	vst v63  }
0x51: {  	s18 =	simm.s32 $0x11800;
	s23 =	sld [smem:$0x7EA]  }
0x52: {  	[tilespmem:s18], [sflag:$0x5] =	stream.strided.gather [hbm4b:s10+s16], $0x400, s17, s16, $0x38;
	[tilespmem:$0x18000] =	vst v63  }
0x53: {  	s29 =	simm.s32 $0x11C00;
	s10 =	sld [smem:$0x7EB]  }
0x54: {  	[tilespmem:s29], [sflag:$0x5] =	stream.strided.gather [hbm4b:s23+s16], $0x400, s17, s16, $0x38;
	[tilespmem:$0x18000] =	vst v63  }
0x55: {  	s18 =	simm.s32 $0x12000;
	s23 =	sld [smem:$0x7EC]  }
0x56: {  	[tilespmem:s18], [sflag:$0x5] =	stream.strided.gather [hbm4b:s10+s16], $0x400, s17, s16, $0x38;
	[tilespmem:$0x18000] =	vst v63  }
0x57: {  	s29 =	simm.s32 $0x12400;
	s10 =	sld [smem:$0x7ED]  }
0x58: {  	[tilespmem:s29], [sflag:$0x5] =	stream.strided.gather [hbm4b:s23+s16], $0x400, s17, s16, $0x38;
	[tilespmem:$0x18000] =	vst v63  }
0x59: {  	s18 =	simm.s32 $0x12800;
	s23 =	sld [smem:$0x7EE]  }
0x5a: {  	[tilespmem:s18], [sflag:$0x5] =	stream.strided.gather [hbm4b:s10+s16], $0x400, s17, s16, $0x38;
	[tilespmem:$0x18000] =	vst v63  }
0x5b: {  	s29 =	simm.s32 $0x12C00;
	s10 =	sld [smem:$0x7EF]  }
0x5c: {  	[tilespmem:s29], [sflag:$0x5] =	stream.strided.gather [hbm4b:s23+s16], $0x400, s17, s16, $0x38;
	[tilespmem:$0x18000] =	vst v63  }
0x5d: {  	s18 =	simm.s32 $0x13000;
	s23 =	sld [smem:$0x7F0]  }
0x5e: {  	[tilespmem:s18], [sflag:$0x5] =	stream.strided.gather [hbm4b:s10+s16], $0x400, s17, s16, $0x38;
	[tilespmem:$0x18000] =	vst v63  }
0x5f: {  	s29 =	simm.s32 $0x13400;
	s10 =	sld [smem:$0x7F1]  }
0x60: {  	[tilespmem:s29], [sflag:$0x5] =	stream.strided.gather [hbm4b:s23+s16], $0x400, s17, s16, $0x38;
	[tilespmem:$0x18000] =	vst v63  }
0x61: {  	s18 =	simm.s32 $0x13800;
	s23 =	sld [smem:$0x7F2]  }
0x62: {  	[tilespmem:s18], [sflag:$0x5] =	stream.strided.gather [hbm4b:s10+s16], $0x400, s17, s16, $0x38;
	[tilespmem:$0x18000] =	vst v63  }
0x63: {  	s29 =	simm.s32 $0x13C00  }
0x64: {  	[tilespmem:s29], [sflag:$0x5] =	stream.strided.gather [hbm4b:s23+s16], $0x400, s17, s16, $0x38;
	[tilespmem:$0x18000] =	vst v63  }
0x65: {  	s10 =	rddreg [dreg:$0x1e]  }
0x66: {  	[tilespmem:s1], [sflag:$0x1] =	stream.linear.gather [hbm4b:s10+s1], $0x4000, $0x38;
	[tilespmem:$0x18000] =	vst v63  }
0x67: {  	s18 =	simm.s32 $0x14000;
	s23 =	sld [smem:$0x7F3]  }
0x68: {  	[tilespmem:s18], [sflag:$0x6] =	stream.strided.gather [hbm4b:s3+s16], $0x400, s17, s16, $0x38;
	[tilespmem:$0x18000] =	vst v63  }
0x69: {  	s29 =	simm.s32 $0x14400;
	s10 =	sld [smem:$0x7F4]  }
0x6a: {  	[tilespmem:s29], [sflag:$0x6] =	stream.strided.gather [hbm4b:s23+s16], $0x400, s17, s16, $0x38;
	[tilespmem:$0x18000] =	vst v63  }
0x6b: {  	s18 =	simm.s32 $0x14800;
	s23 =	sld [smem:$0x7F5]  }
0x6c: {  	[tilespmem:s18], [sflag:$0x6] =	stream.strided.gather [hbm4b:s10+s16], $0x400, s17, s16, $0x38;
	[tilespmem:$0x18000] =	vst v63  }
0x6d: {  	s29 =	simm.s32 $0x14C00;
	s10 =	sld [smem:$0x7F6]  }
0x6e: {  	[tilespmem:s29], [sflag:$0x6] =	stream.strided.gather [hbm4b:s23+s16], $0x400, s17, s16, $0x38;
	[tilespmem:$0x18000] =	vst v63  }
0x6f: {  	s18 =	simm.s32 $0x15000;
	s23 =	sld [smem:$0x7F7]  }
0x70: {  	[tilespmem:s18], [sflag:$0x6] =	stream.strided.gather [hbm4b:s10+s16], $0x400, s17, s16, $0x38;
	[tilespmem:$0x18000] =	vst v63  }
0x71: {  	s29 =	simm.s32 $0x15400;
	s10 =	sld [smem:$0x7F8]  }
0x72: {  	[tilespmem:s29], [sflag:$0x6] =	stream.strided.gather [hbm4b:s23+s16], $0x400, s17, s16, $0x38;
	[tilespmem:$0x18000] =	vst v63  }
0x73: {  	s18 =	simm.s32 $0x15800;
	s23 =	sld [smem:$0x7F9]  }
0x74: {  	[tilespmem:s18], [sflag:$0x6] =	stream.strided.gather [hbm4b:s10+s16], $0x400, s17, s16, $0x38;
	[tilespmem:$0x18000] =	vst v63  }
0x75: {  	s29 =	simm.s32 $0x15C00;
	s10 =	sld [smem:$0x7FA]  }
0x76: {  	[tilespmem:s29], [sflag:$0x6] =	stream.strided.gather [hbm4b:s23+s16], $0x400, s17, s16, $0x38;
	[tilespmem:$0x18000] =	vst v63  }
0x77: {  	s18 =	simm.s32 $0x16000;
	s23 =	sld [smem:$0x7FB]  }
0x78: {  	[tilespmem:s18], [sflag:$0x6] =	stream.strided.gather [hbm4b:s10+s16], $0x400, s17, s16, $0x38;
	[tilespmem:$0x18000] =	vst v63  }
0x79: {  	s29 =	simm.s32 $0x16400;
	s10 =	sld [smem:$0x7FC]  }
0x7a: {  	[tilespmem:s29], [sflag:$0x6] =	stream.strided.gather [hbm4b:s23+s16], $0x400, s17, s16, $0x38;
	[tilespmem:$0x18000] =	vst v63  }
0x7b: {  	s18 =	simm.s32 $0x16800;
	s23 =	sld [smem:$0x7FD]  }
0x7c: {  	[tilespmem:s18], [sflag:$0x6] =	stream.strided.gather [hbm4b:s10+s16], $0x400, s17, s16, $0x38;
	[tilespmem:$0x18000] =	vst v63  }
0x7d: {  	s29 =	simm.s32 $0x16C00  }
0x7e: {  	[tilespmem:s29], [sflag:$0x6] =	stream.strided.gather [hbm4b:s23+s16], $0x400, s17, s16, $0x38;
	[tilespmem:$0x18000] =	vst v63  }
0x7f: {  	_ = 	snop  }
0x80: {  	[tilespmem:s30], [sflag:$0x6] =	stream.strided.gather [hbm4b:s12+s16], $0x400, s17, s16, $0x38;
	[tilespmem:$0x18000] =	vst v63  }
0x81: {  	_ = 	snop  }
0x82: {  	[tilespmem:s21], [sflag:$0x6] =	stream.strided.gather [hbm4b:s13+s16], $0x400, s17, s16, $0x38;
	[tilespmem:$0x18000] =	vst v63  }
0x83: {  	_ = 	snop  }
0x84: {  	[tilespmem:s31], [sflag:$0x6] =	stream.strided.gather [hbm4b:s14+s16], $0x400, s17, s16, $0x38;
	[tilespmem:$0x18000] =	vst v63  }
0x85: {  	_ = 	snop  }
0x86: {  	[tilespmem:s24], [sflag:$0x6] =	stream.strided.gather [hbm4b:s15+s16], $0x400, s17, s16, $0x38;
	[tilespmem:$0x18000] =	vst v63  }
0x87: {  	s10 =	rddreg [dreg:$0x4]  }
0x88: {  	[tilespmem:s0], [sflag:$0x2] =	stream.linear.gather [hbm4b:s10+s1], $0x4000, $0x38;
	[tilespmem:$0x18000] =	vst v63  }
0x89: {  	_ =	swait.ge [sflag:s20], $0x4000  }
0x8a: {  	s18 =	simm.s32 $0x0;
	[sflag:s20] =	ssyncset.done $0x0  }
0x8b: {  	s8 =	sand.u32 $0x2000, s18;
	[sflag:s20] =	ssyncadd.s32 $0xFFFFC000  }
0x8c: {  	s18 =	simm.s32 $0x0;
	s23 =	sand.u32 $0x1C00, s1;
	_ =	swait.ge [sflag:s4], $0x4000  }
0x8d: {  	s29 =	sand.u32 $0x380, s18;
	s8 =	sor.u32 s23, s8;
	[sflag:s4] =	ssyncset.done $0x0  }
0x8e: {  	s8 =	sor.u32 s29, s8;
	[sflag:s4] =	ssyncadd.s32 $0xFFFFC000  }
0x8f: {  	v0 =	vld [tilespmem:s8+$0x10070]  }
0x90: {  	v1 =	vld [tilespmem:s8+$0x10000]  }
0x91: {  	v2 =	vld [tilespmem:s8+$0x70]  }
0x92: {  	v4 =	vld [tilespmem:s8+$0x10010]  }
0x93: {  	v8 =	vld [tilespmem:s8+$0x10020]  }
0x94: {  	v9 =	vld [tilespmem:s8+$0x10030]  }
0x95: {  	v6 =	vld [tilespmem:s8+$0x10040];
	v0 =	vmul.f32 $2.000000090e-03, v0  }
0x96: {  	v5 =	vld [tilespmem:s8+$0x10050]  }
0x97: {  	v3 =	vld [tilespmem:s8+$0x10060];
	v2 =	vadd.f32 v0, v2  }
0x98: {  	v7 =	vld [tilespmem:s8+$0x0];
	v4 =	vmul.f32 $2.000000090e-03, v4;
	v0 =	vmul.f32 $2.000000090e-03, v1  }
0x99: {  	s9 =	simm.s32 $0x0;
	s18 =	simm.s32 $0x0;
	v1 =	vmul.f32 $2.000000090e-03, v8;
	v8 =	vld [tilespmem:s8+$0x10];
	[tilespmem:s8+$0x8070] =	vst v2;
	v2 =	vmul.f32 $2.000000090e-03, v9  }
.LBB2_2:
0x9a: {  	s18 =	sadd.s32 $0x8, s18;
	v9 =	vld [tilespmem:s8+$0x20];
	v6 =	vmul.f32 $2.000000090e-03, v6  }
0x9b: {  	s9 =	sadd.s32 $0x400, s9;
	s29 =	sshll.u32 s18, $0x4;
	p0 =	slt.u32 s18, $0x3F8;
	v10 =	vld [tilespmem:s8+$0x30];
	v5 =	vmul.f32 $2.000000090e-03, v5  }
0x9c: {  	s10 =	sand.u32 $0x1C00, s9;
	s23 =	sshll.u32 s18, $0x1;
	s29 =	sand.u32 $0x2000, s29;
	v11 =	vld [tilespmem:s8+$0x40];
	v3 =	vmul.f32 $2.000000090e-03, v3  }
0x9d: {  	s23 =	sand.u32 $0x380, s23;
	s10 =	sor.u32 s10, s29;
	v0 =	vadd.f32 v0, v7;
	v7 =	vld [tilespmem:s8+$0x50]  }
0x9e: {  	s10 =	sor.u32 s23, s10;
	v4 =	vadd.f32 v4, v8;
	v8 =	vld [tilespmem:s8+$0x60]  }
0x9f: {  	v12 =	vld [tilespmem:s10+$0x10070];
	[tilespmem:s8+$0x8000] =	vst v0;
	v0 =	vadd.f32 v1, v9  }
0xa0: {  	v1 =	vld [tilespmem:s10+$0x10000];
	[tilespmem:s8+$0x8010] =	vst v4;
	v2 =	vadd.f32 v2, v10  }
0xa1: {  	v4 =	vld [tilespmem:s10+$0x70];
	[tilespmem:s8+$0x8020] =	vst v0;
	v0 =	vadd.f32 v6, v11  }
0xa2: {  	v9 =	vld [tilespmem:s10+$0x10010];
	[tilespmem:s8+$0x8030] =	vst v2;
	v2 =	vadd.f32 v5, v7  }
0xa3: {  	v10 =	vld [tilespmem:s10+$0x10020];
	[tilespmem:s8+$0x8040] =	vst v0;
	v3 =	vadd.f32 v3, v8  }
0xa4: {  	v11 =	vld [tilespmem:s10+$0x10030];
	v7 =	vmul.f32 $2.000000090e-03, v12;
	[tilespmem:s8+$0x8050] =	vst v2  }
.Ltmp0:
0xa5: {  	v0 =	vmul.f32 $2.000000090e-03, v1;
	v6 =	vld [tilespmem:s10+$0x10040];
	[tilespmem:s8+$0x8060] =	vst v3;
	s8 =	smov.u32 s10;
	(pc) =	sbr.rel @p0 .LBB2_2-.Ltmp0, $4  }
0xa6: {  	v5 =	vld [tilespmem:s8+$0x10050];
	v2 =	vadd.f32 v7, v4  }
0xa7: {  	v4 =	vmul.f32 $2.000000090e-03, v9;
	v3 =	vld [tilespmem:s8+$0x10060]  }
0xa8: {  	v7 =	vld [tilespmem:s8+$0x0];
	v1 =	vmul.f32 $2.000000090e-03, v10;
	[tilespmem:s8+$0x8070] =	vst v2  }
0xa9: {  	v8 =	vld [tilespmem:s8+$0x10];
	v2 =	vmul.f32 $2.000000090e-03, v11  }
0xaa: {  	v9 =	vld [tilespmem:s8+$0x20]  }
0xab: {  	v10 =	vld [tilespmem:s8+$0x30]  }
0xac: {  	v11 =	vld [tilespmem:s8+$0x40]  }
0xad: {  	v0 =	vadd.f32 v0, v7;
	v7 =	vld [tilespmem:s8+$0x50]  }
0xae: {  	v4 =	vadd.f32 v4, v8;
	v8 =	vld [tilespmem:s8+$0x60]  }
0xaf: {  	v6 =	vmul.f32 $2.000000090e-03, v6;
	[tilespmem:s8+$0x8000] =	vst v0;
	v0 =	vadd.f32 v1, v9  }
0xb0: {  	v1 =	vmul.f32 $2.000000090e-03, v5;
	v2 =	vadd.f32 v2, v10;
	[tilespmem:s8+$0x8010] =	vst v4  }
0xb1: {  	v3 =	vmul.f32 $2.000000090e-03, v3;
	[tilespmem:s8+$0x8020] =	vst v0;
	v0 =	vadd.f32 v6, v11  }
0xb2: {  	[tilespmem:s8+$0x8030] =	vst v2;
	v1 =	vadd.f32 v1, v7  }
0xb3: {  	[tilespmem:s8+$0x8040] =	vst v0;
	v0 =	vadd.f32 v3, v8  }
0xb4: {  	[tilespmem:s8+$0x8050] =	vst v1  }
0xb5: {  	[tilespmem:s8+$0x8060] =	vst v0  }
0xb6: {  	s18 =	simm.s32 $0x0;
	s8 =	rddreg [dreg:$0x1f]  }
0xb7: {  	[hbm4b:s8+s18] =	stream.linear.scatter [tilespmem:s25], [sflag:$0x3], $0x4000, $0x38;
	[tilespmem:$0x18000] =	vst v63  }
0xb8: {  	s23 =	simm.s32 $0x0;
	s9 =	sand.u32 $0x1C00, s18;
	s10 =	rddreg [dreg:$0x5]  }
0xb9: {  	[tilespmem:s18], [sflag:$0x1] =	stream.linear.gather [hbm4b:s10+s18], $0x4000, $0x38;
	[tilespmem:$0x18000] =	vst v63  }
0xba: {  	s8 =	sand.u32 $0x2000, s23;
	s10 =	simm.s32 $0x0;
	_ =	swait.ge [sflag:s5], $0x4000  }
0xbb: {  	s8 =	sor.u32 s9, s8;
	s29 =	sand.u32 $0x380, s10;
	[sflag:s5] =	ssyncset.done $0x0  }
0xbc: {  	s8 =	sor.u32 s29, s8;
	[sflag:s5] =	ssyncadd.s32 $0xFFFFC000  }
0xbd: {  	v0 =	vld [tilespmem:s8+$0x10070]  }
0xbe: {  	v1 =	vld [tilespmem:s8+$0x10000]  }
0xbf: {  	v2 =	vld [tilespmem:s8+$0x4070]  }
0xc0: {  	v4 =	vld [tilespmem:s8+$0x10010]  }
0xc1: {  	v8 =	vld [tilespmem:s8+$0x10020]  }
0xc2: {  	v9 =	vld [tilespmem:s8+$0x10030]  }
0xc3: {  	v6 =	vld [tilespmem:s8+$0x10040];
	v0 =	vmul.f32 $2.000000090e-03, v0  }
0xc4: {  	v5 =	vld [tilespmem:s8+$0x10050]  }
0xc5: {  	v3 =	vld [tilespmem:s8+$0x10060];
	v2 =	vadd.f32 v0, v2  }
0xc6: {  	v7 =	vld [tilespmem:s8+$0x4000];
	v4 =	vmul.f32 $2.000000090e-03, v4;
	v0 =	vmul.f32 $2.000000090e-03, v1  }
0xc7: {  	s9 =	simm.s32 $0x0;
	v1 =	vmul.f32 $2.000000090e-03, v8;
	v8 =	vld [tilespmem:s8+$0x4010];
	[tilespmem:s8+$0xC070] =	vst v2;
	v2 =	vmul.f32 $2.000000090e-03, v9  }
.LBB2_4:
0xc8: {  	s9 =	sadd.s32 $0x8, s9;
	v9 =	vld [tilespmem:s8+$0x4020];
	v6 =	vmul.f32 $2.000000090e-03, v6  }
0xc9: {  	s18 =	sadd.s32 $0x400, s18;
	s10 =	sshll.u32 s9, $0x4;
	p0 =	slt.u32 s9, $0x3F8;
	v10 =	vld [tilespmem:s8+$0x4030];
	v5 =	vmul.f32 $2.000000090e-03, v5  }
0xca: {  	s23 =	sand.u32 $0x1C00, s18;
	s29 =	sshll.u32 s9, $0x1;
	s10 =	sand.u32 $0x2000, s10;
	v11 =	vld [tilespmem:s8+$0x4040];
	v3 =	vmul.f32 $2.000000090e-03, v3  }
0xcb: {  	s10 =	sor.u32 s23, s10;
	s23 =	sand.u32 $0x380, s29;
	v0 =	vadd.f32 v0, v7;
	v7 =	vld [tilespmem:s8+$0x4050]  }
0xcc: {  	s10 =	sor.u32 s23, s10;
	v4 =	vadd.f32 v4, v8;
	v8 =	vld [tilespmem:s8+$0x4060]  }
0xcd: {  	v12 =	vld [tilespmem:s10+$0x10070];
	[tilespmem:s8+$0xC000] =	vst v0;
	v0 =	vadd.f32 v1, v9  }
0xce: {  	v1 =	vld [tilespmem:s10+$0x10000];
	[tilespmem:s8+$0xC010] =	vst v4;
	v2 =	vadd.f32 v2, v10  }
0xcf: {  	v4 =	vld [tilespmem:s10+$0x4070];
	[tilespmem:s8+$0xC020] =	vst v0;
	v0 =	vadd.f32 v6, v11  }
0xd0: {  	v9 =	vld [tilespmem:s10+$0x10010];
	[tilespmem:s8+$0xC030] =	vst v2;
	v2 =	vadd.f32 v5, v7  }
0xd1: {  	v10 =	vld [tilespmem:s10+$0x10020];
	[tilespmem:s8+$0xC040] =	vst v0;
	v3 =	vadd.f32 v3, v8  }
0xd2: {  	v11 =	vld [tilespmem:s10+$0x10030];
	v7 =	vmul.f32 $2.000000090e-03, v12;
	[tilespmem:s8+$0xC050] =	vst v2  }
.Ltmp1:
0xd3: {  	v0 =	vmul.f32 $2.000000090e-03, v1;
	v6 =	vld [tilespmem:s10+$0x10040];
	[tilespmem:s8+$0xC060] =	vst v3;
	s8 =	smov.u32 s10;
	(pc) =	sbr.rel @p0 .LBB2_4-.Ltmp1, $4  }
0xd4: {  	v5 =	vld [tilespmem:s8+$0x10050];
	v2 =	vadd.f32 v7, v4  }
0xd5: {  	v4 =	vmul.f32 $2.000000090e-03, v9;
	v3 =	vld [tilespmem:s8+$0x10060]  }
0xd6: {  	v7 =	vld [tilespmem:s8+$0x4000];
	v1 =	vmul.f32 $2.000000090e-03, v10;
	[tilespmem:s8+$0xC070] =	vst v2  }
0xd7: {  	v8 =	vld [tilespmem:s8+$0x4010];
	v2 =	vmul.f32 $2.000000090e-03, v11  }
0xd8: {  	v9 =	vld [tilespmem:s8+$0x4020]  }
0xd9: {  	v10 =	vld [tilespmem:s8+$0x4030]  }
0xda: {  	v11 =	vld [tilespmem:s8+$0x4040]  }
0xdb: {  	v0 =	vadd.f32 v0, v7;
	v7 =	vld [tilespmem:s8+$0x4050]  }
0xdc: {  	v4 =	vadd.f32 v4, v8;
	v8 =	vld [tilespmem:s8+$0x4060]  }
0xdd: {  	v6 =	vmul.f32 $2.000000090e-03, v6;
	[tilespmem:s8+$0xC000] =	vst v0;
	v0 =	vadd.f32 v1, v9  }
0xde: {  	v1 =	vmul.f32 $2.000000090e-03, v5;
	v2 =	vadd.f32 v2, v10;
	[tilespmem:s8+$0xC010] =	vst v4  }
0xdf: {  	v3 =	vmul.f32 $2.000000090e-03, v3;
	[tilespmem:s8+$0xC020] =	vst v0;
	v0 =	vadd.f32 v6, v11  }
0xe0: {  	[tilespmem:s8+$0xC030] =	vst v2;
	v1 =	vadd.f32 v1, v7  }
0xe1: {  	[tilespmem:s8+$0xC040] =	vst v0;
	v0 =	vadd.f32 v3, v8  }
0xe2: {  	[tilespmem:s8+$0xC050] =	vst v1  }
0xe3: {  	[tilespmem:s8+$0xC060] =	vst v0  }
0xe4: {  	s18 =	simm.s32 $0x0;
	s8 =	rddreg [dreg:$0x6]  }
0xe5: {  	[hbm4b:s8+s18] =	stream.linear.scatter [tilespmem:s22], [sflag:$0x4], $0x4000, $0x38;
	[tilespmem:$0x18000] =	vst v63  }
0xe6: {  	s10 =	rddreg [dreg:$0x7]  }
0xe7: {  	[tilespmem:s0], [sflag:$0x2] =	stream.linear.gather [hbm4b:s10+s18], $0x4000, $0x38;
	[tilespmem:$0x18000] =	vst v63  }
0xe8: {  	_ =	swait.ge [sflag:s4], $0x4000  }
0xe9: {  	[sflag:s4] =	ssyncset.done $0x0  }
0xea: {  	s23 =	simm.s32 $0x0;
	s9 =	sand.u32 $0x1C00, s18;
	[sflag:s4] =	ssyncadd.s32 $0xFFFFC000  }
0xeb: {  	s8 =	sand.u32 $0x2000, s23;
	s10 =	simm.s32 $0x0;
	_ =	swait.ge [sflag:s6], $0x4000  }
0xec: {  	s8 =	sor.u32 s9, s8;
	s29 =	sand.u32 $0x380, s10;
	[sflag:s6] =	ssyncset.done $0x0  }
0xed: {  	s8 =	sor.u32 s29, s8;
	[sflag:s6] =	ssyncadd.s32 $0xFFFFC000  }
0xee: {  	v0 =	vld [tilespmem:s8+$0x10070]  }
0xef: {  	v1 =	vld [tilespmem:s8+$0x10000]  }
0xf0: {  	v2 =	vld [tilespmem:s8+$0x70]  }
0xf1: {  	v4 =	vld [tilespmem:s8+$0x10010]  }
0xf2: {  	v8 =	vld [tilespmem:s8+$0x10020]  }
0xf3: {  	v9 =	vld [tilespmem:s8+$0x10030]  }
0xf4: {  	v6 =	vld [tilespmem:s8+$0x10040];
	v0 =	vmul.f32 $2.000000090e-03, v0  }
0xf5: {  	v5 =	vld [tilespmem:s8+$0x10050]  }
0xf6: {  	v3 =	vld [tilespmem:s8+$0x10060];
	v2 =	vadd.f32 v0, v2  }
0xf7: {  	v7 =	vld [tilespmem:s8+$0x0];
	v4 =	vmul.f32 $2.000000090e-03, v4;
	v0 =	vmul.f32 $2.000000090e-03, v1  }
0xf8: {  	s9 =	simm.s32 $0x0;
	v1 =	vmul.f32 $2.000000090e-03, v8;
	v8 =	vld [tilespmem:s8+$0x10];
	[tilespmem:s8+$0x8070] =	vst v2;
	v2 =	vmul.f32 $2.000000090e-03, v9  }
.LBB2_6:
0xf9: {  	s9 =	sadd.s32 $0x8, s9;
	v9 =	vld [tilespmem:s8+$0x20];
	v6 =	vmul.f32 $2.000000090e-03, v6  }
0xfa: {  	s18 =	sadd.s32 $0x400, s18;
	s10 =	sshll.u32 s9, $0x4;
	p0 =	slt.u32 s9, $0x3F8;
	v10 =	vld [tilespmem:s8+$0x30];
	v5 =	vmul.f32 $2.000000090e-03, v5  }
0xfb: {  	s23 =	sand.u32 $0x1C00, s18;
	s29 =	sshll.u32 s9, $0x1;
	s10 =	sand.u32 $0x2000, s10;
	v11 =	vld [tilespmem:s8+$0x40];
	v3 =	vmul.f32 $2.000000090e-03, v3  }
0xfc: {  	s10 =	sor.u32 s23, s10;
	s23 =	sand.u32 $0x380, s29;
	v0 =	vadd.f32 v0, v7;
	v7 =	vld [tilespmem:s8+$0x50]  }
0xfd: {  	s10 =	sor.u32 s23, s10;
	v4 =	vadd.f32 v4, v8;
	v8 =	vld [tilespmem:s8+$0x60]  }
0xfe: {  	v12 =	vld [tilespmem:s10+$0x10070];
	[tilespmem:s8+$0x8000] =	vst v0;
	v0 =	vadd.f32 v1, v9  }
0xff: {  	v1 =	vld [tilespmem:s10+$0x10000];
	[tilespmem:s8+$0x8010] =	vst v4;
	v2 =	vadd.f32 v2, v10  }
0x100: {  	v4 =	vld [tilespmem:s10+$0x70];
	[tilespmem:s8+$0x8020] =	vst v0;
	v0 =	vadd.f32 v6, v11  }
0x101: {  	v9 =	vld [tilespmem:s10+$0x10010];
	[tilespmem:s8+$0x8030] =	vst v2;
	v2 =	vadd.f32 v5, v7  }
0x102: {  	v10 =	vld [tilespmem:s10+$0x10020];
	[tilespmem:s8+$0x8040] =	vst v0;
	v3 =	vadd.f32 v3, v8  }
0x103: {  	v11 =	vld [tilespmem:s10+$0x10030];
	v7 =	vmul.f32 $2.000000090e-03, v12;
	[tilespmem:s8+$0x8050] =	vst v2  }
.Ltmp2:
0x104: {  	v0 =	vmul.f32 $2.000000090e-03, v1;
	v6 =	vld [tilespmem:s10+$0x10040];
	[tilespmem:s8+$0x8060] =	vst v3;
	s8 =	smov.u32 s10;
	(pc) =	sbr.rel @p0 .LBB2_6-.Ltmp2, $4  }
0x105: {  	v5 =	vld [tilespmem:s8+$0x10050];
	v2 =	vadd.f32 v7, v4  }
0x106: {  	v4 =	vmul.f32 $2.000000090e-03, v9;
	v3 =	vld [tilespmem:s8+$0x10060]  }
0x107: {  	v7 =	vld [tilespmem:s8+$0x0];
	v1 =	vmul.f32 $2.000000090e-03, v10;
	[tilespmem:s8+$0x8070] =	vst v2  }
0x108: {  	v8 =	vld [tilespmem:s8+$0x10];
	v2 =	vmul.f32 $2.000000090e-03, v11  }
0x109: {  	v9 =	vld [tilespmem:s8+$0x20]  }
0x10a: {  	v10 =	vld [tilespmem:s8+$0x30]  }
0x10b: {  	v11 =	vld [tilespmem:s8+$0x40]  }
0x10c: {  	v0 =	vadd.f32 v0, v7;
	v7 =	vld [tilespmem:s8+$0x50]  }
0x10d: {  	v4 =	vadd.f32 v4, v8;
	v8 =	vld [tilespmem:s8+$0x60]  }
0x10e: {  	v6 =	vmul.f32 $2.000000090e-03, v6;
	[tilespmem:s8+$0x8000] =	vst v0;
	v0 =	vadd.f32 v1, v9  }
0x10f: {  	v1 =	vmul.f32 $2.000000090e-03, v5;
	v2 =	vadd.f32 v2, v10;
	[tilespmem:s8+$0x8010] =	vst v4  }
0x110: {  	v3 =	vmul.f32 $2.000000090e-03, v3;
	[tilespmem:s8+$0x8020] =	vst v0;
	v0 =	vadd.f32 v6, v11  }
0x111: {  	[tilespmem:s8+$0x8030] =	vst v2;
	v1 =	vadd.f32 v1, v7  }
0x112: {  	[tilespmem:s8+$0x8040] =	vst v0;
	v0 =	vadd.f32 v3, v8  }
0x113: {  	[tilespmem:s8+$0x8050] =	vst v1  }
0x114: {  	[tilespmem:s8+$0x8060] =	vst v0  }
0x115: {  	s18 =	simm.s32 $0x0;
	s8 =	rddreg [dreg:$0x8]  }
0x116: {  	[hbm4b:s8+s18] =	stream.linear.scatter [tilespmem:s25], [sflag:$0x3], $0x4000, $0x38;
	[tilespmem:$0x18000] =	vst v63  }
0x117: {  	s10 =	rddreg [dreg:$0x9]  }
0x118: {  	[tilespmem:s18], [sflag:$0x1] =	stream.linear.gather [hbm4b:s10+s18], $0x4000, $0x38;
	[tilespmem:$0x18000] =	vst v63  }
0x119: {  	_ =	swait.ge [sflag:s5], $0x4000  }
0x11a: {  	[sflag:s5] =	ssyncset.done $0x0  }
0x11b: {  	s23 =	simm.s32 $0x0;
	s9 =	sand.u32 $0x1C00, s18;
	[sflag:s5] =	ssyncadd.s32 $0xFFFFC000  }
0x11c: {  	s8 =	sand.u32 $0x2000, s23;
	s10 =	simm.s32 $0x0;
	_ =	swait.ge [sflag:s26], $0x4000  }
0x11d: {  	s8 =	sor.u32 s9, s8;
	s29 =	sand.u32 $0x380, s10;
	[sflag:s26] =	ssyncset.done $0x0  }
0x11e: {  	s8 =	sor.u32 s29, s8;
	[sflag:s26] =	ssyncadd.s32 $0xFFFFC000  }
0x11f: {  	v0 =	vld [tilespmem:s8+$0x10070]  }
0x120: {  	v1 =	vld [tilespmem:s8+$0x10000]  }
0x121: {  	v2 =	vld [tilespmem:s8+$0x4070]  }
0x122: {  	v4 =	vld [tilespmem:s8+$0x10010]  }
0x123: {  	v8 =	vld [tilespmem:s8+$0x10020]  }
0x124: {  	v9 =	vld [tilespmem:s8+$0x10030]  }
0x125: {  	v6 =	vld [tilespmem:s8+$0x10040];
	v0 =	vmul.f32 $2.000000090e-03, v0  }
0x126: {  	v5 =	vld [tilespmem:s8+$0x10050]  }
0x127: {  	v3 =	vld [tilespmem:s8+$0x10060];
	v2 =	vadd.f32 v0, v2  }
0x128: {  	v7 =	vld [tilespmem:s8+$0x4000];
	v4 =	vmul.f32 $2.000000090e-03, v4;
	v0 =	vmul.f32 $2.000000090e-03, v1  }
0x129: {  	s9 =	simm.s32 $0x0;
	v1 =	vmul.f32 $2.000000090e-03, v8;
	v8 =	vld [tilespmem:s8+$0x4010];
	[tilespmem:s8+$0xC070] =	vst v2;
	v2 =	vmul.f32 $2.000000090e-03, v9  }
.LBB2_8:
0x12a: {  	s9 =	sadd.s32 $0x8, s9;
	v9 =	vld [tilespmem:s8+$0x4020];
	v6 =	vmul.f32 $2.000000090e-03, v6  }
0x12b: {  	s18 =	sadd.s32 $0x400, s18;
	s10 =	sshll.u32 s9, $0x4;
	p0 =	slt.u32 s9, $0x3F8;
	v10 =	vld [tilespmem:s8+$0x4030];
	v5 =	vmul.f32 $2.000000090e-03, v5  }
0x12c: {  	s23 =	sand.u32 $0x1C00, s18;
	s29 =	sshll.u32 s9, $0x1;
	s10 =	sand.u32 $0x2000, s10;
	v11 =	vld [tilespmem:s8+$0x4040];
	v3 =	vmul.f32 $2.000000090e-03, v3  }
0x12d: {  	s10 =	sor.u32 s23, s10;
	s23 =	sand.u32 $0x380, s29;
	v0 =	vadd.f32 v0, v7;
	v7 =	vld [tilespmem:s8+$0x4050]  }
0x12e: {  	s10 =	sor.u32 s23, s10;
	v4 =	vadd.f32 v4, v8;
	v8 =	vld [tilespmem:s8+$0x4060]  }
0x12f: {  	v12 =	vld [tilespmem:s10+$0x10070];
	[tilespmem:s8+$0xC000] =	vst v0;
	v0 =	vadd.f32 v1, v9  }
0x130: {  	v1 =	vld [tilespmem:s10+$0x10000];
	[tilespmem:s8+$0xC010] =	vst v4;
	v2 =	vadd.f32 v2, v10  }
0x131: {  	v4 =	vld [tilespmem:s10+$0x4070];
	[tilespmem:s8+$0xC020] =	vst v0;
	v0 =	vadd.f32 v6, v11  }
0x132: {  	v9 =	vld [tilespmem:s10+$0x10010];
	[tilespmem:s8+$0xC030] =	vst v2;
	v2 =	vadd.f32 v5, v7  }
0x133: {  	v10 =	vld [tilespmem:s10+$0x10020];
	[tilespmem:s8+$0xC040] =	vst v0;
	v3 =	vadd.f32 v3, v8  }
0x134: {  	v11 =	vld [tilespmem:s10+$0x10030];
	v7 =	vmul.f32 $2.000000090e-03, v12;
	[tilespmem:s8+$0xC050] =	vst v2  }
.Ltmp3:
0x135: {  	v0 =	vmul.f32 $2.000000090e-03, v1;
	v6 =	vld [tilespmem:s10+$0x10040];
	[tilespmem:s8+$0xC060] =	vst v3;
	s8 =	smov.u32 s10;
	(pc) =	sbr.rel @p0 .LBB2_8-.Ltmp3, $4  }
0x136: {  	v5 =	vld [tilespmem:s8+$0x10050];
	v2 =	vadd.f32 v7, v4  }
0x137: {  	v4 =	vmul.f32 $2.000000090e-03, v9;
	v3 =	vld [tilespmem:s8+$0x10060]  }
0x138: {  	v7 =	vld [tilespmem:s8+$0x4000];
	v1 =	vmul.f32 $2.000000090e-03, v10;
	[tilespmem:s8+$0xC070] =	vst v2  }
0x139: {  	v8 =	vld [tilespmem:s8+$0x4010];
	v2 =	vmul.f32 $2.000000090e-03, v11  }
0x13a: {  	v9 =	vld [tilespmem:s8+$0x4020]  }
0x13b: {  	v10 =	vld [tilespmem:s8+$0x4030]  }
0x13c: {  	v11 =	vld [tilespmem:s8+$0x4040]  }
0x13d: {  	v0 =	vadd.f32 v0, v7;
	v7 =	vld [tilespmem:s8+$0x4050]  }
0x13e: {  	v4 =	vadd.f32 v4, v8;
	v8 =	vld [tilespmem:s8+$0x4060]  }
0x13f: {  	v6 =	vmul.f32 $2.000000090e-03, v6;
	[tilespmem:s8+$0xC000] =	vst v0;
	v0 =	vadd.f32 v1, v9  }
0x140: {  	v1 =	vmul.f32 $2.000000090e-03, v5;
	v2 =	vadd.f32 v2, v10;
	[tilespmem:s8+$0xC010] =	vst v4  }
0x141: {  	v3 =	vmul.f32 $2.000000090e-03, v3;
	[tilespmem:s8+$0xC020] =	vst v0;
	v0 =	vadd.f32 v6, v11  }
0x142: {  	[tilespmem:s8+$0xC030] =	vst v2;
	v1 =	vadd.f32 v1, v7  }
0x143: {  	[tilespmem:s8+$0xC040] =	vst v0;
	v0 =	vadd.f32 v3, v8  }
0x144: {  	[tilespmem:s8+$0xC050] =	vst v1  }
0x145: {  	[tilespmem:s8+$0xC060] =	vst v0  }
0x146: {  	s8 =	simm.s32 $0x0;
	s9 =	rddreg [dreg:$0xa]  }
0x147: {  	[hbm4b:s9+s8] =	stream.linear.scatter [tilespmem:s22], [sflag:$0x4], $0x4000, $0x38;
	[tilespmem:$0x18000] =	vst v63  }
0x148: {  	s23 =	simm.s32 $0x10000  }
0x149: {  	[tilespmem:s23], [sflag:$0x5] =	stream.strided.gather [hbm4b:s11+s16], $0x400, s17, s16, $0x38;
	[tilespmem:$0x18000] =	vst v63  }
0x14a: {  	s29 =	sadd.s32 $0x10, s11;
	s10 =	simm.s32 $0x10400  }
0x14b: {  	[tilespmem:s10], [sflag:$0x5] =	stream.strided.gather [hbm4b:s29+s16], $0x400, s17, s16, $0x38;
	[tilespmem:$0x18000] =	vst v63  }
0x14c: {  	s18 =	simm.s32 $0x10800;
	s10 =	sadd.s32 $0x20, s11  }
0x14d: {  	[tilespmem:s18], [sflag:$0x5] =	stream.strided.gather [hbm4b:s10+s16], $0x400, s17, s16, $0x38;
	[tilespmem:$0x18000] =	vst v63  }
0x14e: {  	s23 =	sadd.s32 $0x30, s11;
	s29 =	simm.s32 $0x10C00  }
0x14f: {  	[tilespmem:s29], [sflag:$0x5] =	stream.strided.gather [hbm4b:s23+s16], $0x400, s17, s16, $0x38;
	[tilespmem:$0x18000] =	vst v63  }
0x150: {  	s10 =	sadd.s32 $0x40, s11;
	s18 =	simm.s32 $0x11000  }
0x151: {  	[tilespmem:s18], [sflag:$0x5] =	stream.strided.gather [hbm4b:s10+s16], $0x400, s17, s16, $0x38;
	[tilespmem:$0x18000] =	vst v63  }
0x152: {  	s23 =	sadd.s32 $0x50, s11;
	s29 =	simm.s32 $0x11400  }
0x153: {  	[tilespmem:s29], [sflag:$0x5] =	stream.strided.gather [hbm4b:s23+s16], $0x400, s17, s16, $0x38;
	[tilespmem:$0x18000] =	vst v63  }
0x154: {  	s10 =	sadd.s32 $0x60, s11;
	s18 =	simm.s32 $0x11800  }
0x155: {  	[tilespmem:s18], [sflag:$0x5] =	stream.strided.gather [hbm4b:s10+s16], $0x400, s17, s16, $0x38;
	[tilespmem:$0x18000] =	vst v63  }
0x156: {  	s23 =	sadd.s32 $0x70, s11;
	s29 =	simm.s32 $0x11C00  }
0x157: {  	[tilespmem:s29], [sflag:$0x5] =	stream.strided.gather [hbm4b:s23+s16], $0x400, s17, s16, $0x38;
	[tilespmem:$0x18000] =	vst v63  }
0x158: {  	s10 =	sadd.s32 $0x400, s11;
	s18 =	simm.s32 $0x12000  }
0x159: {  	[tilespmem:s18], [sflag:$0x5] =	stream.strided.gather [hbm4b:s10+s16], $0x400, s17, s16, $0x38;
	[tilespmem:$0x18000] =	vst v63  }
0x15a: {  	s23 =	sadd.s32 $0x410, s11;
	s29 =	simm.s32 $0x12400  }
0x15b: {  	[tilespmem:s29], [sflag:$0x5] =	stream.strided.gather [hbm4b:s23+s16], $0x400, s17, s16, $0x38;
	[tilespmem:$0x18000] =	vst v63  }
0x15c: {  	s10 =	sadd.s32 $0x420, s11;
	s18 =	simm.s32 $0x12800  }
0x15d: {  	[tilespmem:s18], [sflag:$0x5] =	stream.strided.gather [hbm4b:s10+s16], $0x400, s17, s16, $0x38;
	[tilespmem:$0x18000] =	vst v63  }
0x15e: {  	s23 =	sadd.s32 $0x430, s11;
	s29 =	simm.s32 $0x12C00  }
0x15f: {  	[tilespmem:s29], [sflag:$0x5] =	stream.strided.gather [hbm4b:s23+s16], $0x400, s17, s16, $0x38;
	[tilespmem:$0x18000] =	vst v63  }
0x160: {  	s10 =	sadd.s32 $0x440, s11;
	s18 =	simm.s32 $0x13000  }
0x161: {  	[tilespmem:s18], [sflag:$0x5] =	stream.strided.gather [hbm4b:s10+s16], $0x400, s17, s16, $0x38;
	[tilespmem:$0x18000] =	vst v63  }
0x162: {  	s23 =	sadd.s32 $0x450, s11;
	s29 =	simm.s32 $0x13400  }
0x163: {  	[tilespmem:s29], [sflag:$0x5] =	stream.strided.gather [hbm4b:s23+s16], $0x400, s17, s16, $0x38;
	[tilespmem:$0x18000] =	vst v63  }
0x164: {  	s10 =	sadd.s32 $0x460, s11;
	s18 =	simm.s32 $0x13800  }
0x165: {  	[tilespmem:s18], [sflag:$0x5] =	stream.strided.gather [hbm4b:s10+s16], $0x400, s17, s16, $0x38;
	[tilespmem:$0x18000] =	vst v63  }
0x166: {  	s23 =	sadd.s32 $0x470, s11;
	s29 =	simm.s32 $0x13C00  }
0x167: {  	[tilespmem:s29], [sflag:$0x5] =	stream.strided.gather [hbm4b:s23+s16], $0x400, s17, s16, $0x38;
	[tilespmem:$0x18000] =	vst v63  }
0x168: {  	s10 =	rddreg [dreg:$0xb]  }
0x169: {  	[tilespmem:s0], [sflag:$0x2] =	stream.linear.gather [hbm4b:s10+s8], $0x4000, $0x38;
	[tilespmem:$0x18000] =	vst v63  }
0x16a: {  	_ =	swait.ge [sflag:s7], $0x4000  }
0x16b: {  	[sflag:s7] =	ssyncset.done $0x0  }
0x16c: {  	[sflag:s7] =	ssyncadd.s32 $0xFFFFC000  }
0x16d: {  	_ =	swait.ge [sflag:s4], $0x4000  }
0x16e: {  	s18 =	simm.s32 $0x0;
	[sflag:s4] =	ssyncset.done $0x0  }
0x16f: {  	s9 =	sand.u32 $0x2000, s18;
	[sflag:s4] =	ssyncadd.s32 $0xFFFFC000  }
0x170: {  	s18 =	simm.s32 $0x0;
	s23 =	sand.u32 $0x1C00, s8;
	_ =	swait.ge [sflag:s6], $0x4000  }
0x171: {  	s29 =	sand.u32 $0x380, s18;
	s9 =	sor.u32 s23, s9;
	[sflag:s6] =	ssyncset.done $0x0  }
0x172: {  	s18 =	sor.u32 s29, s9;
	[sflag:s6] =	ssyncadd.s32 $0xFFFFC000  }
0x173: {  	v0 =	vld [tilespmem:s18+$0x14070]  }
0x174: {  	v1 =	vld [tilespmem:s18+$0x14000]  }
0x175: {  	v2 =	vld [tilespmem:s18+$0x70]  }
0x176: {  	v4 =	vld [tilespmem:s18+$0x14010]  }
0x177: {  	v8 =	vld [tilespmem:s18+$0x14020]  }
0x178: {  	v9 =	vld [tilespmem:s18+$0x14030]  }
0x179: {  	v6 =	vld [tilespmem:s18+$0x14040];
	v0 =	vmul.f32 $2.000000090e-03, v0  }
0x17a: {  	v5 =	vld [tilespmem:s18+$0x14050]  }
0x17b: {  	v3 =	vld [tilespmem:s18+$0x14060];
	v2 =	vadd.f32 v0, v2  }
0x17c: {  	v7 =	vld [tilespmem:s18+$0x0];
	v4 =	vmul.f32 $2.000000090e-03, v4;
	v0 =	vmul.f32 $2.000000090e-03, v1  }
0x17d: {  	s9 =	simm.s32 $0x0;
	v1 =	vmul.f32 $2.000000090e-03, v8;
	v8 =	vld [tilespmem:s18+$0x10];
	[tilespmem:s18+$0x8070] =	vst v2;
	v2 =	vmul.f32 $2.000000090e-03, v9  }
.LBB2_10:
0x17e: {  	s9 =	sadd.s32 $0x8, s9;
	v9 =	vld [tilespmem:s18+$0x20];
	v6 =	vmul.f32 $2.000000090e-03, v6  }
0x17f: {  	s8 =	sadd.s32 $0x400, s8;
	s10 =	sshll.u32 s9, $0x4;
	p0 =	slt.u32 s9, $0x3F8;
	v10 =	vld [tilespmem:s18+$0x30];
	v5 =	vmul.f32 $2.000000090e-03, v5  }
0x180: {  	s23 =	sand.u32 $0x1C00, s8;
	s29 =	sshll.u32 s9, $0x1;
	s10 =	sand.u32 $0x2000, s10;
	v11 =	vld [tilespmem:s18+$0x40];
	v3 =	vmul.f32 $2.000000090e-03, v3  }
0x181: {  	s10 =	sor.u32 s23, s10;
	s23 =	sand.u32 $0x380, s29;
	v0 =	vadd.f32 v0, v7;
	v7 =	vld [tilespmem:s18+$0x50]  }
0x182: {  	s10 =	sor.u32 s23, s10;
	v4 =	vadd.f32 v4, v8;
	v8 =	vld [tilespmem:s18+$0x60]  }
0x183: {  	v12 =	vld [tilespmem:s10+$0x14070];
	[tilespmem:s18+$0x8000] =	vst v0;
	v0 =	vadd.f32 v1, v9  }
0x184: {  	v1 =	vld [tilespmem:s10+$0x14000];
	[tilespmem:s18+$0x8010] =	vst v4;
	v2 =	vadd.f32 v2, v10  }
0x185: {  	v4 =	vld [tilespmem:s10+$0x70];
	[tilespmem:s18+$0x8020] =	vst v0;
	v0 =	vadd.f32 v6, v11  }
0x186: {  	v9 =	vld [tilespmem:s10+$0x14010];
	[tilespmem:s18+$0x8030] =	vst v2;
	v2 =	vadd.f32 v5, v7  }
0x187: {  	v10 =	vld [tilespmem:s10+$0x14020];
	[tilespmem:s18+$0x8040] =	vst v0;
	v3 =	vadd.f32 v3, v8  }
0x188: {  	v11 =	vld [tilespmem:s10+$0x14030];
	v7 =	vmul.f32 $2.000000090e-03, v12;
	[tilespmem:s18+$0x8050] =	vst v2  }
.Ltmp4:
0x189: {  	v0 =	vmul.f32 $2.000000090e-03, v1;
	v6 =	vld [tilespmem:s10+$0x14040];
	[tilespmem:s18+$0x8060] =	vst v3;
	s18 =	smov.u32 s10;
	(pc) =	sbr.rel @p0 .LBB2_10-.Ltmp4, $4  }
0x18a: {  	v5 =	vld [tilespmem:s18+$0x14050];
	v2 =	vadd.f32 v7, v4  }
0x18b: {  	v4 =	vmul.f32 $2.000000090e-03, v9;
	v3 =	vld [tilespmem:s18+$0x14060]  }
0x18c: {  	v7 =	vld [tilespmem:s18+$0x0];
	v1 =	vmul.f32 $2.000000090e-03, v10;
	[tilespmem:s18+$0x8070] =	vst v2  }
0x18d: {  	v8 =	vld [tilespmem:s18+$0x10];
	v2 =	vmul.f32 $2.000000090e-03, v11  }
0x18e: {  	v9 =	vld [tilespmem:s18+$0x20]  }
0x18f: {  	v10 =	vld [tilespmem:s18+$0x30]  }
0x190: {  	v11 =	vld [tilespmem:s18+$0x40]  }
0x191: {  	v0 =	vadd.f32 v0, v7;
	v7 =	vld [tilespmem:s18+$0x50]  }
0x192: {  	v4 =	vadd.f32 v4, v8;
	v8 =	vld [tilespmem:s18+$0x60]  }
0x193: {  	v6 =	vmul.f32 $2.000000090e-03, v6;
	[tilespmem:s18+$0x8000] =	vst v0;
	v0 =	vadd.f32 v1, v9  }
0x194: {  	v1 =	vmul.f32 $2.000000090e-03, v5;
	v2 =	vadd.f32 v2, v10;
	[tilespmem:s18+$0x8010] =	vst v4  }
0x195: {  	v3 =	vmul.f32 $2.000000090e-03, v3;
	[tilespmem:s18+$0x8020] =	vst v0;
	v0 =	vadd.f32 v6, v11  }
0x196: {  	[tilespmem:s18+$0x8030] =	vst v2;
	v1 =	vadd.f32 v1, v7  }
0x197: {  	[tilespmem:s18+$0x8040] =	vst v0;
	v0 =	vadd.f32 v3, v8  }
0x198: {  	[tilespmem:s18+$0x8050] =	vst v1  }
0x199: {  	[tilespmem:s18+$0x8060] =	vst v0  }
0x19a: {  	s18 =	simm.s32 $0x0;
	s8 =	rddreg [dreg:$0xc]  }
0x19b: {  	[hbm4b:s8+s18] =	stream.linear.scatter [tilespmem:s25], [sflag:$0x3], $0x4000, $0x38;
	[tilespmem:$0x18000] =	vst v63  }
0x19c: {  	s10 =	rddreg [dreg:$0xd]  }
0x19d: {  	[tilespmem:s18], [sflag:$0x1] =	stream.linear.gather [hbm4b:s10+s18], $0x4000, $0x38;
	[tilespmem:$0x18000] =	vst v63  }
0x19e: {  	_ =	swait.ge [sflag:s5], $0x4000  }
0x19f: {  	[sflag:s5] =	ssyncset.done $0x0  }
0x1a0: {  	s23 =	simm.s32 $0x0;
	s9 =	sand.u32 $0x1C00, s18;
	[sflag:s5] =	ssyncadd.s32 $0xFFFFC000  }
0x1a1: {  	s8 =	sand.u32 $0x2000, s23;
	s10 =	simm.s32 $0x0;
	_ =	swait.ge [sflag:s26], $0x4000  }
0x1a2: {  	s8 =	sor.u32 s9, s8;
	s29 =	sand.u32 $0x380, s10;
	[sflag:s26] =	ssyncset.done $0x0  }
0x1a3: {  	s8 =	sor.u32 s29, s8;
	[sflag:s26] =	ssyncadd.s32 $0xFFFFC000  }
0x1a4: {  	v0 =	vld [tilespmem:s8+$0x14070]  }
0x1a5: {  	v1 =	vld [tilespmem:s8+$0x14000]  }
0x1a6: {  	v2 =	vld [tilespmem:s8+$0x4070]  }
0x1a7: {  	v4 =	vld [tilespmem:s8+$0x14010]  }
0x1a8: {  	v8 =	vld [tilespmem:s8+$0x14020]  }
0x1a9: {  	v9 =	vld [tilespmem:s8+$0x14030]  }
0x1aa: {  	v6 =	vld [tilespmem:s8+$0x14040];
	v0 =	vmul.f32 $2.000000090e-03, v0  }
0x1ab: {  	v5 =	vld [tilespmem:s8+$0x14050]  }
0x1ac: {  	v3 =	vld [tilespmem:s8+$0x14060];
	v2 =	vadd.f32 v0, v2  }
0x1ad: {  	v7 =	vld [tilespmem:s8+$0x4000];
	v4 =	vmul.f32 $2.000000090e-03, v4;
	v0 =	vmul.f32 $2.000000090e-03, v1  }
0x1ae: {  	s9 =	simm.s32 $0x0;
	v1 =	vmul.f32 $2.000000090e-03, v8;
	v8 =	vld [tilespmem:s8+$0x4010];
	[tilespmem:s8+$0xC070] =	vst v2;
	v2 =	vmul.f32 $2.000000090e-03, v9  }
.LBB2_12:
0x1af: {  	s9 =	sadd.s32 $0x8, s9;
	v9 =	vld [tilespmem:s8+$0x4020];
	v6 =	vmul.f32 $2.000000090e-03, v6  }
0x1b0: {  	s18 =	sadd.s32 $0x400, s18;
	s10 =	sshll.u32 s9, $0x4;
	p0 =	slt.u32 s9, $0x3F8;
	v10 =	vld [tilespmem:s8+$0x4030];
	v5 =	vmul.f32 $2.000000090e-03, v5  }
0x1b1: {  	s23 =	sand.u32 $0x1C00, s18;
	s29 =	sshll.u32 s9, $0x1;
	s10 =	sand.u32 $0x2000, s10;
	v11 =	vld [tilespmem:s8+$0x4040];
	v3 =	vmul.f32 $2.000000090e-03, v3  }
0x1b2: {  	s10 =	sor.u32 s23, s10;
	s23 =	sand.u32 $0x380, s29;
	v0 =	vadd.f32 v0, v7;
	v7 =	vld [tilespmem:s8+$0x4050]  }
0x1b3: {  	s10 =	sor.u32 s23, s10;
	v4 =	vadd.f32 v4, v8;
	v8 =	vld [tilespmem:s8+$0x4060]  }
0x1b4: {  	v12 =	vld [tilespmem:s10+$0x14070];
	[tilespmem:s8+$0xC000] =	vst v0;
	v0 =	vadd.f32 v1, v9  }
0x1b5: {  	v1 =	vld [tilespmem:s10+$0x14000];
	[tilespmem:s8+$0xC010] =	vst v4;
	v2 =	vadd.f32 v2, v10  }
0x1b6: {  	v4 =	vld [tilespmem:s10+$0x4070];
	[tilespmem:s8+$0xC020] =	vst v0;
	v0 =	vadd.f32 v6, v11  }
0x1b7: {  	v9 =	vld [tilespmem:s10+$0x14010];
	[tilespmem:s8+$0xC030] =	vst v2;
	v2 =	vadd.f32 v5, v7  }
0x1b8: {  	v10 =	vld [tilespmem:s10+$0x14020];
	[tilespmem:s8+$0xC040] =	vst v0;
	v3 =	vadd.f32 v3, v8  }
0x1b9: {  	v11 =	vld [tilespmem:s10+$0x14030];
	v7 =	vmul.f32 $2.000000090e-03, v12;
	[tilespmem:s8+$0xC050] =	vst v2  }
.Ltmp5:
0x1ba: {  	v0 =	vmul.f32 $2.000000090e-03, v1;
	v6 =	vld [tilespmem:s10+$0x14040];
	[tilespmem:s8+$0xC060] =	vst v3;
	s8 =	smov.u32 s10;
	(pc) =	sbr.rel @p0 .LBB2_12-.Ltmp5, $4  }
0x1bb: {  	v5 =	vld [tilespmem:s8+$0x14050];
	v2 =	vadd.f32 v7, v4  }
0x1bc: {  	v4 =	vmul.f32 $2.000000090e-03, v9;
	v3 =	vld [tilespmem:s8+$0x14060]  }
0x1bd: {  	v7 =	vld [tilespmem:s8+$0x4000];
	v1 =	vmul.f32 $2.000000090e-03, v10;
	[tilespmem:s8+$0xC070] =	vst v2  }
0x1be: {  	v8 =	vld [tilespmem:s8+$0x4010];
	v2 =	vmul.f32 $2.000000090e-03, v11  }
0x1bf: {  	v9 =	vld [tilespmem:s8+$0x4020]  }
0x1c0: {  	v10 =	vld [tilespmem:s8+$0x4030]  }
0x1c1: {  	v11 =	vld [tilespmem:s8+$0x4040]  }
0x1c2: {  	v0 =	vadd.f32 v0, v7;
	v7 =	vld [tilespmem:s8+$0x4050]  }
0x1c3: {  	v4 =	vadd.f32 v4, v8;
	v8 =	vld [tilespmem:s8+$0x4060]  }
0x1c4: {  	v6 =	vmul.f32 $2.000000090e-03, v6;
	[tilespmem:s8+$0xC000] =	vst v0;
	v0 =	vadd.f32 v1, v9  }
0x1c5: {  	v1 =	vmul.f32 $2.000000090e-03, v5;
	v2 =	vadd.f32 v2, v10;
	[tilespmem:s8+$0xC010] =	vst v4  }
0x1c6: {  	v3 =	vmul.f32 $2.000000090e-03, v3;
	[tilespmem:s8+$0xC020] =	vst v0;
	v0 =	vadd.f32 v6, v11  }
0x1c7: {  	[tilespmem:s8+$0xC030] =	vst v2;
	v1 =	vadd.f32 v1, v7  }
0x1c8: {  	[tilespmem:s8+$0xC040] =	vst v0;
	v0 =	vadd.f32 v3, v8  }
0x1c9: {  	[tilespmem:s8+$0xC050] =	vst v1  }
0x1ca: {  	[tilespmem:s8+$0xC060] =	vst v0  }
0x1cb: {  	s18 =	simm.s32 $0x0;
	s8 =	rddreg [dreg:$0xe]  }
0x1cc: {  	[hbm4b:s8+s18] =	stream.linear.scatter [tilespmem:s22], [sflag:$0x4], $0x4000, $0x38;
	[tilespmem:$0x18000] =	vst v63  }
0x1cd: {  	s10 =	rddreg [dreg:$0xf]  }
0x1ce: {  	[tilespmem:s0], [sflag:$0x2] =	stream.linear.gather [hbm4b:s10+s18], $0x4000, $0x38;
	[tilespmem:$0x18000] =	vst v63  }
0x1cf: {  	_ =	swait.ge [sflag:s4], $0x4000  }
0x1d0: {  	[sflag:s4] =	ssyncset.done $0x0  }
0x1d1: {  	s23 =	simm.s32 $0x0;
	s9 =	sand.u32 $0x1C00, s18;
	[sflag:s4] =	ssyncadd.s32 $0xFFFFC000  }
0x1d2: {  	s8 =	sand.u32 $0x2000, s23;
	s10 =	simm.s32 $0x0;
	_ =	swait.ge [sflag:s6], $0x4000  }
0x1d3: {  	s8 =	sor.u32 s9, s8;
	s29 =	sand.u32 $0x380, s10;
	[sflag:s6] =	ssyncset.done $0x0  }
0x1d4: {  	s8 =	sor.u32 s29, s8;
	[sflag:s6] =	ssyncadd.s32 $0xFFFFC000  }
0x1d5: {  	v0 =	vld [tilespmem:s8+$0x14070]  }
0x1d6: {  	v1 =	vld [tilespmem:s8+$0x14000]  }
0x1d7: {  	v2 =	vld [tilespmem:s8+$0x70]  }
0x1d8: {  	v4 =	vld [tilespmem:s8+$0x14010]  }
0x1d9: {  	v8 =	vld [tilespmem:s8+$0x14020]  }
0x1da: {  	v9 =	vld [tilespmem:s8+$0x14030]  }
0x1db: {  	v6 =	vld [tilespmem:s8+$0x14040];
	v0 =	vmul.f32 $2.000000090e-03, v0  }
0x1dc: {  	v5 =	vld [tilespmem:s8+$0x14050]  }
0x1dd: {  	v3 =	vld [tilespmem:s8+$0x14060];
	v2 =	vadd.f32 v0, v2  }
0x1de: {  	v7 =	vld [tilespmem:s8+$0x0];
	v4 =	vmul.f32 $2.000000090e-03, v4;
	v0 =	vmul.f32 $2.000000090e-03, v1  }
0x1df: {  	s9 =	simm.s32 $0x0;
	v1 =	vmul.f32 $2.000000090e-03, v8;
	v8 =	vld [tilespmem:s8+$0x10];
	[tilespmem:s8+$0x8070] =	vst v2;
	v2 =	vmul.f32 $2.000000090e-03, v9  }
.LBB2_14:
0x1e0: {  	s9 =	sadd.s32 $0x8, s9;
	v9 =	vld [tilespmem:s8+$0x20];
	v6 =	vmul.f32 $2.000000090e-03, v6  }
0x1e1: {  	s18 =	sadd.s32 $0x400, s18;
	s10 =	sshll.u32 s9, $0x4;
	p0 =	slt.u32 s9, $0x3F8;
	v10 =	vld [tilespmem:s8+$0x30];
	v5 =	vmul.f32 $2.000000090e-03, v5  }
0x1e2: {  	s23 =	sand.u32 $0x1C00, s18;
	s29 =	sshll.u32 s9, $0x1;
	s10 =	sand.u32 $0x2000, s10;
	v11 =	vld [tilespmem:s8+$0x40];
	v3 =	vmul.f32 $2.000000090e-03, v3  }
0x1e3: {  	s10 =	sor.u32 s23, s10;
	s23 =	sand.u32 $0x380, s29;
	v0 =	vadd.f32 v0, v7;
	v7 =	vld [tilespmem:s8+$0x50]  }
0x1e4: {  	s10 =	sor.u32 s23, s10;
	v4 =	vadd.f32 v4, v8;
	v8 =	vld [tilespmem:s8+$0x60]  }
0x1e5: {  	v12 =	vld [tilespmem:s10+$0x14070];
	[tilespmem:s8+$0x8000] =	vst v0;
	v0 =	vadd.f32 v1, v9  }
0x1e6: {  	v1 =	vld [tilespmem:s10+$0x14000];
	[tilespmem:s8+$0x8010] =	vst v4;
	v2 =	vadd.f32 v2, v10  }
0x1e7: {  	v4 =	vld [tilespmem:s10+$0x70];
	[tilespmem:s8+$0x8020] =	vst v0;
	v0 =	vadd.f32 v6, v11  }
0x1e8: {  	v9 =	vld [tilespmem:s10+$0x14010];
	[tilespmem:s8+$0x8030] =	vst v2;
	v2 =	vadd.f32 v5, v7  }
0x1e9: {  	v10 =	vld [tilespmem:s10+$0x14020];
	[tilespmem:s8+$0x8040] =	vst v0;
	v3 =	vadd.f32 v3, v8  }
0x1ea: {  	v11 =	vld [tilespmem:s10+$0x14030];
	v7 =	vmul.f32 $2.000000090e-03, v12;
	[tilespmem:s8+$0x8050] =	vst v2  }
.Ltmp6:
0x1eb: {  	v0 =	vmul.f32 $2.000000090e-03, v1;
	v6 =	vld [tilespmem:s10+$0x14040];
	[tilespmem:s8+$0x8060] =	vst v3;
	s8 =	smov.u32 s10;
	(pc) =	sbr.rel @p0 .LBB2_14-.Ltmp6, $4  }
0x1ec: {  	v5 =	vld [tilespmem:s8+$0x14050];
	v2 =	vadd.f32 v7, v4  }
0x1ed: {  	v4 =	vmul.f32 $2.000000090e-03, v9;
	v3 =	vld [tilespmem:s8+$0x14060]  }
0x1ee: {  	v7 =	vld [tilespmem:s8+$0x0];
	v1 =	vmul.f32 $2.000000090e-03, v10;
	[tilespmem:s8+$0x8070] =	vst v2  }
0x1ef: {  	v8 =	vld [tilespmem:s8+$0x10];
	v2 =	vmul.f32 $2.000000090e-03, v11  }
0x1f0: {  	v9 =	vld [tilespmem:s8+$0x20]  }
0x1f1: {  	v10 =	vld [tilespmem:s8+$0x30]  }
0x1f2: {  	v11 =	vld [tilespmem:s8+$0x40]  }
0x1f3: {  	v0 =	vadd.f32 v0, v7;
	v7 =	vld [tilespmem:s8+$0x50]  }
0x1f4: {  	v4 =	vadd.f32 v4, v8;
	v8 =	vld [tilespmem:s8+$0x60]  }
0x1f5: {  	v6 =	vmul.f32 $2.000000090e-03, v6;
	[tilespmem:s8+$0x8000] =	vst v0;
	v0 =	vadd.f32 v1, v9  }
0x1f6: {  	v1 =	vmul.f32 $2.000000090e-03, v5;
	v2 =	vadd.f32 v2, v10;
	[tilespmem:s8+$0x8010] =	vst v4  }
0x1f7: {  	v3 =	vmul.f32 $2.000000090e-03, v3;
	[tilespmem:s8+$0x8020] =	vst v0;
	v0 =	vadd.f32 v6, v11  }
0x1f8: {  	[tilespmem:s8+$0x8030] =	vst v2;
	v1 =	vadd.f32 v1, v7  }
0x1f9: {  	[tilespmem:s8+$0x8040] =	vst v0;
	v0 =	vadd.f32 v3, v8  }
0x1fa: {  	[tilespmem:s8+$0x8050] =	vst v1  }
0x1fb: {  	[tilespmem:s8+$0x8060] =	vst v0  }
0x1fc: {  	s18 =	simm.s32 $0x0;
	s8 =	rddreg [dreg:$0x10]  }
0x1fd: {  	[hbm4b:s8+s18] =	stream.linear.scatter [tilespmem:s25], [sflag:$0x3], $0x4000, $0x38;
	[tilespmem:$0x18000] =	vst v63  }
0x1fe: {  	s10 =	rddreg [dreg:$0x12]  }
0x1ff: {  	[tilespmem:s18], [sflag:$0x1] =	stream.linear.gather [hbm4b:s10+s18], $0x4000, $0x38;
	[tilespmem:$0x18000] =	vst v63  }
0x200: {  	_ =	swait.ge [sflag:s5], $0x4000  }
0x201: {  	[sflag:s5] =	ssyncset.done $0x0  }
0x202: {  	s23 =	simm.s32 $0x0;
	s9 =	sand.u32 $0x1C00, s18;
	[sflag:s5] =	ssyncadd.s32 $0xFFFFC000  }
0x203: {  	s8 =	sand.u32 $0x2000, s23;
	s10 =	simm.s32 $0x0;
	_ =	swait.ge [sflag:s26], $0x4000  }
0x204: {  	s8 =	sor.u32 s9, s8;
	s29 =	sand.u32 $0x380, s10;
	[sflag:s26] =	ssyncset.done $0x0  }
0x205: {  	s8 =	sor.u32 s29, s8;
	[sflag:s26] =	ssyncadd.s32 $0xFFFFC000  }
0x206: {  	v0 =	vld [tilespmem:s8+$0x14070]  }
0x207: {  	v1 =	vld [tilespmem:s8+$0x14000]  }
0x208: {  	v2 =	vld [tilespmem:s8+$0x4070]  }
0x209: {  	v4 =	vld [tilespmem:s8+$0x14010]  }
0x20a: {  	v8 =	vld [tilespmem:s8+$0x14020]  }
0x20b: {  	v9 =	vld [tilespmem:s8+$0x14030]  }
0x20c: {  	v6 =	vld [tilespmem:s8+$0x14040];
	v0 =	vmul.f32 $2.000000090e-03, v0  }
0x20d: {  	v5 =	vld [tilespmem:s8+$0x14050]  }
0x20e: {  	v3 =	vld [tilespmem:s8+$0x14060];
	v2 =	vadd.f32 v0, v2  }
0x20f: {  	v7 =	vld [tilespmem:s8+$0x4000];
	v4 =	vmul.f32 $2.000000090e-03, v4;
	v0 =	vmul.f32 $2.000000090e-03, v1  }
0x210: {  	s9 =	simm.s32 $0x0;
	v1 =	vmul.f32 $2.000000090e-03, v8;
	v8 =	vld [tilespmem:s8+$0x4010];
	[tilespmem:s8+$0xC070] =	vst v2;
	v2 =	vmul.f32 $2.000000090e-03, v9  }
.LBB2_16:
0x211: {  	s9 =	sadd.s32 $0x8, s9;
	v9 =	vld [tilespmem:s8+$0x4020];
	v6 =	vmul.f32 $2.000000090e-03, v6  }
0x212: {  	s18 =	sadd.s32 $0x400, s18;
	s10 =	sshll.u32 s9, $0x4;
	p0 =	slt.u32 s9, $0x3F8;
	v10 =	vld [tilespmem:s8+$0x4030];
	v5 =	vmul.f32 $2.000000090e-03, v5  }
0x213: {  	s23 =	sand.u32 $0x1C00, s18;
	s29 =	sshll.u32 s9, $0x1;
	s10 =	sand.u32 $0x2000, s10;
	v11 =	vld [tilespmem:s8+$0x4040];
	v3 =	vmul.f32 $2.000000090e-03, v3  }
0x214: {  	s10 =	sor.u32 s23, s10;
	s23 =	sand.u32 $0x380, s29;
	v0 =	vadd.f32 v0, v7;
	v7 =	vld [tilespmem:s8+$0x4050]  }
0x215: {  	s10 =	sor.u32 s23, s10;
	v4 =	vadd.f32 v4, v8;
	v8 =	vld [tilespmem:s8+$0x4060]  }
0x216: {  	v12 =	vld [tilespmem:s10+$0x14070];
	[tilespmem:s8+$0xC000] =	vst v0;
	v0 =	vadd.f32 v1, v9  }
0x217: {  	v1 =	vld [tilespmem:s10+$0x14000];
	[tilespmem:s8+$0xC010] =	vst v4;
	v2 =	vadd.f32 v2, v10  }
0x218: {  	v4 =	vld [tilespmem:s10+$0x4070];
	[tilespmem:s8+$0xC020] =	vst v0;
	v0 =	vadd.f32 v6, v11  }
0x219: {  	v9 =	vld [tilespmem:s10+$0x14010];
	[tilespmem:s8+$0xC030] =	vst v2;
	v2 =	vadd.f32 v5, v7  }
0x21a: {  	v10 =	vld [tilespmem:s10+$0x14020];
	[tilespmem:s8+$0xC040] =	vst v0;
	v3 =	vadd.f32 v3, v8  }
0x21b: {  	v11 =	vld [tilespmem:s10+$0x14030];
	v7 =	vmul.f32 $2.000000090e-03, v12;
	[tilespmem:s8+$0xC050] =	vst v2  }
.Ltmp7:
0x21c: {  	v0 =	vmul.f32 $2.000000090e-03, v1;
	v6 =	vld [tilespmem:s10+$0x14040];
	[tilespmem:s8+$0xC060] =	vst v3;
	s8 =	smov.u32 s10;
	(pc) =	sbr.rel @p0 .LBB2_16-.Ltmp7, $4  }
0x21d: {  	v5 =	vld [tilespmem:s8+$0x14050];
	v2 =	vadd.f32 v7, v4  }
0x21e: {  	v4 =	vmul.f32 $2.000000090e-03, v9;
	v3 =	vld [tilespmem:s8+$0x14060]  }
0x21f: {  	v7 =	vld [tilespmem:s8+$0x4000];
	v1 =	vmul.f32 $2.000000090e-03, v10;
	[tilespmem:s8+$0xC070] =	vst v2  }
0x220: {  	v8 =	vld [tilespmem:s8+$0x4010];
	v2 =	vmul.f32 $2.000000090e-03, v11  }
0x221: {  	v9 =	vld [tilespmem:s8+$0x4020]  }
0x222: {  	v10 =	vld [tilespmem:s8+$0x4030]  }
0x223: {  	v11 =	vld [tilespmem:s8+$0x4040]  }
0x224: {  	v0 =	vadd.f32 v0, v7;
	v7 =	vld [tilespmem:s8+$0x4050]  }
0x225: {  	v4 =	vadd.f32 v4, v8;
	v8 =	vld [tilespmem:s8+$0x4060]  }
0x226: {  	v6 =	vmul.f32 $2.000000090e-03, v6;
	[tilespmem:s8+$0xC000] =	vst v0;
	v0 =	vadd.f32 v1, v9  }
0x227: {  	v1 =	vmul.f32 $2.000000090e-03, v5;
	v2 =	vadd.f32 v2, v10;
	[tilespmem:s8+$0xC010] =	vst v4  }
0x228: {  	v3 =	vmul.f32 $2.000000090e-03, v3;
	[tilespmem:s8+$0xC020] =	vst v0;
	v0 =	vadd.f32 v6, v11  }
0x229: {  	[tilespmem:s8+$0xC030] =	vst v2;
	v1 =	vadd.f32 v1, v7  }
0x22a: {  	[tilespmem:s8+$0xC040] =	vst v0;
	v0 =	vadd.f32 v3, v8  }
0x22b: {  	[tilespmem:s8+$0xC050] =	vst v1  }
0x22c: {  	[tilespmem:s8+$0xC060] =	vst v0  }
0x22d: {  	s8 =	simm.s32 $0x0;
	s9 =	rddreg [dreg:$0x11]  }
0x22e: {  	[hbm4b:s9+s8] =	stream.linear.scatter [tilespmem:s22], [sflag:$0x4], $0x4000, $0x38;
	[tilespmem:$0x18000] =	vst v63  }
0x22f: {  	s23 =	simm.s32 $0x14000  }
0x230: {  	[tilespmem:s23], [sflag:$0x6] =	stream.strided.gather [hbm4b:s19+s16], $0x400, s17, s16, $0x38;
	[tilespmem:$0x18000] =	vst v63  }
0x231: {  	s29 =	sadd.s32 $0x10, s19;
	s10 =	simm.s32 $0x14400  }
0x232: {  	[tilespmem:s10], [sflag:$0x6] =	stream.strided.gather [hbm4b:s29+s16], $0x400, s17, s16, $0x38;
	[tilespmem:$0x18000] =	vst v63  }
0x233: {  	s18 =	simm.s32 $0x14800;
	s10 =	sadd.s32 $0x20, s19  }
0x234: {  	[tilespmem:s18], [sflag:$0x6] =	stream.strided.gather [hbm4b:s10+s16], $0x400, s17, s16, $0x38;
	[tilespmem:$0x18000] =	vst v63  }
0x235: {  	s23 =	sadd.s32 $0x30, s19;
	s29 =	simm.s32 $0x14C00  }
0x236: {  	[tilespmem:s29], [sflag:$0x6] =	stream.strided.gather [hbm4b:s23+s16], $0x400, s17, s16, $0x38;
	[tilespmem:$0x18000] =	vst v63  }
0x237: {  	s10 =	sadd.s32 $0x40, s19;
	s18 =	simm.s32 $0x15000  }
0x238: {  	[tilespmem:s18], [sflag:$0x6] =	stream.strided.gather [hbm4b:s10+s16], $0x400, s17, s16, $0x38;
	[tilespmem:$0x18000] =	vst v63  }
0x239: {  	s23 =	sadd.s32 $0x50, s19;
	s29 =	simm.s32 $0x15400  }
0x23a: {  	[tilespmem:s29], [sflag:$0x6] =	stream.strided.gather [hbm4b:s23+s16], $0x400, s17, s16, $0x38;
	[tilespmem:$0x18000] =	vst v63  }
0x23b: {  	s10 =	sadd.s32 $0x60, s19;
	s18 =	simm.s32 $0x15800  }
0x23c: {  	[tilespmem:s18], [sflag:$0x6] =	stream.strided.gather [hbm4b:s10+s16], $0x400, s17, s16, $0x38;
	[tilespmem:$0x18000] =	vst v63  }
0x23d: {  	s23 =	sadd.s32 $0x70, s19;
	s29 =	simm.s32 $0x15C00  }
0x23e: {  	[tilespmem:s29], [sflag:$0x6] =	stream.strided.gather [hbm4b:s23+s16], $0x400, s17, s16, $0x38;
	[tilespmem:$0x18000] =	vst v63  }
0x23f: {  	s10 =	sadd.s32 $0x400, s19;
	s18 =	simm.s32 $0x16000  }
0x240: {  	[tilespmem:s18], [sflag:$0x6] =	stream.strided.gather [hbm4b:s10+s16], $0x400, s17, s16, $0x38;
	[tilespmem:$0x18000] =	vst v63  }
0x241: {  	s23 =	sadd.s32 $0x410, s19;
	s29 =	simm.s32 $0x16400  }
0x242: {  	[tilespmem:s29], [sflag:$0x6] =	stream.strided.gather [hbm4b:s23+s16], $0x400, s17, s16, $0x38;
	[tilespmem:$0x18000] =	vst v63  }
0x243: {  	s10 =	sadd.s32 $0x420, s19;
	s18 =	simm.s32 $0x16800  }
0x244: {  	[tilespmem:s18], [sflag:$0x6] =	stream.strided.gather [hbm4b:s10+s16], $0x400, s17, s16, $0x38;
	[tilespmem:$0x18000] =	vst v63  }
0x245: {  	s23 =	sadd.s32 $0x430, s19;
	s29 =	simm.s32 $0x16C00  }
0x246: {  	[tilespmem:s29], [sflag:$0x6] =	stream.strided.gather [hbm4b:s23+s16], $0x400, s17, s16, $0x38;
	[tilespmem:$0x18000] =	vst v63  }
0x247: {  	s10 =	sadd.s32 $0x440, s19  }
0x248: {  	[tilespmem:s30], [sflag:$0x6] =	stream.strided.gather [hbm4b:s10+s16], $0x400, s17, s16, $0x38;
	[tilespmem:$0x18000] =	vst v63  }
0x249: {  	s18 =	sadd.s32 $0x450, s19  }
0x24a: {  	[tilespmem:s21], [sflag:$0x6] =	stream.strided.gather [hbm4b:s18+s16], $0x400, s17, s16, $0x38;
	[tilespmem:$0x18000] =	vst v63  }
0x24b: {  	s23 =	sadd.s32 $0x460, s19  }
0x24c: {  	[tilespmem:s31], [sflag:$0x6] =	stream.strided.gather [hbm4b:s23+s16], $0x400, s17, s16, $0x38;
	[tilespmem:$0x18000] =	vst v63  }
0x24d: {  	s29 =	sadd.s32 $0x470, s19  }
0x24e: {  	[tilespmem:s24], [sflag:$0x6] =	stream.strided.gather [hbm4b:s29+s16], $0x400, s17, s16, $0x38;
	[tilespmem:$0x18000] =	vst v63  }
0x24f: {  	s10 =	rddreg [dreg:$0x14]  }
0x250: {  	[tilespmem:s0], [sflag:$0x2] =	stream.linear.gather [hbm4b:s10+s8], $0x4000, $0x38;
	[tilespmem:$0x18000] =	vst v63  }
0x251: {  	_ =	swait.ge [sflag:s20], $0x4000  }
0x252: {  	[sflag:s20] =	ssyncset.done $0x0  }
0x253: {  	[sflag:s20] =	ssyncadd.s32 $0xFFFFC000  }
0x254: {  	_ =	swait.ge [sflag:s4], $0x4000  }
0x255: {  	s18 =	simm.s32 $0x0;
	[sflag:s4] =	ssyncset.done $0x0  }
0x256: {  	s9 =	sand.u32 $0x2000, s18;
	[sflag:s4] =	ssyncadd.s32 $0xFFFFC000  }
0x257: {  	s18 =	simm.s32 $0x0;
	s23 =	sand.u32 $0x1C00, s8;
	_ =	swait.ge [sflag:s6], $0x4000  }
0x258: {  	s9 =	sor.u32 s23, s9;
	s29 =	sand.u32 $0x380, s18;
	[sflag:s6] =	ssyncset.done $0x0  }
0x259: {  	s18 =	sor.u32 s29, s9;
	[sflag:s6] =	ssyncadd.s32 $0xFFFFC000  }
0x25a: {  	v0 =	vld [tilespmem:s18+$0x10070]  }
0x25b: {  	v1 =	vld [tilespmem:s18+$0x10000]  }
0x25c: {  	v2 =	vld [tilespmem:s18+$0x70]  }
0x25d: {  	v4 =	vld [tilespmem:s18+$0x10010]  }
0x25e: {  	v8 =	vld [tilespmem:s18+$0x10020]  }
0x25f: {  	v9 =	vld [tilespmem:s18+$0x10030]  }
0x260: {  	v6 =	vld [tilespmem:s18+$0x10040];
	v0 =	vmul.f32 $2.000000090e-03, v0  }
0x261: {  	v5 =	vld [tilespmem:s18+$0x10050]  }
0x262: {  	v3 =	vld [tilespmem:s18+$0x10060];
	v2 =	vadd.f32 v0, v2  }
0x263: {  	v7 =	vld [tilespmem:s18+$0x0];
	v4 =	vmul.f32 $2.000000090e-03, v4;
	v0 =	vmul.f32 $2.000000090e-03, v1  }
0x264: {  	s9 =	simm.s32 $0x0;
	v1 =	vmul.f32 $2.000000090e-03, v8;
	v8 =	vld [tilespmem:s18+$0x10];
	[tilespmem:s18+$0x8070] =	vst v2;
	v2 =	vmul.f32 $2.000000090e-03, v9  }
.LBB2_18:
0x265: {  	s9 =	sadd.s32 $0x8, s9;
	v9 =	vld [tilespmem:s18+$0x20];
	v6 =	vmul.f32 $2.000000090e-03, v6  }
0x266: {  	s8 =	sadd.s32 $0x400, s8;
	s10 =	sshll.u32 s9, $0x4;
	p0 =	slt.u32 s9, $0x3F8;
	v10 =	vld [tilespmem:s18+$0x30];
	v5 =	vmul.f32 $2.000000090e-03, v5  }
0x267: {  	s23 =	sand.u32 $0x1C00, s8;
	s29 =	sshll.u32 s9, $0x1;
	s10 =	sand.u32 $0x2000, s10;
	v11 =	vld [tilespmem:s18+$0x40];
	v3 =	vmul.f32 $2.000000090e-03, v3  }
0x268: {  	s10 =	sor.u32 s23, s10;
	s23 =	sand.u32 $0x380, s29;
	v0 =	vadd.f32 v0, v7;
	v7 =	vld [tilespmem:s18+$0x50]  }
0x269: {  	s10 =	sor.u32 s23, s10;
	v4 =	vadd.f32 v4, v8;
	v8 =	vld [tilespmem:s18+$0x60]  }
0x26a: {  	v12 =	vld [tilespmem:s10+$0x10070];
	[tilespmem:s18+$0x8000] =	vst v0;
	v0 =	vadd.f32 v1, v9  }
0x26b: {  	v1 =	vld [tilespmem:s10+$0x10000];
	[tilespmem:s18+$0x8010] =	vst v4;
	v2 =	vadd.f32 v2, v10  }
0x26c: {  	v4 =	vld [tilespmem:s10+$0x70];
	[tilespmem:s18+$0x8020] =	vst v0;
	v0 =	vadd.f32 v6, v11  }
0x26d: {  	v9 =	vld [tilespmem:s10+$0x10010];
	[tilespmem:s18+$0x8030] =	vst v2;
	v2 =	vadd.f32 v5, v7  }
0x26e: {  	v10 =	vld [tilespmem:s10+$0x10020];
	[tilespmem:s18+$0x8040] =	vst v0;
	v3 =	vadd.f32 v3, v8  }
0x26f: {  	v11 =	vld [tilespmem:s10+$0x10030];
	v7 =	vmul.f32 $2.000000090e-03, v12;
	[tilespmem:s18+$0x8050] =	vst v2  }
.Ltmp8:
0x270: {  	v0 =	vmul.f32 $2.000000090e-03, v1;
	v6 =	vld [tilespmem:s10+$0x10040];
	[tilespmem:s18+$0x8060] =	vst v3;
	s18 =	smov.u32 s10;
	(pc) =	sbr.rel @p0 .LBB2_18-.Ltmp8, $4  }
0x271: {  	v5 =	vld [tilespmem:s18+$0x10050];
	v2 =	vadd.f32 v7, v4  }
0x272: {  	v4 =	vmul.f32 $2.000000090e-03, v9;
	v3 =	vld [tilespmem:s18+$0x10060]  }
0x273: {  	v7 =	vld [tilespmem:s18+$0x0];
	v1 =	vmul.f32 $2.000000090e-03, v10;
	[tilespmem:s18+$0x8070] =	vst v2  }
0x274: {  	v8 =	vld [tilespmem:s18+$0x10];
	v2 =	vmul.f32 $2.000000090e-03, v11  }
0x275: {  	v9 =	vld [tilespmem:s18+$0x20]  }
0x276: {  	v10 =	vld [tilespmem:s18+$0x30]  }
0x277: {  	v11 =	vld [tilespmem:s18+$0x40]  }
0x278: {  	v0 =	vadd.f32 v0, v7;
	v7 =	vld [tilespmem:s18+$0x50]  }
0x279: {  	v4 =	vadd.f32 v4, v8;
	v8 =	vld [tilespmem:s18+$0x60]  }
0x27a: {  	v6 =	vmul.f32 $2.000000090e-03, v6;
	[tilespmem:s18+$0x8000] =	vst v0;
	v0 =	vadd.f32 v1, v9  }
0x27b: {  	v1 =	vmul.f32 $2.000000090e-03, v5;
	v2 =	vadd.f32 v2, v10;
	[tilespmem:s18+$0x8010] =	vst v4  }
0x27c: {  	v3 =	vmul.f32 $2.000000090e-03, v3;
	[tilespmem:s18+$0x8020] =	vst v0;
	v0 =	vadd.f32 v6, v11  }
0x27d: {  	[tilespmem:s18+$0x8030] =	vst v2;
	v1 =	vadd.f32 v1, v7  }
0x27e: {  	[tilespmem:s18+$0x8040] =	vst v0;
	v0 =	vadd.f32 v3, v8  }
0x27f: {  	[tilespmem:s18+$0x8050] =	vst v1  }
0x280: {  	[tilespmem:s18+$0x8060] =	vst v0  }
0x281: {  	s18 =	simm.s32 $0x0;
	s8 =	rddreg [dreg:$0x13]  }
0x282: {  	[hbm4b:s8+s18] =	stream.linear.scatter [tilespmem:s25], [sflag:$0x3], $0x4000, $0x38;
	[tilespmem:$0x18000] =	vst v63  }
0x283: {  	s10 =	rddreg [dreg:$0x16]  }
0x284: {  	[tilespmem:s18], [sflag:$0x1] =	stream.linear.gather [hbm4b:s10+s18], $0x4000, $0x38;
	[tilespmem:$0x18000] =	vst v63  }
0x285: {  	_ =	swait.ge [sflag:s5], $0x4000  }
0x286: {  	[sflag:s5] =	ssyncset.done $0x0  }
0x287: {  	s23 =	simm.s32 $0x0;
	s9 =	sand.u32 $0x1C00, s18;
	[sflag:s5] =	ssyncadd.s32 $0xFFFFC000  }
0x288: {  	s8 =	sand.u32 $0x2000, s23;
	s10 =	simm.s32 $0x0;
	_ =	swait.ge [sflag:s26], $0x4000  }
0x289: {  	s8 =	sor.u32 s9, s8;
	s29 =	sand.u32 $0x380, s10;
	[sflag:s26] =	ssyncset.done $0x0  }
0x28a: {  	s8 =	sor.u32 s29, s8;
	[sflag:s26] =	ssyncadd.s32 $0xFFFFC000  }
0x28b: {  	v0 =	vld [tilespmem:s8+$0x10070]  }
0x28c: {  	v1 =	vld [tilespmem:s8+$0x10000]  }
0x28d: {  	v2 =	vld [tilespmem:s8+$0x4070]  }
0x28e: {  	v4 =	vld [tilespmem:s8+$0x10010]  }
0x28f: {  	v8 =	vld [tilespmem:s8+$0x10020]  }
0x290: {  	v9 =	vld [tilespmem:s8+$0x10030]  }
0x291: {  	v6 =	vld [tilespmem:s8+$0x10040];
	v0 =	vmul.f32 $2.000000090e-03, v0  }
0x292: {  	v5 =	vld [tilespmem:s8+$0x10050]  }
0x293: {  	v3 =	vld [tilespmem:s8+$0x10060];
	v2 =	vadd.f32 v0, v2  }
0x294: {  	v7 =	vld [tilespmem:s8+$0x4000];
	v4 =	vmul.f32 $2.000000090e-03, v4;
	v0 =	vmul.f32 $2.000000090e-03, v1  }
0x295: {  	s9 =	simm.s32 $0x0;
	v1 =	vmul.f32 $2.000000090e-03, v8;
	v8 =	vld [tilespmem:s8+$0x4010];
	[tilespmem:s8+$0xC070] =	vst v2;
	v2 =	vmul.f32 $2.000000090e-03, v9  }
.LBB2_20:
0x296: {  	s9 =	sadd.s32 $0x8, s9;
	v9 =	vld [tilespmem:s8+$0x4020];
	v6 =	vmul.f32 $2.000000090e-03, v6  }
0x297: {  	s18 =	sadd.s32 $0x400, s18;
	s10 =	sshll.u32 s9, $0x4;
	p0 =	slt.u32 s9, $0x3F8;
	v10 =	vld [tilespmem:s8+$0x4030];
	v5 =	vmul.f32 $2.000000090e-03, v5  }
0x298: {  	s23 =	sand.u32 $0x1C00, s18;
	s29 =	sshll.u32 s9, $0x1;
	s10 =	sand.u32 $0x2000, s10;
	v11 =	vld [tilespmem:s8+$0x4040];
	v3 =	vmul.f32 $2.000000090e-03, v3  }
0x299: {  	s10 =	sor.u32 s23, s10;
	s23 =	sand.u32 $0x380, s29;
	v0 =	vadd.f32 v0, v7;
	v7 =	vld [tilespmem:s8+$0x4050]  }
0x29a: {  	s10 =	sor.u32 s23, s10;
	v4 =	vadd.f32 v4, v8;
	v8 =	vld [tilespmem:s8+$0x4060]  }
0x29b: {  	v12 =	vld [tilespmem:s10+$0x10070];
	[tilespmem:s8+$0xC000] =	vst v0;
	v0 =	vadd.f32 v1, v9  }
0x29c: {  	v1 =	vld [tilespmem:s10+$0x10000];
	[tilespmem:s8+$0xC010] =	vst v4;
	v2 =	vadd.f32 v2, v10  }
0x29d: {  	v4 =	vld [tilespmem:s10+$0x4070];
	[tilespmem:s8+$0xC020] =	vst v0;
	v0 =	vadd.f32 v6, v11  }
0x29e: {  	v9 =	vld [tilespmem:s10+$0x10010];
	[tilespmem:s8+$0xC030] =	vst v2;
	v2 =	vadd.f32 v5, v7  }
0x29f: {  	v10 =	vld [tilespmem:s10+$0x10020];
	[tilespmem:s8+$0xC040] =	vst v0;
	v3 =	vadd.f32 v3, v8  }
0x2a0: {  	v11 =	vld [tilespmem:s10+$0x10030];
	v7 =	vmul.f32 $2.000000090e-03, v12;
	[tilespmem:s8+$0xC050] =	vst v2  }
.Ltmp9:
0x2a1: {  	v0 =	vmul.f32 $2.000000090e-03, v1;
	v6 =	vld [tilespmem:s10+$0x10040];
	[tilespmem:s8+$0xC060] =	vst v3;
	s8 =	smov.u32 s10;
	(pc) =	sbr.rel @p0 .LBB2_20-.Ltmp9, $4  }
0x2a2: {  	v5 =	vld [tilespmem:s8+$0x10050];
	v2 =	vadd.f32 v7, v4  }
0x2a3: {  	v4 =	vmul.f32 $2.000000090e-03, v9;
	v3 =	vld [tilespmem:s8+$0x10060]  }
0x2a4: {  	v7 =	vld [tilespmem:s8+$0x4000];
	v1 =	vmul.f32 $2.000000090e-03, v10;
	[tilespmem:s8+$0xC070] =	vst v2  }
0x2a5: {  	v8 =	vld [tilespmem:s8+$0x4010];
	v2 =	vmul.f32 $2.000000090e-03, v11  }
0x2a6: {  	v9 =	vld [tilespmem:s8+$0x4020]  }
0x2a7: {  	v10 =	vld [tilespmem:s8+$0x4030]  }
0x2a8: {  	v11 =	vld [tilespmem:s8+$0x4040]  }
0x2a9: {  	v0 =	vadd.f32 v0, v7;
	v7 =	vld [tilespmem:s8+$0x4050]  }
0x2aa: {  	v4 =	vadd.f32 v4, v8;
	v8 =	vld [tilespmem:s8+$0x4060]  }
0x2ab: {  	v6 =	vmul.f32 $2.000000090e-03, v6;
	[tilespmem:s8+$0xC000] =	vst v0;
	v0 =	vadd.f32 v1, v9  }
0x2ac: {  	v1 =	vmul.f32 $2.000000090e-03, v5;
	v2 =	vadd.f32 v2, v10;
	[tilespmem:s8+$0xC010] =	vst v4  }
0x2ad: {  	v3 =	vmul.f32 $2.000000090e-03, v3;
	[tilespmem:s8+$0xC020] =	vst v0;
	v0 =	vadd.f32 v6, v11  }
0x2ae: {  	[tilespmem:s8+$0xC030] =	vst v2;
	v1 =	vadd.f32 v1, v7  }
0x2af: {  	[tilespmem:s8+$0xC040] =	vst v0;
	v0 =	vadd.f32 v3, v8  }
0x2b0: {  	[tilespmem:s8+$0xC050] =	vst v1  }
0x2b1: {  	[tilespmem:s8+$0xC060] =	vst v0  }
0x2b2: {  	s18 =	simm.s32 $0x0;
	s8 =	rddreg [dreg:$0x15]  }
0x2b3: {  	[hbm4b:s8+s18] =	stream.linear.scatter [tilespmem:s22], [sflag:$0x4], $0x4000, $0x38;
	[tilespmem:$0x18000] =	vst v63  }
0x2b4: {  	s10 =	rddreg [dreg:$0x18]  }
0x2b5: {  	[tilespmem:s0], [sflag:$0x2] =	stream.linear.gather [hbm4b:s10+s18], $0x4000, $0x38;
	[tilespmem:$0x18000] =	vst v63  }
0x2b6: {  	_ =	swait.ge [sflag:s4], $0x4000  }
0x2b7: {  	[sflag:s4] =	ssyncset.done $0x0  }
0x2b8: {  	s23 =	simm.s32 $0x0;
	s9 =	sand.u32 $0x1C00, s18;
	[sflag:s4] =	ssyncadd.s32 $0xFFFFC000  }
0x2b9: {  	s8 =	sand.u32 $0x2000, s23;
	s10 =	simm.s32 $0x0;
	_ =	swait.ge [sflag:s6], $0x4000  }
0x2ba: {  	s8 =	sor.u32 s9, s8;
	s29 =	sand.u32 $0x380, s10;
	[sflag:s6] =	ssyncset.done $0x0  }
0x2bb: {  	s8 =	sor.u32 s29, s8;
	[sflag:s6] =	ssyncadd.s32 $0xFFFFC000  }
0x2bc: {  	v0 =	vld [tilespmem:s8+$0x10070]  }
0x2bd: {  	v1 =	vld [tilespmem:s8+$0x10000]  }
0x2be: {  	v2 =	vld [tilespmem:s8+$0x70]  }
0x2bf: {  	v4 =	vld [tilespmem:s8+$0x10010]  }
0x2c0: {  	v8 =	vld [tilespmem:s8+$0x10020]  }
0x2c1: {  	v9 =	vld [tilespmem:s8+$0x10030]  }
0x2c2: {  	v6 =	vld [tilespmem:s8+$0x10040];
	v0 =	vmul.f32 $2.000000090e-03, v0  }
0x2c3: {  	v5 =	vld [tilespmem:s8+$0x10050]  }
0x2c4: {  	v3 =	vld [tilespmem:s8+$0x10060];
	v2 =	vadd.f32 v0, v2  }
0x2c5: {  	v7 =	vld [tilespmem:s8+$0x0];
	v4 =	vmul.f32 $2.000000090e-03, v4;
	v0 =	vmul.f32 $2.000000090e-03, v1  }
0x2c6: {  	s9 =	simm.s32 $0x0;
	v1 =	vmul.f32 $2.000000090e-03, v8;
	v8 =	vld [tilespmem:s8+$0x10];
	[tilespmem:s8+$0x8070] =	vst v2;
	v2 =	vmul.f32 $2.000000090e-03, v9  }
.LBB2_22:
0x2c7: {  	s9 =	sadd.s32 $0x8, s9;
	v9 =	vld [tilespmem:s8+$0x20];
	v6 =	vmul.f32 $2.000000090e-03, v6  }
0x2c8: {  	s18 =	sadd.s32 $0x400, s18;
	s10 =	sshll.u32 s9, $0x4;
	p0 =	slt.u32 s9, $0x3F8;
	v10 =	vld [tilespmem:s8+$0x30];
	v5 =	vmul.f32 $2.000000090e-03, v5  }
0x2c9: {  	s23 =	sand.u32 $0x1C00, s18;
	s29 =	sshll.u32 s9, $0x1;
	s10 =	sand.u32 $0x2000, s10;
	v11 =	vld [tilespmem:s8+$0x40];
	v3 =	vmul.f32 $2.000000090e-03, v3  }
0x2ca: {  	s10 =	sor.u32 s23, s10;
	s23 =	sand.u32 $0x380, s29;
	v0 =	vadd.f32 v0, v7;
	v7 =	vld [tilespmem:s8+$0x50]  }
0x2cb: {  	s10 =	sor.u32 s23, s10;
	v4 =	vadd.f32 v4, v8;
	v8 =	vld [tilespmem:s8+$0x60]  }
0x2cc: {  	v12 =	vld [tilespmem:s10+$0x10070];
	[tilespmem:s8+$0x8000] =	vst v0;
	v0 =	vadd.f32 v1, v9  }
0x2cd: {  	v1 =	vld [tilespmem:s10+$0x10000];
	[tilespmem:s8+$0x8010] =	vst v4;
	v2 =	vadd.f32 v2, v10  }
0x2ce: {  	v4 =	vld [tilespmem:s10+$0x70];
	[tilespmem:s8+$0x8020] =	vst v0;
	v0 =	vadd.f32 v6, v11  }
0x2cf: {  	v9 =	vld [tilespmem:s10+$0x10010];
	[tilespmem:s8+$0x8030] =	vst v2;
	v2 =	vadd.f32 v5, v7  }
0x2d0: {  	v10 =	vld [tilespmem:s10+$0x10020];
	[tilespmem:s8+$0x8040] =	vst v0;
	v3 =	vadd.f32 v3, v8  }
0x2d1: {  	v11 =	vld [tilespmem:s10+$0x10030];
	v7 =	vmul.f32 $2.000000090e-03, v12;
	[tilespmem:s8+$0x8050] =	vst v2  }
.Ltmp10:
0x2d2: {  	v0 =	vmul.f32 $2.000000090e-03, v1;
	v6 =	vld [tilespmem:s10+$0x10040];
	[tilespmem:s8+$0x8060] =	vst v3;
	s8 =	smov.u32 s10;
	(pc) =	sbr.rel @p0 .LBB2_22-.Ltmp10, $4  }
0x2d3: {  	v5 =	vld [tilespmem:s8+$0x10050];
	v2 =	vadd.f32 v7, v4  }
0x2d4: {  	v4 =	vmul.f32 $2.000000090e-03, v9;
	v3 =	vld [tilespmem:s8+$0x10060]  }
0x2d5: {  	v7 =	vld [tilespmem:s8+$0x0];
	v1 =	vmul.f32 $2.000000090e-03, v10;
	[tilespmem:s8+$0x8070] =	vst v2  }
0x2d6: {  	v8 =	vld [tilespmem:s8+$0x10];
	v2 =	vmul.f32 $2.000000090e-03, v11  }
0x2d7: {  	v9 =	vld [tilespmem:s8+$0x20]  }
0x2d8: {  	v10 =	vld [tilespmem:s8+$0x30]  }
0x2d9: {  	v11 =	vld [tilespmem:s8+$0x40]  }
0x2da: {  	v0 =	vadd.f32 v0, v7;
	v7 =	vld [tilespmem:s8+$0x50]  }
0x2db: {  	v4 =	vadd.f32 v4, v8;
	v8 =	vld [tilespmem:s8+$0x60]  }
0x2dc: {  	v6 =	vmul.f32 $2.000000090e-03, v6;
	[tilespmem:s8+$0x8000] =	vst v0;
	v0 =	vadd.f32 v1, v9  }
0x2dd: {  	v1 =	vmul.f32 $2.000000090e-03, v5;
	v2 =	vadd.f32 v2, v10;
	[tilespmem:s8+$0x8010] =	vst v4  }
0x2de: {  	v3 =	vmul.f32 $2.000000090e-03, v3;
	[tilespmem:s8+$0x8020] =	vst v0;
	v0 =	vadd.f32 v6, v11  }
0x2df: {  	[tilespmem:s8+$0x8030] =	vst v2;
	v1 =	vadd.f32 v1, v7  }
0x2e0: {  	[tilespmem:s8+$0x8040] =	vst v0;
	v0 =	vadd.f32 v3, v8  }
0x2e1: {  	[tilespmem:s8+$0x8050] =	vst v1  }
0x2e2: {  	[tilespmem:s8+$0x8060] =	vst v0  }
0x2e3: {  	s18 =	simm.s32 $0x0;
	s8 =	rddreg [dreg:$0x17]  }
0x2e4: {  	[hbm4b:s8+s18] =	stream.linear.scatter [tilespmem:s25], [sflag:$0x3], $0x4000, $0x38;
	[tilespmem:$0x18000] =	vst v63  }
0x2e5: {  	s10 =	rddreg [dreg:$0x1a]  }
0x2e6: {  	[tilespmem:s18], [sflag:$0x1] =	stream.linear.gather [hbm4b:s10+s18], $0x4000, $0x38;
	[tilespmem:$0x18000] =	vst v63  }
0x2e7: {  	_ =	swait.ge [sflag:s5], $0x4000  }
0x2e8: {  	[sflag:s5] =	ssyncset.done $0x0  }
0x2e9: {  	s23 =	simm.s32 $0x0;
	s9 =	sand.u32 $0x1C00, s18;
	[sflag:s5] =	ssyncadd.s32 $0xFFFFC000  }
0x2ea: {  	s8 =	sand.u32 $0x2000, s23;
	s10 =	simm.s32 $0x0;
	_ =	swait.ge [sflag:s26], $0x4000  }
0x2eb: {  	s8 =	sor.u32 s9, s8;
	s29 =	sand.u32 $0x380, s10;
	[sflag:s26] =	ssyncset.done $0x0  }
0x2ec: {  	s8 =	sor.u32 s29, s8;
	[sflag:s26] =	ssyncadd.s32 $0xFFFFC000  }
0x2ed: {  	v0 =	vld [tilespmem:s8+$0x10070]  }
0x2ee: {  	v1 =	vld [tilespmem:s8+$0x10000]  }
0x2ef: {  	v2 =	vld [tilespmem:s8+$0x4070]  }
0x2f0: {  	v4 =	vld [tilespmem:s8+$0x10010]  }
0x2f1: {  	v8 =	vld [tilespmem:s8+$0x10020]  }
0x2f2: {  	v9 =	vld [tilespmem:s8+$0x10030]  }
0x2f3: {  	v6 =	vld [tilespmem:s8+$0x10040];
	v0 =	vmul.f32 $2.000000090e-03, v0  }
0x2f4: {  	v5 =	vld [tilespmem:s8+$0x10050]  }
0x2f5: {  	v3 =	vld [tilespmem:s8+$0x10060];
	v2 =	vadd.f32 v0, v2  }
0x2f6: {  	v7 =	vld [tilespmem:s8+$0x4000];
	v4 =	vmul.f32 $2.000000090e-03, v4;
	v0 =	vmul.f32 $2.000000090e-03, v1  }
0x2f7: {  	s9 =	simm.s32 $0x0;
	v1 =	vmul.f32 $2.000000090e-03, v8;
	v8 =	vld [tilespmem:s8+$0x4010];
	[tilespmem:s8+$0xC070] =	vst v2;
	v2 =	vmul.f32 $2.000000090e-03, v9  }
.LBB2_24:
0x2f8: {  	s9 =	sadd.s32 $0x8, s9;
	v9 =	vld [tilespmem:s8+$0x4020];
	v6 =	vmul.f32 $2.000000090e-03, v6  }
0x2f9: {  	s18 =	sadd.s32 $0x400, s18;
	s10 =	sshll.u32 s9, $0x4;
	p0 =	slt.u32 s9, $0x3F8;
	v10 =	vld [tilespmem:s8+$0x4030];
	v5 =	vmul.f32 $2.000000090e-03, v5  }
0x2fa: {  	s23 =	sand.u32 $0x1C00, s18;
	s29 =	sshll.u32 s9, $0x1;
	s10 =	sand.u32 $0x2000, s10;
	v11 =	vld [tilespmem:s8+$0x4040];
	v3 =	vmul.f32 $2.000000090e-03, v3  }
0x2fb: {  	s10 =	sor.u32 s23, s10;
	s23 =	sand.u32 $0x380, s29;
	v0 =	vadd.f32 v0, v7;
	v7 =	vld [tilespmem:s8+$0x4050]  }
0x2fc: {  	s10 =	sor.u32 s23, s10;
	v4 =	vadd.f32 v4, v8;
	v8 =	vld [tilespmem:s8+$0x4060]  }
0x2fd: {  	v12 =	vld [tilespmem:s10+$0x10070];
	[tilespmem:s8+$0xC000] =	vst v0;
	v0 =	vadd.f32 v1, v9  }
0x2fe: {  	v1 =	vld [tilespmem:s10+$0x10000];
	[tilespmem:s8+$0xC010] =	vst v4;
	v2 =	vadd.f32 v2, v10  }
0x2ff: {  	v4 =	vld [tilespmem:s10+$0x4070];
	[tilespmem:s8+$0xC020] =	vst v0;
	v0 =	vadd.f32 v6, v11  }
0x300: {  	v9 =	vld [tilespmem:s10+$0x10010];
	[tilespmem:s8+$0xC030] =	vst v2;
	v2 =	vadd.f32 v5, v7  }
0x301: {  	v10 =	vld [tilespmem:s10+$0x10020];
	[tilespmem:s8+$0xC040] =	vst v0;
	v3 =	vadd.f32 v3, v8  }
0x302: {  	v11 =	vld [tilespmem:s10+$0x10030];
	v7 =	vmul.f32 $2.000000090e-03, v12;
	[tilespmem:s8+$0xC050] =	vst v2  }
.Ltmp11:
0x303: {  	v0 =	vmul.f32 $2.000000090e-03, v1;
	v6 =	vld [tilespmem:s10+$0x10040];
	[tilespmem:s8+$0xC060] =	vst v3;
	s8 =	smov.u32 s10;
	(pc) =	sbr.rel @p0 .LBB2_24-.Ltmp11, $4  }
0x304: {  	v5 =	vld [tilespmem:s8+$0x10050];
	v2 =	vadd.f32 v7, v4  }
0x305: {  	v4 =	vmul.f32 $2.000000090e-03, v9;
	v3 =	vld [tilespmem:s8+$0x10060]  }
0x306: {  	v7 =	vld [tilespmem:s8+$0x4000];
	v1 =	vmul.f32 $2.000000090e-03, v10;
	[tilespmem:s8+$0xC070] =	vst v2  }
0x307: {  	v8 =	vld [tilespmem:s8+$0x4010];
	v2 =	vmul.f32 $2.000000090e-03, v11  }
0x308: {  	v9 =	vld [tilespmem:s8+$0x4020]  }
0x309: {  	v10 =	vld [tilespmem:s8+$0x4030]  }
0x30a: {  	v11 =	vld [tilespmem:s8+$0x4040]  }
0x30b: {  	v0 =	vadd.f32 v0, v7;
	v7 =	vld [tilespmem:s8+$0x4050]  }
0x30c: {  	v4 =	vadd.f32 v4, v8;
	v8 =	vld [tilespmem:s8+$0x4060]  }
0x30d: {  	v6 =	vmul.f32 $2.000000090e-03, v6;
	[tilespmem:s8+$0xC000] =	vst v0;
	v0 =	vadd.f32 v1, v9  }
0x30e: {  	v1 =	vmul.f32 $2.000000090e-03, v5;
	v2 =	vadd.f32 v2, v10;
	[tilespmem:s8+$0xC010] =	vst v4  }
0x30f: {  	v3 =	vmul.f32 $2.000000090e-03, v3;
	[tilespmem:s8+$0xC020] =	vst v0;
	v0 =	vadd.f32 v6, v11  }
0x310: {  	[tilespmem:s8+$0xC030] =	vst v2;
	v1 =	vadd.f32 v1, v7  }
0x311: {  	[tilespmem:s8+$0xC040] =	vst v0;
	v0 =	vadd.f32 v3, v8  }
0x312: {  	[tilespmem:s8+$0xC050] =	vst v1  }
0x313: {  	[tilespmem:s8+$0xC060] =	vst v0  }
0x314: {  	s18 =	simm.s32 $0x0;
	s8 =	rddreg [dreg:$0x19]  }
0x315: {  	[hbm4b:s8+s18] =	stream.linear.scatter [tilespmem:s22], [sflag:$0x4], $0x4000, $0x38;
	[tilespmem:$0x18000] =	vst v63  }
0x316: {  	s10 =	rddreg [dreg:$0x1c]  }
0x317: {  	[tilespmem:s0], [sflag:$0x2] =	stream.linear.gather [hbm4b:s10+s18], $0x4000, $0x38;
	[tilespmem:$0x18000] =	vst v63  }
0x318: {  	_ =	swait.ge [sflag:s7], $0x4000  }
0x319: {  	[sflag:s7] =	ssyncset.done $0x0  }
0x31a: {  	[sflag:s7] =	ssyncadd.s32 $0xFFFFC000  }
0x31b: {  	_ =	swait.ge [sflag:s4], $0x4000  }
0x31c: {  	[sflag:s4] =	ssyncset.done $0x0  }
0x31d: {  	s23 =	simm.s32 $0x0;
	s9 =	sand.u32 $0x1C00, s18;
	[sflag:s4] =	ssyncadd.s32 $0xFFFFC000  }
0x31e: {  	s8 =	sand.u32 $0x2000, s23;
	s10 =	simm.s32 $0x0;
	_ =	swait.ge [sflag:s6], $0x4000  }
0x31f: {  	s8 =	sor.u32 s9, s8;
	s29 =	sand.u32 $0x380, s10;
	[sflag:s6] =	ssyncset.done $0x0  }
0x320: {  	s8 =	sor.u32 s29, s8;
	[sflag:s6] =	ssyncadd.s32 $0xFFFFC000  }
0x321: {  	v0 =	vld [tilespmem:s8+$0x14070]  }
0x322: {  	v1 =	vld [tilespmem:s8+$0x14000]  }
0x323: {  	v2 =	vld [tilespmem:s8+$0x70]  }
0x324: {  	v4 =	vld [tilespmem:s8+$0x14010]  }
0x325: {  	v8 =	vld [tilespmem:s8+$0x14020]  }
0x326: {  	v9 =	vld [tilespmem:s8+$0x14030]  }
0x327: {  	v6 =	vld [tilespmem:s8+$0x14040];
	v0 =	vmul.f32 $2.000000090e-03, v0  }
0x328: {  	v5 =	vld [tilespmem:s8+$0x14050]  }
0x329: {  	v3 =	vld [tilespmem:s8+$0x14060];
	v2 =	vadd.f32 v0, v2  }
0x32a: {  	v7 =	vld [tilespmem:s8+$0x0];
	v4 =	vmul.f32 $2.000000090e-03, v4;
	v0 =	vmul.f32 $2.000000090e-03, v1  }
0x32b: {  	s9 =	simm.s32 $0x0;
	v1 =	vmul.f32 $2.000000090e-03, v8;
	v8 =	vld [tilespmem:s8+$0x10];
	[tilespmem:s8+$0x8070] =	vst v2;
	v2 =	vmul.f32 $2.000000090e-03, v9  }
.LBB2_26:
0x32c: {  	s9 =	sadd.s32 $0x8, s9;
	v9 =	vld [tilespmem:s8+$0x20];
	v6 =	vmul.f32 $2.000000090e-03, v6  }
0x32d: {  	s18 =	sadd.s32 $0x400, s18;
	s10 =	sshll.u32 s9, $0x4;
	p0 =	slt.u32 s9, $0x3F8;
	v10 =	vld [tilespmem:s8+$0x30];
	v5 =	vmul.f32 $2.000000090e-03, v5  }
0x32e: {  	s23 =	sand.u32 $0x1C00, s18;
	s29 =	sshll.u32 s9, $0x1;
	s10 =	sand.u32 $0x2000, s10;
	v11 =	vld [tilespmem:s8+$0x40];
	v3 =	vmul.f32 $2.000000090e-03, v3  }
0x32f: {  	s10 =	sor.u32 s23, s10;
	s23 =	sand.u32 $0x380, s29;
	v0 =	vadd.f32 v0, v7;
	v7 =	vld [tilespmem:s8+$0x50]  }
0x330: {  	s10 =	sor.u32 s23, s10;
	v4 =	vadd.f32 v4, v8;
	v8 =	vld [tilespmem:s8+$0x60]  }
0x331: {  	v12 =	vld [tilespmem:s10+$0x14070];
	[tilespmem:s8+$0x8000] =	vst v0;
	v0 =	vadd.f32 v1, v9  }
0x332: {  	v1 =	vld [tilespmem:s10+$0x14000];
	[tilespmem:s8+$0x8010] =	vst v4;
	v2 =	vadd.f32 v2, v10  }
0x333: {  	v4 =	vld [tilespmem:s10+$0x70];
	[tilespmem:s8+$0x8020] =	vst v0;
	v0 =	vadd.f32 v6, v11  }
0x334: {  	v9 =	vld [tilespmem:s10+$0x14010];
	[tilespmem:s8+$0x8030] =	vst v2;
	v2 =	vadd.f32 v5, v7  }
0x335: {  	v10 =	vld [tilespmem:s10+$0x14020];
	[tilespmem:s8+$0x8040] =	vst v0;
	v3 =	vadd.f32 v3, v8  }
0x336: {  	v11 =	vld [tilespmem:s10+$0x14030];
	v7 =	vmul.f32 $2.000000090e-03, v12;
	[tilespmem:s8+$0x8050] =	vst v2  }
.Ltmp12:
0x337: {  	v0 =	vmul.f32 $2.000000090e-03, v1;
	v6 =	vld [tilespmem:s10+$0x14040];
	[tilespmem:s8+$0x8060] =	vst v3;
	s8 =	smov.u32 s10;
	(pc) =	sbr.rel @p0 .LBB2_26-.Ltmp12, $4  }
0x338: {  	v5 =	vld [tilespmem:s8+$0x14050];
	v2 =	vadd.f32 v7, v4  }
0x339: {  	v4 =	vmul.f32 $2.000000090e-03, v9;
	v3 =	vld [tilespmem:s8+$0x14060]  }
0x33a: {  	v7 =	vld [tilespmem:s8+$0x0];
	v1 =	vmul.f32 $2.000000090e-03, v10;
	[tilespmem:s8+$0x8070] =	vst v2  }
0x33b: {  	v8 =	vld [tilespmem:s8+$0x10];
	v2 =	vmul.f32 $2.000000090e-03, v11  }
0x33c: {  	v9 =	vld [tilespmem:s8+$0x20]  }
0x33d: {  	v10 =	vld [tilespmem:s8+$0x30]  }
0x33e: {  	v11 =	vld [tilespmem:s8+$0x40]  }
0x33f: {  	v0 =	vadd.f32 v0, v7;
	v7 =	vld [tilespmem:s8+$0x50]  }
0x340: {  	v4 =	vadd.f32 v4, v8;
	v8 =	vld [tilespmem:s8+$0x60]  }
0x341: {  	v6 =	vmul.f32 $2.000000090e-03, v6;
	[tilespmem:s8+$0x8000] =	vst v0;
	v0 =	vadd.f32 v1, v9  }
0x342: {  	v1 =	vmul.f32 $2.000000090e-03, v5;
	v2 =	vadd.f32 v2, v10;
	[tilespmem:s8+$0x8010] =	vst v4  }
0x343: {  	v3 =	vmul.f32 $2.000000090e-03, v3;
	[tilespmem:s8+$0x8020] =	vst v0;
	v0 =	vadd.f32 v6, v11  }
0x344: {  	[tilespmem:s8+$0x8030] =	vst v2;
	v1 =	vadd.f32 v1, v7  }
0x345: {  	[tilespmem:s8+$0x8040] =	vst v0;
	v0 =	vadd.f32 v3, v8  }
0x346: {  	[tilespmem:s8+$0x8050] =	vst v1  }
0x347: {  	[tilespmem:s8+$0x8060] =	vst v0  }
0x348: {  	s8 =	rddreg [dreg:$0x1b]  }
0x349: {  	s18 =	simm.s32 $0x0;
	s10 =	sld [smem:$0x7DF]  }
0x34a: {  	[hbm4b:s8+s18] =	stream.linear.scatter [tilespmem:s25], [sflag:$0x3], $0x4000, $0x38;
	[tilespmem:$0x18000] =	vst v63  }
0x34b: {  	_ = 	snop  }
0x34c: {  	[tilespmem:s18], [sflag:$0x1] =	stream.linear.gather [hbm4b:s10+s18], $0x4000, $0x38;
	[tilespmem:$0x18000] =	vst v63  }
0x34d: {  	_ =	swait.ge [sflag:s5], $0x4000  }
0x34e: {  	[sflag:s5] =	ssyncset.done $0x0  }
0x34f: {  	s23 =	simm.s32 $0x0;
	s9 =	sand.u32 $0x1C00, s18;
	[sflag:s5] =	ssyncadd.s32 $0xFFFFC000  }
0x350: {  	s8 =	sand.u32 $0x2000, s23;
	s10 =	simm.s32 $0x0;
	_ =	swait.ge [sflag:s26], $0x4000  }
0x351: {  	s8 =	sor.u32 s9, s8;
	s29 =	sand.u32 $0x380, s10;
	[sflag:s26] =	ssyncset.done $0x0  }
0x352: {  	s8 =	sor.u32 s29, s8;
	[sflag:s26] =	ssyncadd.s32 $0xFFFFC000  }
0x353: {  	v0 =	vld [tilespmem:s8+$0x14070]  }
0x354: {  	v1 =	vld [tilespmem:s8+$0x14000]  }
0x355: {  	v2 =	vld [tilespmem:s8+$0x4070]  }
0x356: {  	v4 =	vld [tilespmem:s8+$0x14010]  }
0x357: {  	v8 =	vld [tilespmem:s8+$0x14020]  }
0x358: {  	v9 =	vld [tilespmem:s8+$0x14030]  }
0x359: {  	v6 =	vld [tilespmem:s8+$0x14040];
	v0 =	vmul.f32 $2.000000090e-03, v0  }
0x35a: {  	v5 =	vld [tilespmem:s8+$0x14050]  }
0x35b: {  	v3 =	vld [tilespmem:s8+$0x14060];
	v2 =	vadd.f32 v0, v2  }
0x35c: {  	v7 =	vld [tilespmem:s8+$0x4000];
	v4 =	vmul.f32 $2.000000090e-03, v4;
	v0 =	vmul.f32 $2.000000090e-03, v1  }
0x35d: {  	s9 =	simm.s32 $0x0;
	v1 =	vmul.f32 $2.000000090e-03, v8;
	v8 =	vld [tilespmem:s8+$0x4010];
	[tilespmem:s8+$0xC070] =	vst v2;
	v2 =	vmul.f32 $2.000000090e-03, v9  }
.LBB2_28:
0x35e: {  	s9 =	sadd.s32 $0x8, s9;
	v9 =	vld [tilespmem:s8+$0x4020];
	v6 =	vmul.f32 $2.000000090e-03, v6  }
0x35f: {  	s18 =	sadd.s32 $0x400, s18;
	s10 =	sshll.u32 s9, $0x4;
	p0 =	slt.u32 s9, $0x3F8;
	v10 =	vld [tilespmem:s8+$0x4030];
	v5 =	vmul.f32 $2.000000090e-03, v5  }
0x360: {  	s23 =	sand.u32 $0x1C00, s18;
	s29 =	sshll.u32 s9, $0x1;
	s10 =	sand.u32 $0x2000, s10;
	v11 =	vld [tilespmem:s8+$0x4040];
	v3 =	vmul.f32 $2.000000090e-03, v3  }
0x361: {  	s10 =	sor.u32 s23, s10;
	s23 =	sand.u32 $0x380, s29;
	v0 =	vadd.f32 v0, v7;
	v7 =	vld [tilespmem:s8+$0x4050]  }
0x362: {  	s10 =	sor.u32 s23, s10;
	v4 =	vadd.f32 v4, v8;
	v8 =	vld [tilespmem:s8+$0x4060]  }
0x363: {  	v12 =	vld [tilespmem:s10+$0x14070];
	[tilespmem:s8+$0xC000] =	vst v0;
	v0 =	vadd.f32 v1, v9  }
0x364: {  	v1 =	vld [tilespmem:s10+$0x14000];
	[tilespmem:s8+$0xC010] =	vst v4;
	v2 =	vadd.f32 v2, v10  }
0x365: {  	v4 =	vld [tilespmem:s10+$0x4070];
	[tilespmem:s8+$0xC020] =	vst v0;
	v0 =	vadd.f32 v6, v11  }
0x366: {  	v9 =	vld [tilespmem:s10+$0x14010];
	[tilespmem:s8+$0xC030] =	vst v2;
	v2 =	vadd.f32 v5, v7  }
0x367: {  	v10 =	vld [tilespmem:s10+$0x14020];
	[tilespmem:s8+$0xC040] =	vst v0;
	v3 =	vadd.f32 v3, v8  }
0x368: {  	v11 =	vld [tilespmem:s10+$0x14030];
	v7 =	vmul.f32 $2.000000090e-03, v12;
	[tilespmem:s8+$0xC050] =	vst v2  }
.Ltmp13:
0x369: {  	v0 =	vmul.f32 $2.000000090e-03, v1;
	v6 =	vld [tilespmem:s10+$0x14040];
	[tilespmem:s8+$0xC060] =	vst v3;
	s8 =	smov.u32 s10;
	(pc) =	sbr.rel @p0 .LBB2_28-.Ltmp13, $4  }
0x36a: {  	v5 =	vld [tilespmem:s8+$0x14050];
	v2 =	vadd.f32 v7, v4  }
0x36b: {  	v4 =	vmul.f32 $2.000000090e-03, v9;
	v3 =	vld [tilespmem:s8+$0x14060]  }
0x36c: {  	v7 =	vld [tilespmem:s8+$0x4000];
	v1 =	vmul.f32 $2.000000090e-03, v10;
	[tilespmem:s8+$0xC070] =	vst v2  }
0x36d: {  	v8 =	vld [tilespmem:s8+$0x4010];
	v2 =	vmul.f32 $2.000000090e-03, v11  }
0x36e: {  	v9 =	vld [tilespmem:s8+$0x4020]  }
0x36f: {  	v10 =	vld [tilespmem:s8+$0x4030]  }
0x370: {  	v11 =	vld [tilespmem:s8+$0x4040]  }
0x371: {  	v0 =	vadd.f32 v0, v7;
	v7 =	vld [tilespmem:s8+$0x4050]  }
0x372: {  	v4 =	vadd.f32 v4, v8;
	v8 =	vld [tilespmem:s8+$0x4060]  }
0x373: {  	v6 =	vmul.f32 $2.000000090e-03, v6;
	[tilespmem:s8+$0xC000] =	vst v0;
	v0 =	vadd.f32 v1, v9  }
0x374: {  	v1 =	vmul.f32 $2.000000090e-03, v5;
	v2 =	vadd.f32 v2, v10;
	[tilespmem:s8+$0xC010] =	vst v4  }
0x375: {  	v3 =	vmul.f32 $2.000000090e-03, v3;
	[tilespmem:s8+$0xC020] =	vst v0;
	v0 =	vadd.f32 v6, v11  }
0x376: {  	[tilespmem:s8+$0xC030] =	vst v2;
	v1 =	vadd.f32 v1, v7  }
0x377: {  	[tilespmem:s8+$0xC040] =	vst v0;
	v0 =	vadd.f32 v3, v8  }
0x378: {  	[tilespmem:s8+$0xC050] =	vst v1  }
0x379: {  	[tilespmem:s8+$0xC060] =	vst v0  }
0x37a: {  	s8 =	rddreg [dreg:$0x1d]  }
0x37b: {  	s18 =	simm.s32 $0x0;
	s10 =	sld [smem:$0x7E0]  }
0x37c: {  	[hbm4b:s8+s18] =	stream.linear.scatter [tilespmem:s22], [sflag:$0x4], $0x4000, $0x38;
	[tilespmem:$0x18000] =	vst v63  }
0x37d: {  	_ = 	snop  }
0x37e: {  	[tilespmem:s0], [sflag:$0x2] =	stream.linear.gather [hbm4b:s10+s18], $0x4000, $0x38;
	[tilespmem:$0x18000] =	vst v63  }
0x37f: {  	_ =	swait.ge [sflag:s4], $0x4000  }
0x380: {  	[sflag:s4] =	ssyncset.done $0x0  }
0x381: {  	s23 =	simm.s32 $0x0;
	s9 =	sand.u32 $0x1C00, s18;
	[sflag:s4] =	ssyncadd.s32 $0xFFFFC000  }
0x382: {  	s8 =	sand.u32 $0x2000, s23;
	s10 =	simm.s32 $0x0;
	_ =	swait.ge [sflag:s6], $0x4000  }
0x383: {  	s8 =	sor.u32 s9, s8;
	s29 =	sand.u32 $0x380, s10;
	[sflag:s6] =	ssyncset.done $0x0  }
0x384: {  	s8 =	sor.u32 s29, s8;
	[sflag:s6] =	ssyncadd.s32 $0xFFFFC000  }
0x385: {  	v0 =	vld [tilespmem:s8+$0x14070]  }
0x386: {  	v1 =	vld [tilespmem:s8+$0x14000]  }
0x387: {  	v2 =	vld [tilespmem:s8+$0x70]  }
0x388: {  	v4 =	vld [tilespmem:s8+$0x14010]  }
0x389: {  	v8 =	vld [tilespmem:s8+$0x14020]  }
0x38a: {  	v9 =	vld [tilespmem:s8+$0x14030]  }
0x38b: {  	v6 =	vld [tilespmem:s8+$0x14040];
	v0 =	vmul.f32 $2.000000090e-03, v0  }
0x38c: {  	v5 =	vld [tilespmem:s8+$0x14050]  }
0x38d: {  	v3 =	vld [tilespmem:s8+$0x14060];
	v2 =	vadd.f32 v0, v2  }
0x38e: {  	v7 =	vld [tilespmem:s8+$0x0];
	v4 =	vmul.f32 $2.000000090e-03, v4;
	v0 =	vmul.f32 $2.000000090e-03, v1  }
0x38f: {  	s9 =	simm.s32 $0x0;
	v1 =	vmul.f32 $2.000000090e-03, v8;
	v8 =	vld [tilespmem:s8+$0x10];
	[tilespmem:s8+$0x8070] =	vst v2;
	v2 =	vmul.f32 $2.000000090e-03, v9  }
.LBB2_30:
0x390: {  	s9 =	sadd.s32 $0x8, s9;
	v9 =	vld [tilespmem:s8+$0x20];
	v6 =	vmul.f32 $2.000000090e-03, v6  }
0x391: {  	s18 =	sadd.s32 $0x400, s18;
	s10 =	sshll.u32 s9, $0x4;
	p0 =	slt.u32 s9, $0x3F8;
	v10 =	vld [tilespmem:s8+$0x30];
	v5 =	vmul.f32 $2.000000090e-03, v5  }
0x392: {  	s23 =	sand.u32 $0x1C00, s18;
	s29 =	sshll.u32 s9, $0x1;
	s10 =	sand.u32 $0x2000, s10;
	v11 =	vld [tilespmem:s8+$0x40];
	v3 =	vmul.f32 $2.000000090e-03, v3  }
0x393: {  	s10 =	sor.u32 s23, s10;
	s23 =	sand.u32 $0x380, s29;
	v0 =	vadd.f32 v0, v7;
	v7 =	vld [tilespmem:s8+$0x50]  }
0x394: {  	s10 =	sor.u32 s23, s10;
	v4 =	vadd.f32 v4, v8;
	v8 =	vld [tilespmem:s8+$0x60]  }
0x395: {  	v12 =	vld [tilespmem:s10+$0x14070];
	[tilespmem:s8+$0x8000] =	vst v0;
	v0 =	vadd.f32 v1, v9  }
0x396: {  	v1 =	vld [tilespmem:s10+$0x14000];
	[tilespmem:s8+$0x8010] =	vst v4;
	v2 =	vadd.f32 v2, v10  }
0x397: {  	v4 =	vld [tilespmem:s10+$0x70];
	[tilespmem:s8+$0x8020] =	vst v0;
	v0 =	vadd.f32 v6, v11  }
0x398: {  	v9 =	vld [tilespmem:s10+$0x14010];
	[tilespmem:s8+$0x8030] =	vst v2;
	v2 =	vadd.f32 v5, v7  }
0x399: {  	v10 =	vld [tilespmem:s10+$0x14020];
	[tilespmem:s8+$0x8040] =	vst v0;
	v3 =	vadd.f32 v3, v8  }
0x39a: {  	v11 =	vld [tilespmem:s10+$0x14030];
	v7 =	vmul.f32 $2.000000090e-03, v12;
	[tilespmem:s8+$0x8050] =	vst v2  }
.Ltmp14:
0x39b: {  	v0 =	vmul.f32 $2.000000090e-03, v1;
	v6 =	vld [tilespmem:s10+$0x14040];
	[tilespmem:s8+$0x8060] =	vst v3;
	s8 =	smov.u32 s10;
	(pc) =	sbr.rel @p0 .LBB2_30-.Ltmp14, $4  }
0x39c: {  	v5 =	vld [tilespmem:s8+$0x14050];
	v2 =	vadd.f32 v7, v4  }
0x39d: {  	v4 =	vmul.f32 $2.000000090e-03, v9;
	v3 =	vld [tilespmem:s8+$0x14060]  }
0x39e: {  	v7 =	vld [tilespmem:s8+$0x0];
	v1 =	vmul.f32 $2.000000090e-03, v10;
	[tilespmem:s8+$0x8070] =	vst v2  }
0x39f: {  	v8 =	vld [tilespmem:s8+$0x10];
	v2 =	vmul.f32 $2.000000090e-03, v11  }
0x3a0: {  	v9 =	vld [tilespmem:s8+$0x20]  }
0x3a1: {  	v10 =	vld [tilespmem:s8+$0x30]  }
0x3a2: {  	v11 =	vld [tilespmem:s8+$0x40]  }
0x3a3: {  	v0 =	vadd.f32 v0, v7;
	v7 =	vld [tilespmem:s8+$0x50]  }
0x3a4: {  	v4 =	vadd.f32 v4, v8;
	v8 =	vld [tilespmem:s8+$0x60]  }
0x3a5: {  	v6 =	vmul.f32 $2.000000090e-03, v6;
	[tilespmem:s8+$0x8000] =	vst v0;
	v0 =	vadd.f32 v1, v9  }
0x3a6: {  	v1 =	vmul.f32 $2.000000090e-03, v5;
	v2 =	vadd.f32 v2, v10;
	[tilespmem:s8+$0x8010] =	vst v4  }
0x3a7: {  	v3 =	vmul.f32 $2.000000090e-03, v3;
	[tilespmem:s8+$0x8020] =	vst v0;
	v0 =	vadd.f32 v6, v11  }
0x3a8: {  	[tilespmem:s8+$0x8030] =	vst v2;
	v1 =	vadd.f32 v1, v7  }
0x3a9: {  	[tilespmem:s8+$0x8040] =	vst v0;
	v0 =	vadd.f32 v3, v8  }
0x3aa: {  	[tilespmem:s8+$0x8050] =	vst v1  }
0x3ab: {  	[tilespmem:s8+$0x8060] =	vst v0  }
0x3ac: {  	s8 =	sld [smem:$0x7E1];
	_ =	sdelay $0x1  }
0x3ad: {  	s18 =	simm.s32 $0x0  }
0x3ae: {  	[hbm4b:s8+s18] =	stream.linear.scatter [tilespmem:s25], [sflag:$0x3], $0x4000, $0x38;
	[tilespmem:$0x18000] =	vst v63  }
0x3af: {  	_ =	swait.ge [sflag:s5], $0x4000  }
0x3b0: {  	[sflag:s5] =	ssyncset.done $0x0  }
0x3b1: {  	s23 =	simm.s32 $0x0;
	s10 =	simm.s32 $0x0;
	[sflag:s5] =	ssyncadd.s32 $0xFFFFC000  }
0x3b2: {  	s9 =	sand.u32 $0x1C00, s18;
	s8 =	sand.u32 $0x2000, s23;
	_ =	swait.ge [sflag:s26], $0x4000  }
0x3b3: {  	s29 =	sand.u32 $0x380, s10;
	s8 =	sor.u32 s9, s8;
	[sflag:s26] =	ssyncset.done $0x0  }
0x3b4: {  	s8 =	sor.u32 s29, s8;
	[sflag:s26] =	ssyncadd.s32 $0xFFFFC000  }
0x3b5: {  	v0 =	vld [tilespmem:s8+$0x14070]  }
0x3b6: {  	v1 =	vld [tilespmem:s8+$0x14000]  }
0x3b7: {  	v2 =	vld [tilespmem:s8+$0x4070]  }
0x3b8: {  	v4 =	vld [tilespmem:s8+$0x14010]  }
0x3b9: {  	v8 =	vld [tilespmem:s8+$0x14020]  }
0x3ba: {  	v9 =	vld [tilespmem:s8+$0x14030]  }
0x3bb: {  	v6 =	vld [tilespmem:s8+$0x14040];
	v0 =	vmul.f32 $2.000000090e-03, v0  }
0x3bc: {  	v5 =	vld [tilespmem:s8+$0x14050]  }
0x3bd: {  	v3 =	vld [tilespmem:s8+$0x14060];
	v2 =	vadd.f32 v0, v2  }
0x3be: {  	v7 =	vld [tilespmem:s8+$0x4000];
	v4 =	vmul.f32 $2.000000090e-03, v4;
	v0 =	vmul.f32 $2.000000090e-03, v1  }
0x3bf: {  	s9 =	simm.s32 $0x0;
	v1 =	vmul.f32 $2.000000090e-03, v8;
	v8 =	vld [tilespmem:s8+$0x4010];
	[tilespmem:s8+$0xC070] =	vst v2;
	v2 =	vmul.f32 $2.000000090e-03, v9  }
.LBB2_32:
0x3c0: {  	s9 =	sadd.s32 $0x8, s9;
	v9 =	vld [tilespmem:s8+$0x4020];
	v6 =	vmul.f32 $2.000000090e-03, v6  }
0x3c1: {  	s18 =	sadd.s32 $0x400, s18;
	s10 =	sshll.u32 s9, $0x4;
	p0 =	slt.u32 s9, $0x3F8;
	v10 =	vld [tilespmem:s8+$0x4030];
	v5 =	vmul.f32 $2.000000090e-03, v5  }
0x3c2: {  	s23 =	sand.u32 $0x1C00, s18;
	s29 =	sshll.u32 s9, $0x1;
	s10 =	sand.u32 $0x2000, s10;
	v11 =	vld [tilespmem:s8+$0x4040];
	v3 =	vmul.f32 $2.000000090e-03, v3  }
0x3c3: {  	s10 =	sor.u32 s23, s10;
	s23 =	sand.u32 $0x380, s29;
	v0 =	vadd.f32 v0, v7;
	v7 =	vld [tilespmem:s8+$0x4050]  }
0x3c4: {  	s10 =	sor.u32 s23, s10;
	v4 =	vadd.f32 v4, v8;
	v8 =	vld [tilespmem:s8+$0x4060]  }
0x3c5: {  	v12 =	vld [tilespmem:s10+$0x14070];
	[tilespmem:s8+$0xC000] =	vst v0;
	v0 =	vadd.f32 v1, v9  }
0x3c6: {  	v1 =	vld [tilespmem:s10+$0x14000];
	[tilespmem:s8+$0xC010] =	vst v4;
	v2 =	vadd.f32 v2, v10  }
0x3c7: {  	v4 =	vld [tilespmem:s10+$0x4070];
	[tilespmem:s8+$0xC020] =	vst v0;
	v0 =	vadd.f32 v6, v11  }
0x3c8: {  	v9 =	vld [tilespmem:s10+$0x14010];
	[tilespmem:s8+$0xC030] =	vst v2;
	v2 =	vadd.f32 v5, v7  }
0x3c9: {  	v10 =	vld [tilespmem:s10+$0x14020];
	[tilespmem:s8+$0xC040] =	vst v0;
	v3 =	vadd.f32 v3, v8  }
0x3ca: {  	v11 =	vld [tilespmem:s10+$0x14030];
	v7 =	vmul.f32 $2.000000090e-03, v12;
	[tilespmem:s8+$0xC050] =	vst v2  }
.Ltmp15:
0x3cb: {  	v0 =	vmul.f32 $2.000000090e-03, v1;
	v6 =	vld [tilespmem:s10+$0x14040];
	[tilespmem:s8+$0xC060] =	vst v3;
	s8 =	smov.u32 s10;
	(pc) =	sbr.rel @p0 .LBB2_32-.Ltmp15, $4  }
0x3cc: {  	v5 =	vld [tilespmem:s8+$0x14050];
	v2 =	vadd.f32 v7, v4  }
0x3cd: {  	v4 =	vmul.f32 $2.000000090e-03, v9;
	v3 =	vld [tilespmem:s8+$0x14060]  }
0x3ce: {  	v7 =	vld [tilespmem:s8+$0x4000];
	v1 =	vmul.f32 $2.000000090e-03, v10;
	[tilespmem:s8+$0xC070] =	vst v2  }
0x3cf: {  	v8 =	vld [tilespmem:s8+$0x4010];
	v2 =	vmul.f32 $2.000000090e-03, v11  }
0x3d0: {  	v9 =	vld [tilespmem:s8+$0x4020]  }
0x3d1: {  	v10 =	vld [tilespmem:s8+$0x4030]  }
0x3d2: {  	v11 =	vld [tilespmem:s8+$0x4040]  }
0x3d3: {  	v58 =	vld [tilespmem:s8+$0x4050];
	v0 =	vadd.f32 v0, v7  }
0x3d4: {  	v59 =	vld [tilespmem:s8+$0x4060];
	v4 =	vadd.f32 v4, v8  }
0x3d5: {  	v6 =	vmul.f32 $2.000000090e-03, v6;
	[tilespmem:s8+$0xC000] =	vst v0;
	v60 =	vadd.f32 v1, v9  }
0x3d6: {  	v61 =	vmul.f32 $2.000000090e-03, v5;
	v2 =	vadd.f32 v2, v10;
	[tilespmem:s8+$0xC010] =	vst v4  }
0x3d7: {  	v3 =	vmul.f32 $2.000000090e-03, v3;
	v62 =	vadd.f32 v6, v11;
	[tilespmem:s8+$0xC020] =	vst v60  }
0x3d8: {  	v1 =	vadd.f32 v61, v58;
	[tilespmem:s8+$0xC030] =	vst v2  }
0x3d9: {  	v63 =	vadd.f32 v3, v59;
	[tilespmem:s8+$0xC040] =	vst v62  }
0x3da: {  	[tilespmem:s8+$0xC050] =	vst v1  }
0x3db: {  	[tilespmem:s8+$0xC060] =	vst v63  }
0x3dc: {  	s8 =	sld [smem:$0x7E2];
	_ =	sdelay $0x2  }
0x3dd: {  	[hbm4b:s8+s1] =	stream.linear.scatter [tilespmem:s22], [sflag:$0x4], $0x4000, $0x38;
	[tilespmem:$0x18000] =	vst v63  }
0x3de: {  	_ =	swait.ge [sflag:s6], $0x4000  }
0x3df: {  	[sflag:s6] =	ssyncset.done $0x0  }
0x3e0: {  	[sflag:s6] =	ssyncadd.s32 $0xFFFFC000  }
0x3e1: {  	_ =	swait.ge [sflag:s26], $0x4000  }
0x3e2: {  	s29 =	sld [smem:$0x7E3];
	_ =	sdelay $0x1  }
0x3e3: {  	s28 =	sadd.s32 $0x1, s28  }
0x3e4: {  	p0 =	sne.s32 s28, s29  }
.Ltmp16:
0x3e5: {  	_ = 	snop;
	(pc) =	sbr.rel @p0 .LBB2_1-.Ltmp16, $3  }
0x3e6: {  	_ =	sdelay $0x1  }
0x3e7: {  	[sflag:s26] =	ssyncset.done $0x0  }
0x3e8: {  	[sflag:s26] =	ssyncadd.s32 $0xFFFFC000  }
0x3e9: {  	_ =	sfence.sel $0x180000  }
0x3ea: {  	[bflag:$0x0] =	sbarrier.arrive $0xFFFF  }
0x3eb: {  	_ =	strace $0x90000047  }
0x3ec: {  	s0 =	stileid.u32;
	[bflag:$0x2] =	sbarrier.arrive $0xFFFF  }
0x3ed: {  	p0 =	sne.s32 s0, $0x0;
	s0 =	rddreg [dreg:$0x3]  }
0x3ee: {  	s0 =	sadd.s32 @!p0 $0x100000, s0  }
0x3ef: {  	[sflag:s0] =	ssyncadd.tile.s32 @!p0 $0x1;
	_ =	shalt  }
.Lfunc_end2:
_tile_overlayer_lowered:
.L_overlay_start_2:
0x3f0: {  	(tag) =	ssettag $0x2  }
0x3f1: {  	s0 =	rddreg [dreg:$0x0];
	s2 =	stileid.u32  }
0x3f2: {  	s1 =	rddreg [dreg:$0x1];
	p0 =	sne.s32 s2, $0x0  }
0x3f3: {  	s3 =	rddreg [dreg:$0x2];
	[bflag:$0x3] =	sbarrier.arrive $0xFFFF;
	s2 =	simm.s32 @!p0 $0x1C07  }
0x3f4: {  	[timem:s3], [sflag:s2] =	dma.local @!p0 [hbm:s0], s1  }
0x3f5: {  	s0 =	simm.s32 @!p0 $0x7  }
0x3f6: {  	_ =	swait.ge @!p0 [sflag:s0], s1  }
0x3f7: {  	s1 =	ssub.s32 @!p0 $0x0, s1;
	[sflag:s0] =	ssyncset.done @!p0 $0x0  }
0x3f8: {  	[sflag:s0] =	ssyncadd.s32 @!p0 s1  }
0x3f9: {  	[bflag:$0x3] =	sbarrier.arrive $0xFFFF  }
0x3fa: {  	_ =	shalt  }

</sc_bundles>
